<compile_context>
chip_gen: v7x
topology: tpu7x:2x2x1
jax: 0.10.2.dev20260603
libtpu: 0.0.44.dev20260713+nightly
codegen_flags: <defaults>
</compile_context>

<pallas_src>
import functools
import math

import jax
import jax.numpy as jnp
import numpy as np
from jax import lax
from jax.experimental import pallas as pl
from jax.experimental.pallas import tpu as pltpu
from jax.experimental.pallas import tpu_sc as plsc

_ANCH = np.array(
    [[[16.2, 14.4], [41.1, 33.3], [74.1, 57.6]],
     [[110.4, 84.0], [146.4, 107.1], [180.3, 132.6]],
     [[226.0, 129.3], [214.8, 188.8], [278.2, 173.3]]], dtype=np.float32)
_BAL = (4.0, 1.0, 0.25)
_GAMMA = 1.5
_ANCHOR_T = 4.0
_IMG = 640.0

_B = 32
_NA = 3
_NO = 5
_NT = 512
_HW = ((80, 80), (40, 40), (20, 20))
_SA = [ _ANCH[i] / (_IMG / max(h, w)) for i, (h, w) in enumerate(_HW) ]

_NROW = _NO * _NA
_NCAND = _NROW * _NT
_NPAD = 64 * 128
_NW = 32
_GPW = _NO * _NPAD // _NW
_CHUNK = 128
_NCHUNK = _GPW // _CHUNK


def _prep_compute(t_ref, g0, g1, g2, m0, m1, m2):
    def field(f):
        blk = t_ref[pl.ds(8 * f, 8), :]
        return jnp.concatenate([blk[0:4]] * 16, axis=0)

    img = field(0)
    x = field(2)
    y = field(3)
    w = field(4)
    h = field(5)
    r_i = lax.broadcasted_iota(jnp.int32, (64, 128), 0)
    kr = r_i // 4
    k = kr // _NA
    a = kr - _NA * k
    b = img.astype(jnp.int32)

    for (gref, mref, (H, W), sa) in ((g0, m0, _HW[0], _SA[0]),
                                     (g1, m1, _HW[1], _SA[1]),
                                     (g2, m2, _HW[2], _SA[2])):
        Wf, Hf = jnp.float32(W), jnp.float32(H)
        gx = x * Wf
        gy = y * Hf
        gw = w * Wf
        gh = h * Hf
        aw = jnp.where(a == 0, sa[0, 0], jnp.where(a == 1, sa[1, 0], sa[2, 0]))
        ah = jnp.where(a == 0, sa[0, 1], jnp.where(a == 1, sa[1, 1], sa[2, 1]))
        rw = gw / aw
        rh = gh / ah
        rr = jnp.maximum(jnp.maximum(rw, 1.0 / rw), jnp.maximum(rh, 1.0 / rh))
        jsel = rr < _ANCHOR_T
        jj = ((gx - jnp.floor(gx)) < 0.5) & (gx > 1.0)
        kk = ((gy - jnp.floor(gy)) < 0.5) & (gy > 1.0)
        gxi = Wf - gx
        gyi = Hf - gy
        ll = ((gxi - jnp.floor(gxi)) < 0.5) & (gxi > 1.0)
        mm = ((gyi - jnp.floor(gyi)) < 0.5) & (gyi > 1.0)
        jm = ((k == 0) | ((k == 1) & jj) | ((k == 2) & kk)
              | ((k == 3) & ll) | ((k == 4) & mm))
        mask = (jm & jsel).astype(jnp.float32)
        offx = jnp.where(k == 1, 0.5, 0.0) + jnp.where(k == 3, -0.5, 0.0)
        offy = jnp.where(k == 2, 0.5, 0.0) + jnp.where(k == 4, -0.5, 0.0)
        gsx = gx - offx
        gsy = gy - offy
        gijx = gsx.astype(jnp.int32)
        gijy = gsy.astype(jnp.int32)
        gi = jnp.clip(gijx, 0, W - 1)
        gj = jnp.clip(gijy, 0, H - 1)
        tx = gx - gijx.astype(jnp.float32)
        ty = gy - gijy.astype(jnp.float32)
        base = ((b * 15 + a * _NO) * H + gj) * W + gi
        gref[...] = jnp.concatenate(
            [base + c * (H * W) for c in range(_NO)], axis=0)
        mref[...] = jnp.concatenate(
            [mask, tx, ty, gw, gh, aw, ah,
             jnp.zeros((64, 128), jnp.float32)], axis=0)


def _prep(t48):
    shp_g = jax.ShapeDtypeStruct((_NO * 64, 128), jnp.int32)
    shp_m = jax.ShapeDtypeStruct((8 * 64, 128), jnp.float32)
    return pl.pallas_call(
        _prep_compute,
        out_shape=(shp_g, shp_g, shp_g, shp_m, shp_m, shp_m),
    )(t48)


def _objsum_body(p0r, p1r, p2r, s_ref):
    ci = pl.program_id(0)

    @pl.when(ci == 0)
    def _():
        s_ref[0, 0] = 0.0
        s_ref[0, 1] = 0.0
        s_ref[0, 2] = 0.0
        s_ref[0, 3] = 0.0

    s_ref[0, 0] += jnp.sum(_softplus(p0r[...]))
    s_ref[0, 1] += jnp.sum(_softplus(p1r[...]))
    s_ref[0, 2] += jnp.sum(_softplus(p2r[...]))


def _objsum(p0, p1, p2):
    in_specs = [
        pl.BlockSpec((_B, 1, hh, ww), lambda c: (0, 5 * c + 4, 0, 0))
        for (hh, ww) in _HW
    ]
    return pl.pallas_call(
        _objsum_body,
        grid=(3,),
        in_specs=in_specs,
        out_specs=pl.BlockSpec(memory_space=pltpu.SMEM),
        out_shape=jax.ShapeDtypeStruct((1, 4), jnp.float32),
    )(p0, p1, p2)


def _sc_gather_body(p0h, p1h, p2h, g0h, g1h, g2h, o0h, o1h, o2h,
                    i0, i1, i2, v0, v1, v2, sem):
    wid = lax.axis_index("s") * 2 + lax.axis_index("c")
    base = wid * _GPW
    trip = ((p0h, g0h, o0h, i0, v0), (p1h, g1h, o1h, i1, v1),
            (p2h, g2h, o2h, i2, v2))
    lds = [pltpu.async_copy(gh.at[pl.ds(base, _GPW)], iv, sem)
           for (_, gh, _, iv, _) in trip]
    for c in lds:
        c.wait()
    gs = [pltpu.async_copy(ph.at[iv.at[pl.ds(j * _CHUNK, _CHUNK)]],
                           vv.at[pl.ds(j * _CHUNK, _CHUNK)], sem)
          for (ph, _, _, iv, vv) in trip
          for j in range(_NCHUNK)]
    for c in gs:
        c.wait()
    ws = [pltpu.async_copy(vv, oh.at[pl.ds(base, _GPW)], sem)
          for (_, _, oh, _, vv) in trip]
    for c in ws:
        c.wait()


def _sc_gather(p0f, p1f, p2f, g0, g1, g2):
    mesh = plsc.VectorSubcoreMesh(core_axis_name="c", subcore_axis_name="s")
    out = jax.ShapeDtypeStruct((_NO * _NPAD,), jnp.float32)
    fn = functools.partial(
        pl.kernel,
        out_type=[out, out, out],
        mesh=mesh,
        scratch_types=[
            pltpu.VMEM((_GPW,), jnp.int32),
            pltpu.VMEM((_GPW,), jnp.int32),
            pltpu.VMEM((_GPW,), jnp.int32),
            pltpu.VMEM((_GPW,), jnp.float32),
            pltpu.VMEM((_GPW,), jnp.float32),
            pltpu.VMEM((_GPW,), jnp.float32),
            pltpu.SemaphoreType.DMA,
        ],
    )(_sc_gather_body)
    return fn(p0f, p1f, p2f, g0.reshape(-1), g1.reshape(-1), g2.reshape(-1))


def _sigmoid(v):
    return 1.0 / (1.0 + jnp.exp(-v))


_ATAN_C = (1.0, -0.3333312, 0.19993716, -0.14213197, 0.10681421,
           -0.0759681, 0.0438556, -0.01682745, 0.003049968)


def _atan_pos(x):
    inv = x > 1.0
    z = jnp.where(inv, 1.0 / x, x)
    z2 = z * z
    acc = jnp.full_like(z2, _ATAN_C[-1])
    for c in _ATAN_C[-2::-1]:
        acc = acc * z2 + c
    r = z * acc
    return jnp.where(inv, (math.pi / 2) - r, r)


def _math_body(ps0, ps1, ps2, m0, m1, m2, out_ref):
    eps = jnp.float32(1e-7)
    for l, (psr, mr) in enumerate(((ps0, m0), (ps1, m1), (ps2, m2))):
        px, py, pw, ph, xo = (psr[pl.ds(c * 64, 64), :] for c in range(_NO))
        mask, tx, ty, tw, th, aw, ah = (mr[pl.ds(c * 64, 64), :]
                                        for c in range(7))
        bx = _sigmoid(px) * 2.0 - 0.5
        by = _sigmoid(py) * 2.0 - 0.5
        bw = (_sigmoid(pw) * 2.0) ** 2 * aw
        bh = (_sigmoid(ph) * 2.0) ** 2 * ah
        b1x1, b1x2 = bx - bw / 2, bx + bw / 2
        b1y1, b1y2 = by - bh / 2, by + bh / 2
        b2x1, b2x2 = tx - tw / 2, tx + tw / 2
        b2y1, b2y2 = ty - th / 2, ty + th / 2
        iw = jnp.clip(jnp.minimum(b1x2, b2x2) - jnp.maximum(b1x1, b2x1), 0.0, None)
        ih = jnp.clip(jnp.minimum(b1y2, b2y2) - jnp.maximum(b1y1, b2y1), 0.0, None)
        inter = iw * ih
        union = jnp.clip(bw * bh + tw * th - inter + eps, eps, None)
        iou = jnp.clip(inter / union, 0.0, 1.0)
        cw = jnp.maximum(b1x2, b2x2) - jnp.minimum(b1x1, b2x1)
        chh = jnp.maximum(b1y2, b2y2) - jnp.minimum(b1y1, b2y1)
        c2 = jnp.clip(cw ** 2 + chh ** 2 + eps, eps, None)
        rho2 = ((b2x1 + b2x2 - b1x1 - b1x2) ** 2
                + (b2y1 + b2y2 - b1y1 - b1y2) ** 2) / c2
        v = (4.0 / math.pi ** 2) * (_atan_pos(tw / (th + eps))
                                    - _atan_pos(bw / (bh + eps))) ** 2
        alpha = v / (v - iou + 1.0 + eps)
        vc = jnp.clip(iou - (rho2 + v * alpha), 0.0, 1.0)
        u = 1.0 - vc
        out_ref[l, 0] = jnp.sum(mask * (u * jnp.sqrt(u)))
        out_ref[l, 1] = jnp.sum(mask)
        out_ref[l, 2] = jnp.sum(mask * xo * vc)
        out_ref[l, 3] = 0.0


def _math(ps0, ps1, ps2, m0, m1, m2):
    return pl.pallas_call(
        _math_body,
        out_shape=jax.ShapeDtypeStruct((3, 4), jnp.float32),
        out_specs=pl.BlockSpec(memory_space=pltpu.SMEM),
    )(ps0, ps1, ps2, m0, m1, m2)


def _softplus(x):
    return jnp.maximum(x, 0.0) + jnp.log1p(jnp.exp(-jnp.abs(x)))


def kernel(p0, p1, p2, targets):
    t48 = jnp.pad(targets.T.reshape(6, 4, 128),
                  ((0, 0), (0, 4), (0, 0))).reshape(48, 128)
    g0, g1, g2, m0, m1, m2 = _prep(t48)
    o0, o1, o2 = _sc_gather(p0.reshape(-1), p1.reshape(-1), p2.reshape(-1),
                            g0, g1, g2)
    obj = _objsum(p0, p1, p2)
    ps = [o.reshape(_NO * 64, 128) for o in (o0, o1, o2)]
    sums = _math(*ps, m0, m1, m2)

    loss0 = jnp.float32(0.0)
    loss1 = jnp.float32(0.0)
    for l, (hh, ww) in enumerate(_HW):
        n = jnp.float32(_B * _NA * hh * ww)
        box = sums[l, 0] / jnp.maximum(sums[l, 1], 1.0)
        objl = (obj[0, l] - sums[l, 2]) / n
        loss0 = loss0 + box * _BAL[l]
        loss1 = loss1 + objl * _BAL[l]
    loss0 = loss0 * 0.05
    loss0 = jnp.where(jnp.isnan(loss0), jnp.float32(0.1), loss0)
    loss1 = jnp.where(jnp.isnan(loss1), jnp.float32(0.1), loss1)
    total = loss0 + loss1
    total = jnp.where(jnp.isnan(total), jnp.float32(1.0), total)
    return (total, lax.stop_gradient(jnp.stack([loss0, loss1])))

# --- scband reference (transcript-rebuilt; emitter-appended) ---
"""Pipeline reference for scband-yololoss-20779051778453 (READ-ONLY COPY).

The authoritative reference and input builder live on the scoring server;
editing this copy changes nothing except your own understanding.
"""

import math
import jax, jax.numpy as jnp
import numpy as np

IMG_SIZE = 640
ANCHORS = np.array([[[16.2,14.4],[41.1,33.3],[74.1,57.6]],[[110.4,84.0],[146.4,107.1],[180.3,132.6]],[[226.0,129.3],[214.8,188.8],[278.2,173.3]]], dtype=np.float32)
BALANCE = [4.0, 1.0, 0.25]
ANCHOR_T = 4.0
GAMMA = 1.5

def setup_inputs(seed: int = 0):
    key = jax.random.key(seed)
    k0, k1, k2 = jax.random.split(key, 3)
    B = 32
    p0 = jax.random.normal(k0, (B, 15, 80, 80), jnp.float32)
    p1 = jax.random.normal(k1, (B, 15, 40, 40), jnp.float32)
    p2 = jax.random.normal(k2, (B, 15, 20, 20), jnp.float32)
    rng = np.random.default_rng(0)
    nt = 512
    img = rng.integers(0, B, nt).astype(np.float32)
    cls = np.zeros(nt, np.float32)
    xy = rng.uniform(0.05, 0.95, (nt, 2)).astype(np.float32)
    wh = rng.uniform(0.02, 0.3, (nt, 2)).astype(np.float32)
    targets = jnp.asarray(np.concatenate([img[:, None], cls[:, None], xy, wh], axis=1))
    return {'p0': p0, 'p1': p1, 'p2': p2, 'targets': targets}

def _prepare_predictions(p_raw):
    out = []
    for x in p_raw:
        B, C, H, W = x.shape
        na, no = 3, 5
        out.append(jnp.transpose(x.reshape(B, na, no, H, W), (0, 1, 3, 4, 2)))
    return out

def _build_targets(p_shapes, targets, scaled_anchors):
    na = 3
    nt = targets.shape[0]
    tbox, indices, anch, masks = [], [], [], []
    ai = jnp.tile(jnp.arange(na, dtype=jnp.float32).reshape(na, 1), (1, nt))
    t_all = jnp.concatenate((jnp.tile(targets[None], (na, 1, 1)), ai[..., None]), axis=2)
    g = 0.5
    off = jnp.array([[0, 0], [1, 0], [0, 1], [-1, 0], [0, -1]], dtype=jnp.float32) * g
    for i, (H, W) in enumerate(p_shapes):
        anchors_i = jnp.asarray(scaled_anchors[i])
        gain = jnp.array([1.0, 1.0, W, H, W, H, 1.0], dtype=jnp.float32)
        t3 = t_all * gain
        r = t3[..., 4:6] / anchors_i[:, None, :]
        jsel = jnp.maximum(r, 1.0 / r).max(2) < ANCHOR_T
        t = t3.reshape(na * nt, 7)
        jflat = jsel.reshape(na * nt)
        gxy = t[:, 2:4]
        gxi = gain[2:4] - gxy
        jk = (gxy % 1.0 < g) & (gxy > 1.0)
        lm = (gxi % 1.0 < g) & (gxi > 1.0)
        jj, kk = jk[:, 0], jk[:, 1]
        ll, mm = lm[:, 0], lm[:, 1]
        jmask = jnp.stack((jnp.ones_like(jj), jj, kk, ll, mm))
        mask = (jmask & jflat[None, :]).reshape(5 * na * nt)
        t5 = jnp.tile(t[None], (5, 1, 1)).reshape(5 * na * nt, 7)
        offsets = jnp.broadcast_to(off[:, None, :], (5, na * nt, 2)).reshape(5 * na * nt, 2)
        b = t5[:, 0].astype(jnp.int32)
        gxy5 = t5[:, 2:4]
        gwh5 = t5[:, 4:6]
        gij = (gxy5 - offsets).astype(jnp.int32)
        gi = jnp.clip(gij[:, 0], 0, W - 1)
        gj = jnp.clip(gij[:, 1], 0, H - 1)
        a = t5[:, 6].astype(jnp.int32)
        indices.append((b, a, gj, gi))
        tbox.append(jnp.concatenate((gxy5 - gij.astype(jnp.float32), gwh5), axis=1))
        anch.append(anchors_i[a])
        masks.append(mask)
    return tbox, indices, anch, masks

def _bbox_iou(box1, box2, GIoU=False, CIoU=False, eps=1e-7):
    x1, y1, w1, h1 = jnp.split(box1, 4, -1)
    x2, y2, w2, h2 = jnp.split(box2, 4, -1)
    b1_x1, b1_x2, b1_y1, b1_y2 = x1 - w1 / 2, x1 + w1 / 2, y1 - h1 / 2, y1 + h1 / 2
    b2_x1, b2_x2, b2_y1, b2_y2 = x2 - w2 / 2, x2 + w2 / 2, y2 - h2 / 2, y2 + h2 / 2
    inter = jnp.clip(jnp.minimum(b1_x2, b2_x2) - jnp.maximum(b1_x1, b2_x1), 0.0, None) * jnp.clip(jnp.minimum(b1_y2, b2_y2) - jnp.maximum(b1_y1, b2_y1), 0.0, None)
    union = jnp.clip(w1 * h1 + w2 * h2 - inter + eps, eps, None)
    iou = jnp.clip(inter / union, 0.0, 1.0)
    if CIoU or GIoU:
        cw = jnp.maximum(b1_x2, b2_x2) - jnp.minimum(b1_x1, b2_x1)
        ch = jnp.maximum(b1_y2, b2_y2) - jnp.minimum(b1_y1, b2_y1)
        if CIoU:
            c2 = jnp.clip(cw ** 2 + ch ** 2 + eps, eps, None)
            rho2 = ((b2_x1 + b2_x2 - b1_x1 - b1_x2) ** 2 + (b2_y1 + b2_y2 - b1_y1 - b1_y2) ** 2) / c2
            v = 4.0 / math.pi ** 2 * (jnp.arctan(w2 / (h2 + eps)) - jnp.arctan(w1 / (h1 + eps))) ** 2
            alpha = jax.lax.stop_gradient(v / (v - iou + 1.0 + eps))
            iou = iou - (rho2 + v * alpha)
        else:
            c_area = cw * ch + eps
            iou = iou - (c_area - union) / c_area
    return iou

def _bce_logits(x, t):
    return jnp.maximum(x, 0.0) - x * t + jnp.log1p(jnp.exp(-jnp.abs(x)))

def _loss_from_preds(p, tbox, indices, anch, masks):
    loss0 = jnp.float32(0.0)
    loss1 = jnp.float32(0.0)
    for i, pi in enumerate(p):
        B, na, H, W, no = pi.shape
        b, a, gj, gi = indices[i]
        mask = masks[i]
        tobj = jnp.zeros((B, na, H, W), pi.dtype)
        ps = pi[b, a, gj, gi]
        pxy = jax.nn.sigmoid(ps[:, 0:2]) * 2.0 - 0.5
        pwh = (jax.nn.sigmoid(ps[:, 2:4]) * 2.0) ** 2 * anch[i]
        pbox = jnp.concatenate((pxy, pwh), axis=1)
        iou_ciou = jnp.clip(_bbox_iou(pbox, tbox[i], CIoU=True)[:, 0], 0.0, 1.0)
        iou_giou = jnp.clip(_bbox_iou(pbox, tbox[i], GIoU=True)[:, 0], -1.0, 1.0)
        iou_raw = jnp.clip(_bbox_iou(pbox, tbox[i])[:, 0], 0.0, 1.0)
        cnt = jnp.sum(mask.astype(pi.dtype))
        box_loss = jnp.sum(jnp.where(mask, (1.0 - iou_ciou) ** GAMMA, jnp.float32(0.0))) / jnp.maximum(cnt, 1.0)
        bset = jnp.where(mask, b, B)
        tobj = tobj.at[bset, a, gj, gi].set(jax.lax.stop_gradient(iou_ciou).astype(pi.dtype), mode='drop')
        obj_loss = jnp.mean(_bce_logits(pi[..., 4], tobj))
        bal = BALANCE[min(i, len(BALANCE) - 1)]
        loss0 = loss0 + box_loss * bal
        loss1 = loss1 + obj_loss * bal
    loss0 = loss0 * 0.05
    loss1 = loss1 * 1.0
    loss0 = jnp.where(jnp.isnan(loss0), jnp.float32(0.1), loss0)
    loss1 = jnp.where(jnp.isnan(loss1), jnp.float32(0.1), loss1)
    total = loss0 + loss1
    total = jnp.where(jnp.isnan(total), jnp.float32(1.0), total)
    return total, jnp.stack([loss0, loss1])

def reference(p0, p1, p2, targets):
    p = _prepare_predictions([p0, p1, p2])
    strides = [IMG_SIZE / max(pi.shape[2], pi.shape[3]) for pi in p]
    scaled_anchors = [ANCHORS[i] / strides[i] for i in range(3)]
    p_shapes = [(pi.shape[2], pi.shape[3]) for pi in p]
    tbox, indices, anch, masks = _build_targets(p_shapes, targets, scaled_anchors)
    total, loss = _loss_from_preds(p, tbox, indices, anch, masks)
    return (total, jax.lax.stop_gradient(loss))

if __name__ == "__main__":
    import jax
    _d = setup_inputs()
    print(jax.jit(kernel)(*tuple(_d.values())))

</pallas_src>

<mosaic_0001>
#map = affine_map<(d0, d1) -> (0)>
module attributes {stable_mosaic.version = 14 : i64} {
  func.func @_sc_gather_body(%arg0: i32, %arg1: i32, %arg2: memref<3072000xf32, #tpu.memory_space<hbm>>, %arg3: memref<768000xf32, #tpu.memory_space<hbm>>, %arg4: memref<192000xf32, #tpu.memory_space<hbm>>, %arg5: memref<40960xi32, #tpu.memory_space<hbm>>, %arg6: memref<40960xi32, #tpu.memory_space<hbm>>, %arg7: memref<40960xi32, #tpu.memory_space<hbm>>, %arg8: memref<40960xf32, #tpu.memory_space<hbm>>, %arg9: memref<40960xf32, #tpu.memory_space<hbm>>, %arg10: memref<40960xf32, #tpu.memory_space<hbm>>, %arg11: memref<1280xi32, #tpu.memory_space<vmem>>, %arg12: memref<1280xi32, #tpu.memory_space<vmem>>, %arg13: memref<1280xi32, #tpu.memory_space<vmem>>, %arg14: memref<1280xf32, #tpu.memory_space<vmem>>, %arg15: memref<1280xf32, #tpu.memory_space<vmem>>, %arg16: memref<1280xf32, #tpu.memory_space<vmem>>, %arg17: memref<!tpu.dma_semaphore, #tpu.memory_space<semaphore_mem>>) attributes {dimension_semantics = [#tpu.dimension_semantics<core_parallel>, #tpu.dimension_semantics<subcore_parallel>], iteration_bounds = array<i64: 2, 16>, scalar_prefetch = 0 : i64, scratch_operands = 7 : i64, tpu.core_type = #tpu.core_type<sc_vector_subcore>, window_params = [{transform_indices = #map}, {transform_indices = #map}, {transform_indices = #map}, {transform_indices = #map}, {transform_indices = #map}, {transform_indices = #map}, {transform_indices = #map}, {transform_indices = #map}, {transform_indices = #map}]} {
    %mul3A = arith.constant 2 : i32
    %mul3A_0 = arith.muli %arg1, %mul3A : i32
    %add3A = arith.addi %mul3A_0, %arg0 : i32
    %mul3A_1 = arith.constant 1280 : i32
    %mul3A_2 = arith.muli %add3A, %mul3A_1 : i32
    %dma_start3A = tpu.memref_slice %arg5[%mul3A_2] : memref<40960xi32, #tpu.memory_space<hbm>> -> memref<1280xi32, #tpu.memory_space<hbm>>
    %dma_start3A_3 = tpu.memref_slice %arg5[%mul3A_2] : memref<40960xi32, #tpu.memory_space<hbm>> -> memref<1280xi32, #tpu.memory_space<hbm>>
    tpu.enqueue_dma source(%dma_start3A_3 : memref<1280xi32, #tpu.memory_space<hbm>>) target(%arg11 : memref<1280xi32, #tpu.memory_space<vmem>>) target_semaphore(%arg17 : memref<!tpu.dma_semaphore, #tpu.memory_space<semaphore_mem>>)
    %dma_start3A_4 = tpu.memref_slice %arg6[%mul3A_2] : memref<40960xi32, #tpu.memory_space<hbm>> -> memref<1280xi32, #tpu.memory_space<hbm>>
    %dma_start3A_5 = tpu.memref_slice %arg6[%mul3A_2] : memref<40960xi32, #tpu.memory_space<hbm>> -> memref<1280xi32, #tpu.memory_space<hbm>>
    tpu.enqueue_dma source(%dma_start3A_5 : memref<1280xi32, #tpu.memory_space<hbm>>) target(%arg12 : memref<1280xi32, #tpu.memory_space<vmem>>) target_semaphore(%arg17 : memref<!tpu.dma_semaphore, #tpu.memory_space<semaphore_mem>>)
    %dma_start3A_6 = tpu.memref_slice %arg7[%mul3A_2] : memref<40960xi32, #tpu.memory_space<hbm>> -> memref<1280xi32, #tpu.memory_space<hbm>>
    %dma_start3A_7 = tpu.memref_slice %arg7[%mul3A_2] : memref<40960xi32, #tpu.memory_space<hbm>> -> memref<1280xi32, #tpu.memory_space<hbm>>
    tpu.enqueue_dma source(%dma_start3A_7 : memref<1280xi32, #tpu.memory_space<hbm>>) target(%arg13 : memref<1280xi32, #tpu.memory_space<vmem>>) target_semaphore(%arg17 : memref<!tpu.dma_semaphore, #tpu.memory_space<semaphore_mem>>)
    %dma_wait3A = tpu.memref_slice %arg5[%mul3A_2] : memref<40960xi32, #tpu.memory_space<hbm>> -> memref<1280xi32, #tpu.memory_space<hbm>>
    %dma_wait3A_8 = tpu.memref_slice %arg5[%mul3A_2] : memref<40960xi32, #tpu.memory_space<hbm>> -> memref<1280xi32, #tpu.memory_space<hbm>>
    tpu.wait_dma2 semaphore(%arg17 : memref<!tpu.dma_semaphore, #tpu.memory_space<semaphore_mem>>) src(%dma_wait3A_8 : memref<1280xi32, #tpu.memory_space<hbm>>) dst(%arg11 : memref<1280xi32, #tpu.memory_space<vmem>>)
    %dma_wait3A_9 = tpu.memref_slice %arg6[%mul3A_2] : memref<40960xi32, #tpu.memory_space<hbm>> -> memref<1280xi32, #tpu.memory_space<hbm>>
    %dma_wait3A_10 = tpu.memref_slice %arg6[%mul3A_2] : memref<40960xi32, #tpu.memory_space<hbm>> -> memref<1280xi32, #tpu.memory_space<hbm>>
    tpu.wait_dma2 semaphore(%arg17 : memref<!tpu.dma_semaphore, #tpu.memory_space<semaphore_mem>>) src(%dma_wait3A_10 : memref<1280xi32, #tpu.memory_space<hbm>>) dst(%arg12 : memref<1280xi32, #tpu.memory_space<vmem>>)
    %dma_wait3A_11 = tpu.memref_slice %arg7[%mul3A_2] : memref<40960xi32, #tpu.memory_space<hbm>> -> memref<1280xi32, #tpu.memory_space<hbm>>
    %dma_wait3A_12 = tpu.memref_slice %arg7[%mul3A_2] : memref<40960xi32, #tpu.memory_space<hbm>> -> memref<1280xi32, #tpu.memory_space<hbm>>
    tpu.wait_dma2 semaphore(%arg17 : memref<!tpu.dma_semaphore, #tpu.memory_space<semaphore_mem>>) src(%dma_wait3A_12 : memref<1280xi32, #tpu.memory_space<hbm>>) dst(%arg13 : memref<1280xi32, #tpu.memory_space<vmem>>)
    %dma_start3A_13 = arith.constant 0 : i32
    %dma_start3A_14 = tpu.memref_slice %arg14[%dma_start3A_13] : memref<1280xf32, #tpu.memory_space<vmem>> -> memref<128xf32, #tpu.memory_space<vmem>>
    %dma_start3A_15 = arith.constant 0 : i32
    %dma_start3A_16 = tpu.memref_slice %arg11[%dma_start3A_15] : memref<1280xi32, #tpu.memory_space<vmem>> -> memref<128xi32, #tpu.memory_space<vmem>>
    %dma_start3A_17 = arith.constant 0 : i32
    %dma_start3A_18 = tpu.memref_slice %arg2[%dma_start3A_17] : memref<3072000xf32, #tpu.memory_space<hbm>> -> memref<3072000xf32, #tpu.memory_space<hbm>>
    tpu.enqueue_indirect_dma source(%dma_start3A_18 : memref<3072000xf32, #tpu.memory_space<hbm>>) target(%dma_start3A_14 : memref<128xf32, #tpu.memory_space<vmem>>) offsets(%dma_start3A_16 : memref<128xi32, #tpu.memory_space<vmem>>) semaphore(%arg17 : memref<!tpu.dma_semaphore, #tpu.memory_space<semaphore_mem>>)
    %dma_start3A_19 = arith.constant 128 : i32
    %dma_start3A_20 = tpu.memref_slice %arg14[%dma_start3A_19] : memref<1280xf32, #tpu.memory_space<vmem>> -> memref<128xf32, #tpu.memory_space<vmem>>
    %dma_start3A_21 = arith.constant 128 : i32
    %dma_start3A_22 = tpu.memref_slice %arg11[%dma_start3A_21] : memref<1280xi32, #tpu.memory_space<vmem>> -> memref<128xi32, #tpu.memory_space<vmem>>
    %dma_start3A_23 = arith.constant 0 : i32
    %dma_start3A_24 = tpu.memref_slice %arg2[%dma_start3A_23] : memref<3072000xf32, #tpu.memory_space<hbm>> -> memref<3072000xf32, #tpu.memory_space<hbm>>
    tpu.enqueue_indirect_dma source(%dma_start3A_24 : memref<3072000xf32, #tpu.memory_space<hbm>>) target(%dma_start3A_20 : memref<128xf32, #tpu.memory_space<vmem>>) offsets(%dma_start3A_22 : memref<128xi32, #tpu.memory_space<vmem>>) semaphore(%arg17 : memref<!tpu.dma_semaphore, #tpu.memory_space<semaphore_mem>>)
    %dma_start3A_25 = arith.constant 256 : i32
    %dma_start3A_26 = tpu.memref_slice %arg14[%dma_start3A_25] : memref<1280xf32, #tpu.memory_space<vmem>> -> memref<128xf32, #tpu.memory_space<vmem>>
    %dma_start3A_27 = arith.constant 256 : i32
    %dma_start3A_28 = tpu.memref_slice %arg11[%dma_start3A_27] : memref<1280xi32, #tpu.memory_space<vmem>> -> memref<128xi32, #tpu.memory_space<vmem>>
    %dma_start3A_29 = arith.constant 0 : i32
    %dma_start3A_30 = tpu.memref_slice %arg2[%dma_start3A_29] : memref<3072000xf32, #tpu.memory_space<hbm>> -> memref<3072000xf32, #tpu.memory_space<hbm>>
    tpu.enqueue_indirect_dma source(%dma_start3A_30 : memref<3072000xf32, #tpu.memory_space<hbm>>) target(%dma_start3A_26 : memref<128xf32, #tpu.memory_space<vmem>>) offsets(%dma_start3A_28 : memref<128xi32, #tpu.memory_space<vmem>>) semaphore(%arg17 : memref<!tpu.dma_semaphore, #tpu.memory_space<semaphore_mem>>)
    %dma_start3A_31 = arith.constant 384 : i32
    %dma_start3A_32 = tpu.memref_slice %arg14[%dma_start3A_31] : memref<1280xf32, #tpu.memory_space<vmem>> -> memref<128xf32, #tpu.memory_space<vmem>>
    %dma_start3A_33 = arith.constant 384 : i32
    %dma_start3A_34 = tpu.memref_slice %arg11[%dma_start3A_33] : memref<1280xi32, #tpu.memory_space<vmem>> -> memref<128xi32, #tpu.memory_space<vmem>>
    %dma_start3A_35 = arith.constant 0 : i32
    %dma_start3A_36 = tpu.memref_slice %arg2[%dma_start3A_35] : memref<3072000xf32, #tpu.memory_space<hbm>> -> memref<3072000xf32, #tpu.memory_space<hbm>>
    tpu.enqueue_indirect_dma source(%dma_start3A_36 : memref<3072000xf32, #tpu.memory_space<hbm>>) target(%dma_start3A_32 : memref<128xf32, #tpu.memory_space<vmem>>) offsets(%dma_start3A_34 : memref<128xi32, #tpu.memory_space<vmem>>) semaphore(%arg17 : memref<!tpu.dma_semaphore, #tpu.memory_space<semaphore_mem>>)
    %dma_start3A_37 = arith.constant 512 : i32
    %dma_start3A_38 = tpu.memref_slice %arg14[%dma_start3A_37] : memref<1280xf32, #tpu.memory_space<vmem>> -> memref<128xf32, #tpu.memory_space<vmem>>
    %dma_start3A_39 = arith.constant 512 : i32
    %dma_start3A_40 = tpu.memref_slice %arg11[%dma_start3A_39] : memref<1280xi32, #tpu.memory_space<vmem>> -> memref<128xi32, #tpu.memory_space<vmem>>
    %dma_start3A_41 = arith.constant 0 : i32
    %dma_start3A_42 = tpu.memref_slice %arg2[%dma_start3A_41] : memref<3072000xf32, #tpu.memory_space<hbm>> -> memref<3072000xf32, #tpu.memory_space<hbm>>
    tpu.enqueue_indirect_dma source(%dma_start3A_42 : memref<3072000xf32, #tpu.memory_space<hbm>>) target(%dma_start3A_38 : memref<128xf32, #tpu.memory_space<vmem>>) offsets(%dma_start3A_40 : memref<128xi32, #tpu.memory_space<vmem>>) semaphore(%arg17 : memref<!tpu.dma_semaphore, #tpu.memory_space<semaphore_mem>>)
    %dma_start3A_43 = arith.constant 640 : i32
    %dma_start3A_44 = tpu.memref_slice %arg14[%dma_start3A_43] : memref<1280xf32, #tpu.memory_space<vmem>> -> memref<128xf32, #tpu.memory_space<vmem>>
    %dma_start3A_45 = arith.constant 640 : i32
    %dma_start3A_46 = tpu.memref_slice %arg11[%dma_start3A_45] : memref<1280xi32, #tpu.memory_space<vmem>> -> memref<128xi32, #tpu.memory_space<vmem>>
    %dma_start3A_47 = arith.constant 0 : i32
    %dma_start3A_48 = tpu.memref_slice %arg2[%dma_start3A_47] : memref<3072000xf32, #tpu.memory_space<hbm>> -> memref<3072000xf32, #tpu.memory_space<hbm>>
    tpu.enqueue_indirect_dma source(%dma_start3A_48 : memref<3072000xf32, #tpu.memory_space<hbm>>) target(%dma_start3A_44 : memref<128xf32, #tpu.memory_space<vmem>>) offsets(%dma_start3A_46 : memref<128xi32, #tpu.memory_space<vmem>>) semaphore(%arg17 : memref<!tpu.dma_semaphore, #tpu.memory_space<semaphore_mem>>)
    %dma_start3A_49 = arith.constant 768 : i32
    %dma_start3A_50 = tpu.memref_slice %arg14[%dma_start3A_49] : memref<1280xf32, #tpu.memory_space<vmem>> -> memref<128xf32, #tpu.memory_space<vmem>>
    %dma_start3A_51 = arith.constant 768 : i32
    %dma_start3A_52 = tpu.memref_slice %arg11[%dma_start3A_51] : memref<1280xi32, #tpu.memory_space<vmem>> -> memref<128xi32, #tpu.memory_space<vmem>>
    %dma_start3A_53 = arith.constant 0 : i32
    %dma_start3A_54 = tpu.memref_slice %arg2[%dma_start3A_53] : memref<3072000xf32, #tpu.memory_space<hbm>> -> memref<3072000xf32, #tpu.memory_space<hbm>>
    tpu.enqueue_indirect_dma source(%dma_start3A_54 : memref<3072000xf32, #tpu.memory_space<hbm>>) target(%dma_start3A_50 : memref<128xf32, #tpu.memory_space<vmem>>) offsets(%dma_start3A_52 : memref<128xi32, #tpu.memory_space<vmem>>) semaphore(%arg17 : memref<!tpu.dma_semaphore, #tpu.memory_space<semaphore_mem>>)
    %dma_start3A_55 = arith.constant 896 : i32
    %dma_start3A_56 = tpu.memref_slice %arg14[%dma_start3A_55] : memref<1280xf32, #tpu.memory_space<vmem>> -> memref<128xf32, #tpu.memory_space<vmem>>
    %dma_start3A_57 = arith.constant 896 : i32
    %dma_start3A_58 = tpu.memref_slice %arg11[%dma_start3A_57] : memref<1280xi32, #tpu.memory_space<vmem>> -> memref<128xi32, #tpu.memory_space<vmem>>
    %dma_start3A_59 = arith.constant 0 : i32
    %dma_start3A_60 = tpu.memref_slice %arg2[%dma_start3A_59] : memref<3072000xf32, #tpu.memory_space<hbm>> -> memref<3072000xf32, #tpu.memory_space<hbm>>
    tpu.enqueue_indirect_dma source(%dma_start3A_60 : memref<3072000xf32, #tpu.memory_space<hbm>>) target(%dma_start3A_56 : memref<128xf32, #tpu.memory_space<vmem>>) offsets(%dma_start3A_58 : memref<128xi32, #tpu.memory_space<vmem>>) semaphore(%arg17 : memref<!tpu.dma_semaphore, #tpu.memory_space<semaphore_mem>>)
    %dma_start3A_61 = arith.constant 1024 : i32
    %dma_start3A_62 = tpu.memref_slice %arg14[%dma_start3A_61] : memref<1280xf32, #tpu.memory_space<vmem>> -> memref<128xf32, #tpu.memory_space<vmem>>
    %dma_start3A_63 = arith.constant 1024 : i32
    %dma_start3A_64 = tpu.memref_slice %arg11[%dma_start3A_63] : memref<1280xi32, #tpu.memory_space<vmem>> -> memref<128xi32, #tpu.memory_space<vmem>>
    %dma_start3A_65 = arith.constant 0 : i32
    %dma_start3A_66 = tpu.memref_slice %arg2[%dma_start3A_65] : memref<3072000xf32, #tpu.memory_space<hbm>> -> memref<3072000xf32, #tpu.memory_space<hbm>>
    tpu.enqueue_indirect_dma source(%dma_start3A_66 : memref<3072000xf32, #tpu.memory_space<hbm>>) target(%dma_start3A_62 : memref<128xf32, #tpu.memory_space<vmem>>) offsets(%dma_start3A_64 : memref<128xi32, #tpu.memory_space<vmem>>) semaphore(%arg17 : memref<!tpu.dma_semaphore, #tpu.memory_space<semaphore_mem>>)
    %dma_start3A_67 = arith.constant 1152 : i32
    %dma_start3A_68 = tpu.memref_slice %arg14[%dma_start3A_67] : memref<1280xf32, #tpu.memory_space<vmem>> -> memref<128xf32, #tpu.memory_space<vmem>>
    %dma_start3A_69 = arith.constant 1152 : i32
    %dma_start3A_70 = tpu.memref_slice %arg11[%dma_start3A_69] : memref<1280xi32, #tpu.memory_space<vmem>> -> memref<128xi32, #tpu.memory_space<vmem>>
    %dma_start3A_71 = arith.constant 0 : i32
    %dma_start3A_72 = tpu.memref_slice %arg2[%dma_start3A_71] : memref<3072000xf32, #tpu.memory_space<hbm>> -> memref<3072000xf32, #tpu.memory_space<hbm>>
    tpu.enqueue_indirect_dma source(%dma_start3A_72 : memref<3072000xf32, #tpu.memory_space<hbm>>) target(%dma_start3A_68 : memref<128xf32, #tpu.memory_space<vmem>>) offsets(%dma_start3A_70 : memref<128xi32, #tpu.memory_space<vmem>>) semaphore(%arg17 : memref<!tpu.dma_semaphore, #tpu.memory_space<semaphore_mem>>)
    %dma_start3A_73 = arith.constant 0 : i32
    %dma_start3A_74 = tpu.memref_slice %arg15[%dma_start3A_73] : memref<1280xf32, #tpu.memory_space<vmem>> -> memref<128xf32, #tpu.memory_space<vmem>>
    %dma_start3A_75 = arith.constant 0 : i32
    %dma_start3A_76 = tpu.memref_slice %arg12[%dma_start3A_75] : memref<1280xi32, #tpu.memory_space<vmem>> -> memref<128xi32, #tpu.memory_space<vmem>>
    %dma_start3A_77 = arith.constant 0 : i32
    %dma_start3A_78 = tpu.memref_slice %arg3[%dma_start3A_77] : memref<768000xf32, #tpu.memory_space<hbm>> -> memref<768000xf32, #tpu.memory_space<hbm>>
    tpu.enqueue_indirect_dma source(%dma_start3A_78 : memref<768000xf32, #tpu.memory_space<hbm>>) target(%dma_start3A_74 : memref<128xf32, #tpu.memory_space<vmem>>) offsets(%dma_start3A_76 : memref<128xi32, #tpu.memory_space<vmem>>) semaphore(%arg17 : memref<!tpu.dma_semaphore, #tpu.memory_space<semaphore_mem>>)
    %dma_start3A_79 = arith.constant 128 : i32
    %dma_start3A_80 = tpu.memref_slice %arg15[%dma_start3A_79] : memref<1280xf32, #tpu.memory_space<vmem>> -> memref<128xf32, #tpu.memory_space<vmem>>
    %dma_start3A_81 = arith.constant 128 : i32
    %dma_start3A_82 = tpu.memref_slice %arg12[%dma_start3A_81] : memref<1280xi32, #tpu.memory_space<vmem>> -> memref<128xi32, #tpu.memory_space<vmem>>
    %dma_start3A_83 = arith.constant 0 : i32
    %dma_start3A_84 = tpu.memref_slice %arg3[%dma_start3A_83] : memref<768000xf32, #tpu.memory_space<hbm>> -> memref<768000xf32, #tpu.memory_space<hbm>>
    tpu.enqueue_indirect_dma source(%dma_start3A_84 : memref<768000xf32, #tpu.memory_space<hbm>>) target(%dma_start3A_80 : memref<128xf32, #tpu.memory_space<vmem>>) offsets(%dma_start3A_82 : memref<128xi32, #tpu.memory_space<vmem>>) semaphore(%arg17 : memref<!tpu.dma_semaphore, #tpu.memory_space<semaphore_mem>>)
    %dma_start3A_85 = arith.constant 256 : i32
    %dma_start3A_86 = tpu.memref_slice %arg15[%dma_start3A_85] : memref<1280xf32, #tpu.memory_space<vmem>> -> memref<128xf32, #tpu.memory_space<vmem>>
    %dma_start3A_87 = arith.constant 256 : i32
    %dma_start3A_88 = tpu.memref_slice %arg12[%dma_start3A_87] : memref<1280xi32, #tpu.memory_space<vmem>> -> memref<128xi32, #tpu.memory_space<vmem>>
    %dma_start3A_89 = arith.constant 0 : i32
    %dma_start3A_90 = tpu.memref_slice %arg3[%dma_start3A_89] : memref<768000xf32, #tpu.memory_space<hbm>> -> memref<768000xf32, #tpu.memory_space<hbm>>
    tpu.enqueue_indirect_dma source(%dma_start3A_90 : memref<768000xf32, #tpu.memory_space<hbm>>) target(%dma_start3A_86 : memref<128xf32, #tpu.memory_space<vmem>>) offsets(%dma_start3A_88 : memref<128xi32, #tpu.memory_space<vmem>>) semaphore(%arg17 : memref<!tpu.dma_semaphore, #tpu.memory_space<semaphore_mem>>)
    %dma_start3A_91 = arith.constant 384 : i32
    %dma_start3A_92 = tpu.memref_slice %arg15[%dma_start3A_91] : memref<1280xf32, #tpu.memory_space<vmem>> -> memref<128xf32, #tpu.memory_space<vmem>>
    %dma_start3A_93 = arith.constant 384 : i32
    %dma_start3A_94 = tpu.memref_slice %arg12[%dma_start3A_93] : memref<1280xi32, #tpu.memory_space<vmem>> -> memref<128xi32, #tpu.memory_space<vmem>>
    %dma_start3A_95 = arith.constant 0 : i32
    %dma_start3A_96 = tpu.memref_slice %arg3[%dma_start3A_95] : memref<768000xf32, #tpu.memory_space<hbm>> -> memref<768000xf32, #tpu.memory_space<hbm>>
    tpu.enqueue_indirect_dma source(%dma_start3A_96 : memref<768000xf32, #tpu.memory_space<hbm>>) target(%dma_start3A_92 : memref<128xf32, #tpu.memory_space<vmem>>) offsets(%dma_start3A_94 : memref<128xi32, #tpu.memory_space<vmem>>) semaphore(%arg17 : memref<!tpu.dma_semaphore, #tpu.memory_space<semaphore_mem>>)
    %dma_start3A_97 = arith.constant 512 : i32
    %dma_start3A_98 = tpu.memref_slice %arg15[%dma_start3A_97] : memref<1280xf32, #tpu.memory_space<vmem>> -> memref<128xf32, #tpu.memory_space<vmem>>
    %dma_start3A_99 = arith.constant 512 : i32
    %dma_start3A_100 = tpu.memref_slice %arg12[%dma_start3A_99] : memref<1280xi32, #tpu.memory_space<vmem>> -> memref<128xi32, #tpu.memory_space<vmem>>
    %dma_start3A_101 = arith.constant 0 : i32
    %dma_start3A_102 = tpu.memref_slice %arg3[%dma_start3A_101] : memref<768000xf32, #tpu.memory_space<hbm>> -> memref<768000xf32, #tpu.memory_space<hbm>>
    tpu.enqueue_indirect_dma source(%dma_start3A_102 : memref<768000xf32, #tpu.memory_space<hbm>>) target(%dma_start3A_98 : memref<128xf32, #tpu.memory_space<vmem>>) offsets(%dma_start3A_100 : memref<128xi32, #tpu.memory_space<vmem>>) semaphore(%arg17 : memref<!tpu.dma_semaphore, #tpu.memory_space<semaphore_mem>>)
    %dma_start3A_103 = arith.constant 640 : i32
    %dma_start3A_104 = tpu.memref_slice %arg15[%dma_start3A_103] : memref<1280xf32, #tpu.memory_space<vmem>> -> memref<128xf32, #tpu.memory_space<vmem>>
    %dma_start3A_105 = arith.constant 640 : i32
    %dma_start3A_106 = tpu.memref_slice %arg12[%dma_start3A_105] : memref<1280xi32, #tpu.memory_space<vmem>> -> memref<128xi32, #tpu.memory_space<vmem>>
    %dma_start3A_107 = arith.constant 0 : i32
    %dma_start3A_108 = tpu.memref_slice %arg3[%dma_start3A_107] : memref<768000xf32, #tpu.memory_space<hbm>> -> memref<768000xf32, #tpu.memory_space<hbm>>
    tpu.enqueue_indirect_dma source(%dma_start3A_108 : memref<768000xf32, #tpu.memory_space<hbm>>) target(%dma_start3A_104 : memref<128xf32, #tpu.memory_space<vmem>>) offsets(%dma_start3A_106 : memref<128xi32, #tpu.memory_space<vmem>>) semaphore(%arg17 : memref<!tpu.dma_semaphore, #tpu.memory_space<semaphore_mem>>)
    %dma_start3A_109 = arith.constant 768 : i32
    %dma_start3A_110 = tpu.memref_slice %arg15[%dma_start3A_109] : memref<1280xf32, #tpu.memory_space<vmem>> -> memref<128xf32, #tpu.memory_space<vmem>>
    %dma_start3A_111 = arith.constant 768 : i32
    %dma_start3A_112 = tpu.memref_slice %arg12[%dma_start3A_111] : memref<1280xi32, #tpu.memory_space<vmem>> -> memref<128xi32, #tpu.memory_space<vmem>>
    %dma_start3A_113 = arith.constant 0 : i32
    %dma_start3A_114 = tpu.memref_slice %arg3[%dma_start3A_113] : memref<768000xf32, #tpu.memory_space<hbm>> -> memref<768000xf32, #tpu.memory_space<hbm>>
    tpu.enqueue_indirect_dma source(%dma_start3A_114 : memref<768000xf32, #tpu.memory_space<hbm>>) target(%dma_start3A_110 : memref<128xf32, #tpu.memory_space<vmem>>) offsets(%dma_start3A_112 : memref<128xi32, #tpu.memory_space<vmem>>) semaphore(%arg17 : memref<!tpu.dma_semaphore, #tpu.memory_space<semaphore_mem>>)
    %dma_start3A_115 = arith.constant 896 : i32
    %dma_start3A_116 = tpu.memref_slice %arg15[%dma_start3A_115] : memref<1280xf32, #tpu.memory_space<vmem>> -> memref<128xf32, #tpu.memory_space<vmem>>
    %dma_start3A_117 = arith.constant 896 : i32
    %dma_start3A_118 = tpu.memref_slice %arg12[%dma_start3A_117] : memref<1280xi32, #tpu.memory_space<vmem>> -> memref<128xi32, #tpu.memory_space<vmem>>
    %dma_start3A_119 = arith.constant 0 : i32
    %dma_start3A_120 = tpu.memref_slice %arg3[%dma_start3A_119] : memref<768000xf32, #tpu.memory_space<hbm>> -> memref<768000xf32, #tpu.memory_space<hbm>>
    tpu.enqueue_indirect_dma source(%dma_start3A_120 : memref<768000xf32, #tpu.memory_space<hbm>>) target(%dma_start3A_116 : memref<128xf32, #tpu.memory_space<vmem>>) offsets(%dma_start3A_118 : memref<128xi32, #tpu.memory_space<vmem>>) semaphore(%arg17 : memref<!tpu.dma_semaphore, #tpu.memory_space<semaphore_mem>>)
    %dma_start3A_121 = arith.constant 1024 : i32
    %dma_start3A_122 = tpu.memref_slice %arg15[%dma_start3A_121] : memref<1280xf32, #tpu.memory_space<vmem>> -> memref<128xf32, #tpu.memory_space<vmem>>
    %dma_start3A_123 = arith.constant 1024 : i32
    %dma_start3A_124 = tpu.memref_slice %arg12[%dma_start3A_123] : memref<1280xi32, #tpu.memory_space<vmem>> -> memref<128xi32, #tpu.memory_space<vmem>>
    %dma_start3A_125 = arith.constant 0 : i32
    %dma_start3A_126 = tpu.memref_slice %arg3[%dma_start3A_125] : memref<768000xf32, #tpu.memory_space<hbm>> -> memref<768000xf32, #tpu.memory_space<hbm>>
    tpu.enqueue_indirect_dma source(%dma_start3A_126 : memref<768000xf32, #tpu.memory_space<hbm>>) target(%dma_start3A_122 : memref<128xf32, #tpu.memory_space<vmem>>) offsets(%dma_start3A_124 : memref<128xi32, #tpu.memory_space<vmem>>) semaphore(%arg17 : memref<!tpu.dma_semaphore, #tpu.memory_space<semaphore_mem>>)
    %dma_start3A_127 = arith.constant 1152 : i32
    %dma_start3A_128 = tpu.memref_slice %arg15[%dma_start3A_127] : memref<1280xf32, #tpu.memory_space<vmem>> -> memref<128xf32, #tpu.memory_space<vmem>>
    %dma_start3A_129 = arith.constant 1152 : i32
    %dma_start3A_130 = tpu.memref_slice %arg12[%dma_start3A_129] : memref<1280xi32, #tpu.memory_space<vmem>> -> memref<128xi32, #tpu.memory_space<vmem>>
    %dma_start3A_131 = arith.constant 0 : i32
    %dma_start3A_132 = tpu.memref_slice %arg3[%dma_start3A_131] : memref<768000xf32, #tpu.memory_space<hbm>> -> memref<768000xf32, #tpu.memory_space<hbm>>
    tpu.enqueue_indirect_dma source(%dma_start3A_132 : memref<768000xf32, #tpu.memory_space<hbm>>) target(%dma_start3A_128 : memref<128xf32, #tpu.memory_space<vmem>>) offsets(%dma_start3A_130 : memref<128xi32, #tpu.memory_space<vmem>>) semaphore(%arg17 : memref<!tpu.dma_semaphore, #tpu.memory_space<semaphore_mem>>)
    %dma_start3A_133 = arith.constant 0 : i32
    %dma_start3A_134 = tpu.memref_slice %arg16[%dma_start3A_133] : memref<1280xf32, #tpu.memory_space<vmem>> -> memref<128xf32, #tpu.memory_space<vmem>>
    %dma_start3A_135 = arith.constant 0 : i32
    %dma_start3A_136 = tpu.memref_slice %arg13[%dma_start3A_135] : memref<1280xi32, #tpu.memory_space<vmem>> -> memref<128xi32, #tpu.memory_space<vmem>>
    %dma_start3A_137 = arith.constant 0 : i32
    %dma_start3A_138 = tpu.memref_slice %arg4[%dma_start3A_137] : memref<192000xf32, #tpu.memory_space<hbm>> -> memref<192000xf32, #tpu.memory_space<hbm>>
    tpu.enqueue_indirect_dma source(%dma_start3A_138 : memref<192000xf32, #tpu.memory_space<hbm>>) target(%dma_start3A_134 : memref<128xf32, #tpu.memory_space<vmem>>) offsets(%dma_start3A_136 : memref<128xi32, #tpu.memory_space<vmem>>) semaphore(%arg17 : memref<!tpu.dma_semaphore, #tpu.memory_space<semaphore_mem>>)
    %dma_start3A_139 = arith.constant 128 : i32
    %dma_start3A_140 = tpu.memref_slice %arg16[%dma_start3A_139] : memref<1280xf32, #tpu.memory_space<vmem>> -> memref<128xf32, #tpu.memory_space<vmem>>
    %dma_start3A_141 = arith.constant 128 : i32
    %dma_start3A_142 = tpu.memref_slice %arg13[%dma_start3A_141] : memref<1280xi32, #tpu.memory_space<vmem>> -> memref<128xi32, #tpu.memory_space<vmem>>
    %dma_start3A_143 = arith.constant 0 : i32
    %dma_start3A_144 = tpu.memref_slice %arg4[%dma_start3A_143] : memref<192000xf32, #tpu.memory_space<hbm>> -> memref<192000xf32, #tpu.memory_space<hbm>>
    tpu.enqueue_indirect_dma source(%dma_start3A_144 : memref<192000xf32, #tpu.memory_space<hbm>>) target(%dma_start3A_140 : memref<128xf32, #tpu.memory_space<vmem>>) offsets(%dma_start3A_142 : memref<128xi32, #tpu.memory_space<vmem>>) semaphore(%arg17 : memref<!tpu.dma_semaphore, #tpu.memory_space<semaphore_mem>>)
    %dma_start3A_145 = arith.constant 256 : i32
    %dma_start3A_146 = tpu.memref_slice %arg16[%dma_start3A_145] : memref<1280xf32, #tpu.memory_space<vmem>> -> memref<128xf32, #tpu.memory_space<vmem>>
    %dma_start3A_147 = arith.constant 256 : i32
    %dma_start3A_148 = tpu.memref_slice %arg13[%dma_start3A_147] : memref<1280xi32, #tpu.memory_space<vmem>> -> memref<128xi32, #tpu.memory_space<vmem>>
    %dma_start3A_149 = arith.constant 0 : i32
    %dma_start3A_150 = tpu.memref_slice %arg4[%dma_start3A_149] : memref<192000xf32, #tpu.memory_space<hbm>> -> memref<192000xf32, #tpu.memory_space<hbm>>
    tpu.enqueue_indirect_dma source(%dma_start3A_150 : memref<192000xf32, #tpu.memory_space<hbm>>) target(%dma_start3A_146 : memref<128xf32, #tpu.memory_space<vmem>>) offsets(%dma_start3A_148 : memref<128xi32, #tpu.memory_space<vmem>>) semaphore(%arg17 : memref<!tpu.dma_semaphore, #tpu.memory_space<semaphore_mem>>)
    %dma_start3A_151 = arith.constant 384 : i32
    %dma_start3A_152 = tpu.memref_slice %arg16[%dma_start3A_151] : memref<1280xf32, #tpu.memory_space<vmem>> -> memref<128xf32, #tpu.memory_space<vmem>>
    %dma_start3A_153 = arith.constant 384 : i32
    %dma_start3A_154 = tpu.memref_slice %arg13[%dma_start3A_153] : memref<1280xi32, #tpu.memory_space<vmem>> -> memref<128xi32, #tpu.memory_space<vmem>>
    %dma_start3A_155 = arith.constant 0 : i32
    %dma_start3A_156 = tpu.memref_slice %arg4[%dma_start3A_155] : memref<192000xf32, #tpu.memory_space<hbm>> -> memref<192000xf32, #tpu.memory_space<hbm>>
    tpu.enqueue_indirect_dma source(%dma_start3A_156 : memref<192000xf32, #tpu.memory_space<hbm>>) target(%dma_start3A_152 : memref<128xf32, #tpu.memory_space<vmem>>) offsets(%dma_start3A_154 : memref<128xi32, #tpu.memory_space<vmem>>) semaphore(%arg17 : memref<!tpu.dma_semaphore, #tpu.memory_space<semaphore_mem>>)
    %dma_start3A_157 = arith.constant 512 : i32
    %dma_start3A_158 = tpu.memref_slice %arg16[%dma_start3A_157] : memref<1280xf32, #tpu.memory_space<vmem>> -> memref<128xf32, #tpu.memory_space<vmem>>
    %dma_start3A_159 = arith.constant 512 : i32
    %dma_start3A_160 = tpu.memref_slice %arg13[%dma_start3A_159] : memref<1280xi32, #tpu.memory_space<vmem>> -> memref<128xi32, #tpu.memory_space<vmem>>
    %dma_start3A_161 = arith.constant 0 : i32
    %dma_start3A_162 = tpu.memref_slice %arg4[%dma_start3A_161] : memref<192000xf32, #tpu.memory_space<hbm>> -> memref<192000xf32, #tpu.memory_space<hbm>>
    tpu.enqueue_indirect_dma source(%dma_start3A_162 : memref<192000xf32, #tpu.memory_space<hbm>>) target(%dma_start3A_158 : memref<128xf32, #tpu.memory_space<vmem>>) offsets(%dma_start3A_160 : memref<128xi32, #tpu.memory_space<vmem>>) semaphore(%arg17 : memref<!tpu.dma_semaphore, #tpu.memory_space<semaphore_mem>>)
    %dma_start3A_163 = arith.constant 640 : i32
    %dma_start3A_164 = tpu.memref_slice %arg16[%dma_start3A_163] : memref<1280xf32, #tpu.memory_space<vmem>> -> memref<128xf32, #tpu.memory_space<vmem>>
    %dma_start3A_165 = arith.constant 640 : i32
    %dma_start3A_166 = tpu.memref_slice %arg13[%dma_start3A_165] : memref<1280xi32, #tpu.memory_space<vmem>> -> memref<128xi32, #tpu.memory_space<vmem>>
    %dma_start3A_167 = arith.constant 0 : i32
    %dma_start3A_168 = tpu.memref_slice %arg4[%dma_start3A_167] : memref<192000xf32, #tpu.memory_space<hbm>> -> memref<192000xf32, #tpu.memory_space<hbm>>
    tpu.enqueue_indirect_dma source(%dma_start3A_168 : memref<192000xf32, #tpu.memory_space<hbm>>) target(%dma_start3A_164 : memref<128xf32, #tpu.memory_space<vmem>>) offsets(%dma_start3A_166 : memref<128xi32, #tpu.memory_space<vmem>>) semaphore(%arg17 : memref<!tpu.dma_semaphore, #tpu.memory_space<semaphore_mem>>)
    %dma_start3A_169 = arith.constant 768 : i32
    %dma_start3A_170 = tpu.memref_slice %arg16[%dma_start3A_169] : memref<1280xf32, #tpu.memory_space<vmem>> -> memref<128xf32, #tpu.memory_space<vmem>>
    %dma_start3A_171 = arith.constant 768 : i32
    %dma_start3A_172 = tpu.memref_slice %arg13[%dma_start3A_171] : memref<1280xi32, #tpu.memory_space<vmem>> -> memref<128xi32, #tpu.memory_space<vmem>>
    %dma_start3A_173 = arith.constant 0 : i32
    %dma_start3A_174 = tpu.memref_slice %arg4[%dma_start3A_173] : memref<192000xf32, #tpu.memory_space<hbm>> -> memref<192000xf32, #tpu.memory_space<hbm>>
    tpu.enqueue_indirect_dma source(%dma_start3A_174 : memref<192000xf32, #tpu.memory_space<hbm>>) target(%dma_start3A_170 : memref<128xf32, #tpu.memory_space<vmem>>) offsets(%dma_start3A_172 : memref<128xi32, #tpu.memory_space<vmem>>) semaphore(%arg17 : memref<!tpu.dma_semaphore, #tpu.memory_space<semaphore_mem>>)
    %dma_start3A_175 = arith.constant 896 : i32
    %dma_start3A_176 = tpu.memref_slice %arg16[%dma_start3A_175] : memref<1280xf32, #tpu.memory_space<vmem>> -> memref<128xf32, #tpu.memory_space<vmem>>
    %dma_start3A_177 = arith.constant 896 : i32
    %dma_start3A_178 = tpu.memref_slice %arg13[%dma_start3A_177] : memref<1280xi32, #tpu.memory_space<vmem>> -> memref<128xi32, #tpu.memory_space<vmem>>
    %dma_start3A_179 = arith.constant 0 : i32
    %dma_start3A_180 = tpu.memref_slice %arg4[%dma_start3A_179] : memref<192000xf32, #tpu.memory_space<hbm>> -> memref<192000xf32, #tpu.memory_space<hbm>>
    tpu.enqueue_indirect_dma source(%dma_start3A_180 : memref<192000xf32, #tpu.memory_space<hbm>>) target(%dma_start3A_176 : memref<128xf32, #tpu.memory_space<vmem>>) offsets(%dma_start3A_178 : memref<128xi32, #tpu.memory_space<vmem>>) semaphore(%arg17 : memref<!tpu.dma_semaphore, #tpu.memory_space<semaphore_mem>>)
    %dma_start3A_181 = arith.constant 1024 : i32
    %dma_start3A_182 = tpu.memref_slice %arg16[%dma_start3A_181] : memref<1280xf32, #tpu.memory_space<vmem>> -> memref<128xf32, #tpu.memory_space<vmem>>
    %dma_start3A_183 = arith.constant 1024 : i32
    %dma_start3A_184 = tpu.memref_slice %arg13[%dma_start3A_183] : memref<1280xi32, #tpu.memory_space<vmem>> -> memref<128xi32, #tpu.memory_space<vmem>>
    %dma_start3A_185 = arith.constant 0 : i32
    %dma_start3A_186 = tpu.memref_slice %arg4[%dma_start3A_185] : memref<192000xf32, #tpu.memory_space<hbm>> -> memref<192000xf32, #tpu.memory_space<hbm>>
    tpu.enqueue_indirect_dma source(%dma_start3A_186 : memref<192000xf32, #tpu.memory_space<hbm>>) target(%dma_start3A_182 : memref<128xf32, #tpu.memory_space<vmem>>) offsets(%dma_start3A_184 : memref<128xi32, #tpu.memory_space<vmem>>) semaphore(%arg17 : memref<!tpu.dma_semaphore, #tpu.memory_space<semaphore_mem>>)
    %dma_start3A_187 = arith.constant 1152 : i32
    %dma_start3A_188 = tpu.memref_slice %arg16[%dma_start3A_187] : memref<1280xf32, #tpu.memory_space<vmem>> -> memref<128xf32, #tpu.memory_space<vmem>>
    %dma_start3A_189 = arith.constant 1152 : i32
    %dma_start3A_190 = tpu.memref_slice %arg13[%dma_start3A_189] : memref<1280xi32, #tpu.memory_space<vmem>> -> memref<128xi32, #tpu.memory_space<vmem>>
    %dma_start3A_191 = arith.constant 0 : i32
    %dma_start3A_192 = tpu.memref_slice %arg4[%dma_start3A_191] : memref<192000xf32, #tpu.memory_space<hbm>> -> memref<192000xf32, #tpu.memory_space<hbm>>
    tpu.enqueue_indirect_dma source(%dma_start3A_192 : memref<192000xf32, #tpu.memory_space<hbm>>) target(%dma_start3A_188 : memref<128xf32, #tpu.memory_space<vmem>>) offsets(%dma_start3A_190 : memref<128xi32, #tpu.memory_space<vmem>>) semaphore(%arg17 : memref<!tpu.dma_semaphore, #tpu.memory_space<semaphore_mem>>)
    %dma_wait3A_193 = arith.constant 0 : i32
    %dma_wait3A_194 = tpu.memref_slice %arg14[%dma_wait3A_193] : memref<1280xf32, #tpu.memory_space<vmem>> -> memref<128xf32, #tpu.memory_space<vmem>>
    %dma_wait3A_195 = arith.constant 0 : i32
    %dma_wait3A_196 = tpu.memref_slice %arg11[%dma_wait3A_195] : memref<1280xi32, #tpu.memory_space<vmem>> -> memref<128xi32, #tpu.memory_space<vmem>>
    %dma_wait3A_197 = arith.constant 0 : i32
    %dma_wait3A_198 = tpu.memref_slice %arg2[%dma_wait3A_197] : memref<3072000xf32, #tpu.memory_space<hbm>> -> memref<3072000xf32, #tpu.memory_space<hbm>>
    tpu.wait_indirect_dma semaphore(%arg17 : memref<!tpu.dma_semaphore, #tpu.memory_space<semaphore_mem>>) src(%dma_wait3A_198 : memref<3072000xf32, #tpu.memory_space<hbm>>) dst(%dma_wait3A_194 : memref<128xf32, #tpu.memory_space<vmem>>)
    %dma_wait3A_199 = arith.constant 128 : i32
    %dma_wait3A_200 = tpu.memref_slice %arg14[%dma_wait3A_199] : memref<1280xf32, #tpu.memory_space<vmem>> -> memref<128xf32, #tpu.memory_space<vmem>>
    %dma_wait3A_201 = arith.constant 128 : i32
    %dma_wait3A_202 = tpu.memref_slice %arg11[%dma_wait3A_201] : memref<1280xi32, #tpu.memory_space<vmem>> -> memref<128xi32, #tpu.memory_space<vmem>>
    %dma_wait3A_203 = arith.constant 0 : i32
    %dma_wait3A_204 = tpu.memref_slice %arg2[%dma_wait3A_203] : memref<3072000xf32, #tpu.memory_space<hbm>> -> memref<3072000xf32, #tpu.memory_space<hbm>>
    tpu.wait_indirect_dma semaphore(%arg17 : memref<!tpu.dma_semaphore, #tpu.memory_space<semaphore_mem>>) src(%dma_wait3A_204 : memref<3072000xf32, #tpu.memory_space<hbm>>) dst(%dma_wait3A_200 : memref<128xf32, #tpu.memory_space<vmem>>)
    %dma_wait3A_205 = arith.constant 256 : i32
    %dma_wait3A_206 = tpu.memref_slice %arg14[%dma_wait3A_205] : memref<1280xf32, #tpu.memory_space<vmem>> -> memref<128xf32, #tpu.memory_space<vmem>>
    %dma_wait3A_207 = arith.constant 256 : i32
    %dma_wait3A_208 = tpu.memref_slice %arg11[%dma_wait3A_207] : memref<1280xi32, #tpu.memory_space<vmem>> -> memref<128xi32, #tpu.memory_space<vmem>>
    %dma_wait3A_209 = arith.constant 0 : i32
    %dma_wait3A_210 = tpu.memref_slice %arg2[%dma_wait3A_209] : memref<3072000xf32, #tpu.memory_space<hbm>> -> memref<3072000xf32, #tpu.memory_space<hbm>>
    tpu.wait_indirect_dma semaphore(%arg17 : memref<!tpu.dma_semaphore, #tpu.memory_space<semaphore_mem>>) src(%dma_wait3A_210 : memref<3072000xf32, #tpu.memory_space<hbm>>) dst(%dma_wait3A_206 : memref<128xf32, #tpu.memory_space<vmem>>)
    %dma_wait3A_211 = arith.constant 384 : i32
    %dma_wait3A_212 = tpu.memref_slice %arg14[%dma_wait3A_211] : memref<1280xf32, #tpu.memory_space<vmem>> -> memref<128xf32, #tpu.memory_space<vmem>>
    %dma_wait3A_213 = arith.constant 384 : i32
    %dma_wait3A_214 = tpu.memref_slice %arg11[%dma_wait3A_213] : memref<1280xi32, #tpu.memory_space<vmem>> -> memref<128xi32, #tpu.memory_space<vmem>>
    %dma_wait3A_215 = arith.constant 0 : i32
    %dma_wait3A_216 = tpu.memref_slice %arg2[%dma_wait3A_215] : memref<3072000xf32, #tpu.memory_space<hbm>> -> memref<3072000xf32, #tpu.memory_space<hbm>>
    tpu.wait_indirect_dma semaphore(%arg17 : memref<!tpu.dma_semaphore, #tpu.memory_space<semaphore_mem>>) src(%dma_wait3A_216 : memref<3072000xf32, #tpu.memory_space<hbm>>) dst(%dma_wait3A_212 : memref<128xf32, #tpu.memory_space<vmem>>)
    %dma_wait3A_217 = arith.constant 512 : i32
    %dma_wait3A_218 = tpu.memref_slice %arg14[%dma_wait3A_217] : memref<1280xf32, #tpu.memory_space<vmem>> -> memref<128xf32, #tpu.memory_space<vmem>>
    %dma_wait3A_219 = arith.constant 512 : i32
    %dma_wait3A_220 = tpu.memref_slice %arg11[%dma_wait3A_219] : memref<1280xi32, #tpu.memory_space<vmem>> -> memref<128xi32, #tpu.memory_space<vmem>>
    %dma_wait3A_221 = arith.constant 0 : i32
    %dma_wait3A_222 = tpu.memref_slice %arg2[%dma_wait3A_221] : memref<3072000xf32, #tpu.memory_space<hbm>> -> memref<3072000xf32, #tpu.memory_space<hbm>>
    tpu.wait_indirect_dma semaphore(%arg17 : memref<!tpu.dma_semaphore, #tpu.memory_space<semaphore_mem>>) src(%dma_wait3A_222 : memref<3072000xf32, #tpu.memory_space<hbm>>) dst(%dma_wait3A_218 : memref<128xf32, #tpu.memory_space<vmem>>)
    %dma_wait3A_223 = arith.constant 640 : i32
    %dma_wait3A_224 = tpu.memref_slice %arg14[%dma_wait3A_223] : memref<1280xf32, #tpu.memory_space<vmem>> -> memref<128xf32, #tpu.memory_space<vmem>>
    %dma_wait3A_225 = arith.constant 640 : i32
    %dma_wait3A_226 = tpu.memref_slice %arg11[%dma_wait3A_225] : memref<1280xi32, #tpu.memory_space<vmem>> -> memref<128xi32, #tpu.memory_space<vmem>>
    %dma_wait3A_227 = arith.constant 0 : i32
    %dma_wait3A_228 = tpu.memref_slice %arg2[%dma_wait3A_227] : memref<3072000xf32, #tpu.memory_space<hbm>> -> memref<3072000xf32, #tpu.memory_space<hbm>>
    tpu.wait_indirect_dma semaphore(%arg17 : memref<!tpu.dma_semaphore, #tpu.memory_space<semaphore_mem>>) src(%dma_wait3A_228 : memref<3072000xf32, #tpu.memory_space<hbm>>) dst(%dma_wait3A_224 : memref<128xf32, #tpu.memory_space<vmem>>)
    %dma_wait3A_229 = arith.constant 768 : i32
    %dma_wait3A_230 = tpu.memref_slice %arg14[%dma_wait3A_229] : memref<1280xf32, #tpu.memory_space<vmem>> -> memref<128xf32, #tpu.memory_space<vmem>>
    %dma_wait3A_231 = arith.constant 768 : i32
    %dma_wait3A_232 = tpu.memref_slice %arg11[%dma_wait3A_231] : memref<1280xi32, #tpu.memory_space<vmem>> -> memref<128xi32, #tpu.memory_space<vmem>>
    %dma_wait3A_233 = arith.constant 0 : i32
    %dma_wait3A_234 = tpu.memref_slice %arg2[%dma_wait3A_233] : memref<3072000xf32, #tpu.memory_space<hbm>> -> memref<3072000xf32, #tpu.memory_space<hbm>>
    tpu.wait_indirect_dma semaphore(%arg17 : memref<!tpu.dma_semaphore, #tpu.memory_space<semaphore_mem>>) src(%dma_wait3A_234 : memref<3072000xf32, #tpu.memory_space<hbm>>) dst(%dma_wait3A_230 : memref<128xf32, #tpu.memory_space<vmem>>)
    %dma_wait3A_235 = arith.constant 896 : i32
    %dma_wait3A_236 = tpu.memref_slice %arg14[%dma_wait3A_235] : memref<1280xf32, #tpu.memory_space<vmem>> -> memref<128xf32, #tpu.memory_space<vmem>>
    %dma_wait3A_237 = arith.constant 896 : i32
    %dma_wait3A_238 = tpu.memref_slice %arg11[%dma_wait3A_237] : memref<1280xi32, #tpu.memory_space<vmem>> -> memref<128xi32, #tpu.memory_space<vmem>>
    %dma_wait3A_239 = arith.constant 0 : i32
    %dma_wait3A_240 = tpu.memref_slice %arg2[%dma_wait3A_239] : memref<3072000xf32, #tpu.memory_space<hbm>> -> memref<3072000xf32, #tpu.memory_space<hbm>>
    tpu.wait_indirect_dma semaphore(%arg17 : memref<!tpu.dma_semaphore, #tpu.memory_space<semaphore_mem>>) src(%dma_wait3A_240 : memref<3072000xf32, #tpu.memory_space<hbm>>) dst(%dma_wait3A_236 : memref<128xf32, #tpu.memory_space<vmem>>)
    %dma_wait3A_241 = arith.constant 1024 : i32
    %dma_wait3A_242 = tpu.memref_slice %arg14[%dma_wait3A_241] : memref<1280xf32, #tpu.memory_space<vmem>> -> memref<128xf32, #tpu.memory_space<vmem>>
    %dma_wait3A_243 = arith.constant 1024 : i32
    %dma_wait3A_244 = tpu.memref_slice %arg11[%dma_wait3A_243] : memref<1280xi32, #tpu.memory_space<vmem>> -> memref<128xi32, #tpu.memory_space<vmem>>
    %dma_wait3A_245 = arith.constant 0 : i32
    %dma_wait3A_246 = tpu.memref_slice %arg2[%dma_wait3A_245] : memref<3072000xf32, #tpu.memory_space<hbm>> -> memref<3072000xf32, #tpu.memory_space<hbm>>
    tpu.wait_indirect_dma semaphore(%arg17 : memref<!tpu.dma_semaphore, #tpu.memory_space<semaphore_mem>>) src(%dma_wait3A_246 : memref<3072000xf32, #tpu.memory_space<hbm>>) dst(%dma_wait3A_242 : memref<128xf32, #tpu.memory_space<vmem>>)
    %dma_wait3A_247 = arith.constant 1152 : i32
    %dma_wait3A_248 = tpu.memref_slice %arg14[%dma_wait3A_247] : memref<1280xf32, #tpu.memory_space<vmem>> -> memref<128xf32, #tpu.memory_space<vmem>>
    %dma_wait3A_249 = arith.constant 1152 : i32
    %dma_wait3A_250 = tpu.memref_slice %arg11[%dma_wait3A_249] : memref<1280xi32, #tpu.memory_space<vmem>> -> memref<128xi32, #tpu.memory_space<vmem>>
    %dma_wait3A_251 = arith.constant 0 : i32
    %dma_wait3A_252 = tpu.memref_slice %arg2[%dma_wait3A_251] : memref<3072000xf32, #tpu.memory_space<hbm>> -> memref<3072000xf32, #tpu.memory_space<hbm>>
    tpu.wait_indirect_dma semaphore(%arg17 : memref<!tpu.dma_semaphore, #tpu.memory_space<semaphore_mem>>) src(%dma_wait3A_252 : memref<3072000xf32, #tpu.memory_space<hbm>>) dst(%dma_wait3A_248 : memref<128xf32, #tpu.memory_space<vmem>>)
    %dma_wait3A_253 = arith.constant 0 : i32
    %dma_wait3A_254 = tpu.memref_slice %arg15[%dma_wait3A_253] : memref<1280xf32, #tpu.memory_space<vmem>> -> memref<128xf32, #tpu.memory_space<vmem>>
    %dma_wait3A_255 = arith.constant 0 : i32
    %dma_wait3A_256 = tpu.memref_slice %arg12[%dma_wait3A_255] : memref<1280xi32, #tpu.memory_space<vmem>> -> memref<128xi32, #tpu.memory_space<vmem>>
    %dma_wait3A_257 = arith.constant 0 : i32
    %dma_wait3A_258 = tpu.memref_slice %arg3[%dma_wait3A_257] : memref<768000xf32, #tpu.memory_space<hbm>> -> memref<768000xf32, #tpu.memory_space<hbm>>
    tpu.wait_indirect_dma semaphore(%arg17 : memref<!tpu.dma_semaphore, #tpu.memory_space<semaphore_mem>>) src(%dma_wait3A_258 : memref<768000xf32, #tpu.memory_space<hbm>>) dst(%dma_wait3A_254 : memref<128xf32, #tpu.memory_space<vmem>>)
    %dma_wait3A_259 = arith.constant 128 : i32
    %dma_wait3A_260 = tpu.memref_slice %arg15[%dma_wait3A_259] : memref<1280xf32, #tpu.memory_space<vmem>> -> memref<128xf32, #tpu.memory_space<vmem>>
    %dma_wait3A_261 = arith.constant 128 : i32
    %dma_wait3A_262 = tpu.memref_slice %arg12[%dma_wait3A_261] : memref<1280xi32, #tpu.memory_space<vmem>> -> memref<128xi32, #tpu.memory_space<vmem>>
    %dma_wait3A_263 = arith.constant 0 : i32
    %dma_wait3A_264 = tpu.memref_slice %arg3[%dma_wait3A_263] : memref<768000xf32, #tpu.memory_space<hbm>> -> memref<768000xf32, #tpu.memory_space<hbm>>
    tpu.wait_indirect_dma semaphore(%arg17 : memref<!tpu.dma_semaphore, #tpu.memory_space<semaphore_mem>>) src(%dma_wait3A_264 : memref<768000xf32, #tpu.memory_space<hbm>>) dst(%dma_wait3A_260 : memref<128xf32, #tpu.memory_space<vmem>>)
    %dma_wait3A_265 = arith.constant 256 : i32
    %dma_wait3A_266 = tpu.memref_slice %arg15[%dma_wait3A_265] : memref<1280xf32, #tpu.memory_space<vmem>> -> memref<128xf32, #tpu.memory_space<vmem>>
    %dma_wait3A_267 = arith.constant 256 : i32
    %dma_wait3A_268 = tpu.memref_slice %arg12[%dma_wait3A_267] : memref<1280xi32, #tpu.memory_space<vmem>> -> memref<128xi32, #tpu.memory_space<vmem>>
    %dma_wait3A_269 = arith.constant 0 : i32
    %dma_wait3A_270 = tpu.memref_slice %arg3[%dma_wait3A_269] : memref<768000xf32, #tpu.memory_space<hbm>> -> memref<768000xf32, #tpu.memory_space<hbm>>
    tpu.wait_indirect_dma semaphore(%arg17 : memref<!tpu.dma_semaphore, #tpu.memory_space<semaphore_mem>>) src(%dma_wait3A_270 : memref<768000xf32, #tpu.memory_space<hbm>>) dst(%dma_wait3A_266 : memref<128xf32, #tpu.memory_space<vmem>>)
    %dma_wait3A_271 = arith.constant 384 : i32
    %dma_wait3A_272 = tpu.memref_slice %arg15[%dma_wait3A_271] : memref<1280xf32, #tpu.memory_space<vmem>> -> memref<128xf32, #tpu.memory_space<vmem>>
    %dma_wait3A_273 = arith.constant 384 : i32
    %dma_wait3A_274 = tpu.memref_slice %arg12[%dma_wait3A_273] : memref<1280xi32, #tpu.memory_space<vmem>> -> memref<128xi32, #tpu.memory_space<vmem>>
    %dma_wait3A_275 = arith.constant 0 : i32
    %dma_wait3A_276 = tpu.memref_slice %arg3[%dma_wait3A_275] : memref<768000xf32, #tpu.memory_space<hbm>> -> memref<768000xf32, #tpu.memory_space<hbm>>
    tpu.wait_indirect_dma semaphore(%arg17 : memref<!tpu.dma_semaphore, #tpu.memory_space<semaphore_mem>>) src(%dma_wait3A_276 : memref<768000xf32, #tpu.memory_space<hbm>>) dst(%dma_wait3A_272 : memref<128xf32, #tpu.memory_space<vmem>>)
    %dma_wait3A_277 = arith.constant 512 : i32
    %dma_wait3A_278 = tpu.memref_slice %arg15[%dma_wait3A_277] : memref<1280xf32, #tpu.memory_space<vmem>> -> memref<128xf32, #tpu.memory_space<vmem>>
    %dma_wait3A_279 = arith.constant 512 : i32
    %dma_wait3A_280 = tpu.memref_slice %arg12[%dma_wait3A_279] : memref<1280xi32, #tpu.memory_space<vmem>> -> memref<128xi32, #tpu.memory_space<vmem>>
    %dma_wait3A_281 = arith.constant 0 : i32
    %dma_wait3A_282 = tpu.memref_slice %arg3[%dma_wait3A_281] : memref<768000xf32, #tpu.memory_space<hbm>> -> memref<768000xf32, #tpu.memory_space<hbm>>
    tpu.wait_indirect_dma semaphore(%arg17 : memref<!tpu.dma_semaphore, #tpu.memory_space<semaphore_mem>>) src(%dma_wait3A_282 : memref<768000xf32, #tpu.memory_space<hbm>>) dst(%dma_wait3A_278 : memref<128xf32, #tpu.memory_space<vmem>>)
    %dma_wait3A_283 = arith.constant 640 : i32
    %dma_wait3A_284 = tpu.memref_slice %arg15[%dma_wait3A_283] : memref<1280xf32, #tpu.memory_space<vmem>> -> memref<128xf32, #tpu.memory_space<vmem>>
    %dma_wait3A_285 = arith.constant 640 : i32
    %dma_wait3A_286 = tpu.memref_slice %arg12[%dma_wait3A_285] : memref<1280xi32, #tpu.memory_space<vmem>> -> memref<128xi32, #tpu.memory_space<vmem>>
    %dma_wait3A_287 = arith.constant 0 : i32
    %dma_wait3A_288 = tpu.memref_slice %arg3[%dma_wait3A_287] : memref<768000xf32, #tpu.memory_space<hbm>> -> memref<768000xf32, #tpu.memory_space<hbm>>
    tpu.wait_indirect_dma semaphore(%arg17 : memref<!tpu.dma_semaphore, #tpu.memory_space<semaphore_mem>>) src(%dma_wait3A_288 : memref<768000xf32, #tpu.memory_space<hbm>>) dst(%dma_wait3A_284 : memref<128xf32, #tpu.memory_space<vmem>>)
    %dma_wait3A_289 = arith.constant 768 : i32
    %dma_wait3A_290 = tpu.memref_slice %arg15[%dma_wait3A_289] : memref<1280xf32, #tpu.memory_space<vmem>> -> memref<128xf32, #tpu.memory_space<vmem>>
    %dma_wait3A_291 = arith.constant 768 : i32
    %dma_wait3A_292 = tpu.memref_slice %arg12[%dma_wait3A_291] : memref<1280xi32, #tpu.memory_space<vmem>> -> memref<128xi32, #tpu.memory_space<vmem>>
    %dma_wait3A_293 = arith.constant 0 : i32
    %dma_wait3A_294 = tpu.memref_slice %arg3[%dma_wait3A_293] : memref<768000xf32, #tpu.memory_space<hbm>> -> memref<768000xf32, #tpu.memory_space<hbm>>
    tpu.wait_indirect_dma semaphore(%arg17 : memref<!tpu.dma_semaphore, #tpu.memory_space<semaphore_mem>>) src(%dma_wait3A_294 : memref<768000xf32, #tpu.memory_space<hbm>>) dst(%dma_wait3A_290 : memref<128xf32, #tpu.memory_space<vmem>>)
    %dma_wait3A_295 = arith.constant 896 : i32
    %dma_wait3A_296 = tpu.memref_slice %arg15[%dma_wait3A_295] : memref<1280xf32, #tpu.memory_space<vmem>> -> memref<128xf32, #tpu.memory_space<vmem>>
    %dma_wait3A_297 = arith.constant 896 : i32
    %dma_wait3A_298 = tpu.memref_slice %arg12[%dma_wait3A_297] : memref<1280xi32, #tpu.memory_space<vmem>> -> memref<128xi32, #tpu.memory_space<vmem>>
    %dma_wait3A_299 = arith.constant 0 : i32
    %dma_wait3A_300 = tpu.memref_slice %arg3[%dma_wait3A_299] : memref<768000xf32, #tpu.memory_space<hbm>> -> memref<768000xf32, #tpu.memory_space<hbm>>
    tpu.wait_indirect_dma semaphore(%arg17 : memref<!tpu.dma_semaphore, #tpu.memory_space<semaphore_mem>>) src(%dma_wait3A_300 : memref<768000xf32, #tpu.memory_space<hbm>>) dst(%dma_wait3A_296 : memref<128xf32, #tpu.memory_space<vmem>>)
    %dma_wait3A_301 = arith.constant 1024 : i32
    %dma_wait3A_302 = tpu.memref_slice %arg15[%dma_wait3A_301] : memref<1280xf32, #tpu.memory_space<vmem>> -> memref<128xf32, #tpu.memory_space<vmem>>
    %dma_wait3A_303 = arith.constant 1024 : i32
    %dma_wait3A_304 = tpu.memref_slice %arg12[%dma_wait3A_303] : memref<1280xi32, #tpu.memory_space<vmem>> -> memref<128xi32, #tpu.memory_space<vmem>>
    %dma_wait3A_305 = arith.constant 0 : i32
    %dma_wait3A_306 = tpu.memref_slice %arg3[%dma_wait3A_305] : memref<768000xf32, #tpu.memory_space<hbm>> -> memref<768000xf32, #tpu.memory_space<hbm>>
    tpu.wait_indirect_dma semaphore(%arg17 : memref<!tpu.dma_semaphore, #tpu.memory_space<semaphore_mem>>) src(%dma_wait3A_306 : memref<768000xf32, #tpu.memory_space<hbm>>) dst(%dma_wait3A_302 : memref<128xf32, #tpu.memory_space<vmem>>)
    %dma_wait3A_307 = arith.constant 1152 : i32
    %dma_wait3A_308 = tpu.memref_slice %arg15[%dma_wait3A_307] : memref<1280xf32, #tpu.memory_space<vmem>> -> memref<128xf32, #tpu.memory_space<vmem>>
    %dma_wait3A_309 = arith.constant 1152 : i32
    %dma_wait3A_310 = tpu.memref_slice %arg12[%dma_wait3A_309] : memref<1280xi32, #tpu.memory_space<vmem>> -> memref<128xi32, #tpu.memory_space<vmem>>
    %dma_wait3A_311 = arith.constant 0 : i32
    %dma_wait3A_312 = tpu.memref_slice %arg3[%dma_wait3A_311] : memref<768000xf32, #tpu.memory_space<hbm>> -> memref<768000xf32, #tpu.memory_space<hbm>>
    tpu.wait_indirect_dma semaphore(%arg17 : memref<!tpu.dma_semaphore, #tpu.memory_space<semaphore_mem>>) src(%dma_wait3A_312 : memref<768000xf32, #tpu.memory_space<hbm>>) dst(%dma_wait3A_308 : memref<128xf32, #tpu.memory_space<vmem>>)
    %dma_wait3A_313 = arith.constant 0 : i32
    %dma_wait3A_314 = tpu.memref_slice %arg16[%dma_wait3A_313] : memref<1280xf32, #tpu.memory_space<vmem>> -> memref<128xf32, #tpu.memory_space<vmem>>
    %dma_wait3A_315 = arith.constant 0 : i32
    %dma_wait3A_316 = tpu.memref_slice %arg13[%dma_wait3A_315] : memref<1280xi32, #tpu.memory_space<vmem>> -> memref<128xi32, #tpu.memory_space<vmem>>
    %dma_wait3A_317 = arith.constant 0 : i32
    %dma_wait3A_318 = tpu.memref_slice %arg4[%dma_wait3A_317] : memref<192000xf32, #tpu.memory_space<hbm>> -> memref<192000xf32, #tpu.memory_space<hbm>>
    tpu.wait_indirect_dma semaphore(%arg17 : memref<!tpu.dma_semaphore, #tpu.memory_space<semaphore_mem>>) src(%dma_wait3A_318 : memref<192000xf32, #tpu.memory_space<hbm>>) dst(%dma_wait3A_314 : memref<128xf32, #tpu.memory_space<vmem>>)
    %dma_wait3A_319 = arith.constant 128 : i32
    %dma_wait3A_320 = tpu.memref_slice %arg16[%dma_wait3A_319] : memref<1280xf32, #tpu.memory_space<vmem>> -> memref<128xf32, #tpu.memory_space<vmem>>
    %dma_wait3A_321 = arith.constant 128 : i32
    %dma_wait3A_322 = tpu.memref_slice %arg13[%dma_wait3A_321] : memref<1280xi32, #tpu.memory_space<vmem>> -> memref<128xi32, #tpu.memory_space<vmem>>
    %dma_wait3A_323 = arith.constant 0 : i32
    %dma_wait3A_324 = tpu.memref_slice %arg4[%dma_wait3A_323] : memref<192000xf32, #tpu.memory_space<hbm>> -> memref<192000xf32, #tpu.memory_space<hbm>>
    tpu.wait_indirect_dma semaphore(%arg17 : memref<!tpu.dma_semaphore, #tpu.memory_space<semaphore_mem>>) src(%dma_wait3A_324 : memref<192000xf32, #tpu.memory_space<hbm>>) dst(%dma_wait3A_320 : memref<128xf32, #tpu.memory_space<vmem>>)
    %dma_wait3A_325 = arith.constant 256 : i32
    %dma_wait3A_326 = tpu.memref_slice %arg16[%dma_wait3A_325] : memref<1280xf32, #tpu.memory_space<vmem>> -> memref<128xf32, #tpu.memory_space<vmem>>
    %dma_wait3A_327 = arith.constant 256 : i32
    %dma_wait3A_328 = tpu.memref_slice %arg13[%dma_wait3A_327] : memref<1280xi32, #tpu.memory_space<vmem>> -> memref<128xi32, #tpu.memory_space<vmem>>
    %dma_wait3A_329 = arith.constant 0 : i32
    %dma_wait3A_330 = tpu.memref_slice %arg4[%dma_wait3A_329] : memref<192000xf32, #tpu.memory_space<hbm>> -> memref<192000xf32, #tpu.memory_space<hbm>>
    tpu.wait_indirect_dma semaphore(%arg17 : memref<!tpu.dma_semaphore, #tpu.memory_space<semaphore_mem>>) src(%dma_wait3A_330 : memref<192000xf32, #tpu.memory_space<hbm>>) dst(%dma_wait3A_326 : memref<128xf32, #tpu.memory_space<vmem>>)
    %dma_wait3A_331 = arith.constant 384 : i32
    %dma_wait3A_332 = tpu.memref_slice %arg16[%dma_wait3A_331] : memref<1280xf32, #tpu.memory_space<vmem>> -> memref<128xf32, #tpu.memory_space<vmem>>
    %dma_wait3A_333 = arith.constant 384 : i32
    %dma_wait3A_334 = tpu.memref_slice %arg13[%dma_wait3A_333] : memref<1280xi32, #tpu.memory_space<vmem>> -> memref<128xi32, #tpu.memory_space<vmem>>
    %dma_wait3A_335 = arith.constant 0 : i32
    %dma_wait3A_336 = tpu.memref_slice %arg4[%dma_wait3A_335] : memref<192000xf32, #tpu.memory_space<hbm>> -> memref<192000xf32, #tpu.memory_space<hbm>>
    tpu.wait_indirect_dma semaphore(%arg17 : memref<!tpu.dma_semaphore, #tpu.memory_space<semaphore_mem>>) src(%dma_wait3A_336 : memref<192000xf32, #tpu.memory_space<hbm>>) dst(%dma_wait3A_332 : memref<128xf32, #tpu.memory_space<vmem>>)
    %dma_wait3A_337 = arith.constant 512 : i32
    %dma_wait3A_338 = tpu.memref_slice %arg16[%dma_wait3A_337] : memref<1280xf32, #tpu.memory_space<vmem>> -> memref<128xf32, #tpu.memory_space<vmem>>
    %dma_wait3A_339 = arith.constant 512 : i32
    %dma_wait3A_340 = tpu.memref_slice %arg13[%dma_wait3A_339] : memref<1280xi32, #tpu.memory_space<vmem>> -> memref<128xi32, #tpu.memory_space<vmem>>
    %dma_wait3A_341 = arith.constant 0 : i32
    %dma_wait3A_342 = tpu.memref_slice %arg4[%dma_wait3A_341] : memref<192000xf32, #tpu.memory_space<hbm>> -> memref<192000xf32, #tpu.memory_space<hbm>>
    tpu.wait_indirect_dma semaphore(%arg17 : memref<!tpu.dma_semaphore, #tpu.memory_space<semaphore_mem>>) src(%dma_wait3A_342 : memref<192000xf32, #tpu.memory_space<hbm>>) dst(%dma_wait3A_338 : memref<128xf32, #tpu.memory_space<vmem>>)
    %dma_wait3A_343 = arith.constant 640 : i32
    %dma_wait3A_344 = tpu.memref_slice %arg16[%dma_wait3A_343] : memref<1280xf32, #tpu.memory_space<vmem>> -> memref<128xf32, #tpu.memory_space<vmem>>
    %dma_wait3A_345 = arith.constant 640 : i32
    %dma_wait3A_346 = tpu.memref_slice %arg13[%dma_wait3A_345] : memref<1280xi32, #tpu.memory_space<vmem>> -> memref<128xi32, #tpu.memory_space<vmem>>
    %dma_wait3A_347 = arith.constant 0 : i32
    %dma_wait3A_348 = tpu.memref_slice %arg4[%dma_wait3A_347] : memref<192000xf32, #tpu.memory_space<hbm>> -> memref<192000xf32, #tpu.memory_space<hbm>>
    tpu.wait_indirect_dma semaphore(%arg17 : memref<!tpu.dma_semaphore, #tpu.memory_space<semaphore_mem>>) src(%dma_wait3A_348 : memref<192000xf32, #tpu.memory_space<hbm>>) dst(%dma_wait3A_344 : memref<128xf32, #tpu.memory_space<vmem>>)
    %dma_wait3A_349 = arith.constant 768 : i32
    %dma_wait3A_350 = tpu.memref_slice %arg16[%dma_wait3A_349] : memref<1280xf32, #tpu.memory_space<vmem>> -> memref<128xf32, #tpu.memory_space<vmem>>
    %dma_wait3A_351 = arith.constant 768 : i32
    %dma_wait3A_352 = tpu.memref_slice %arg13[%dma_wait3A_351] : memref<1280xi32, #tpu.memory_space<vmem>> -> memref<128xi32, #tpu.memory_space<vmem>>
    %dma_wait3A_353 = arith.constant 0 : i32
    %dma_wait3A_354 = tpu.memref_slice %arg4[%dma_wait3A_353] : memref<192000xf32, #tpu.memory_space<hbm>> -> memref<192000xf32, #tpu.memory_space<hbm>>
    tpu.wait_indirect_dma semaphore(%arg17 : memref<!tpu.dma_semaphore, #tpu.memory_space<semaphore_mem>>) src(%dma_wait3A_354 : memref<192000xf32, #tpu.memory_space<hbm>>) dst(%dma_wait3A_350 : memref<128xf32, #tpu.memory_space<vmem>>)
    %dma_wait3A_355 = arith.constant 896 : i32
    %dma_wait3A_356 = tpu.memref_slice %arg16[%dma_wait3A_355] : memref<1280xf32, #tpu.memory_space<vmem>> -> memref<128xf32, #tpu.memory_space<vmem>>
    %dma_wait3A_357 = arith.constant 896 : i32
    %dma_wait3A_358 = tpu.memref_slice %arg13[%dma_wait3A_357] : memref<1280xi32, #tpu.memory_space<vmem>> -> memref<128xi32, #tpu.memory_space<vmem>>
    %dma_wait3A_359 = arith.constant 0 : i32
    %dma_wait3A_360 = tpu.memref_slice %arg4[%dma_wait3A_359] : memref<192000xf32, #tpu.memory_space<hbm>> -> memref<192000xf32, #tpu.memory_space<hbm>>
    tpu.wait_indirect_dma semaphore(%arg17 : memref<!tpu.dma_semaphore, #tpu.memory_space<semaphore_mem>>) src(%dma_wait3A_360 : memref<192000xf32, #tpu.memory_space<hbm>>) dst(%dma_wait3A_356 : memref<128xf32, #tpu.memory_space<vmem>>)
    %dma_wait3A_361 = arith.constant 1024 : i32
    %dma_wait3A_362 = tpu.memref_slice %arg16[%dma_wait3A_361] : memref<1280xf32, #tpu.memory_space<vmem>> -> memref<128xf32, #tpu.memory_space<vmem>>
    %dma_wait3A_363 = arith.constant 1024 : i32
    %dma_wait3A_364 = tpu.memref_slice %arg13[%dma_wait3A_363] : memref<1280xi32, #tpu.memory_space<vmem>> -> memref<128xi32, #tpu.memory_space<vmem>>
    %dma_wait3A_365 = arith.constant 0 : i32
    %dma_wait3A_366 = tpu.memref_slice %arg4[%dma_wait3A_365] : memref<192000xf32, #tpu.memory_space<hbm>> -> memref<192000xf32, #tpu.memory_space<hbm>>
    tpu.wait_indirect_dma semaphore(%arg17 : memref<!tpu.dma_semaphore, #tpu.memory_space<semaphore_mem>>) src(%dma_wait3A_366 : memref<192000xf32, #tpu.memory_space<hbm>>) dst(%dma_wait3A_362 : memref<128xf32, #tpu.memory_space<vmem>>)
    %dma_wait3A_367 = arith.constant 1152 : i32
    %dma_wait3A_368 = tpu.memref_slice %arg16[%dma_wait3A_367] : memref<1280xf32, #tpu.memory_space<vmem>> -> memref<128xf32, #tpu.memory_space<vmem>>
    %dma_wait3A_369 = arith.constant 1152 : i32
    %dma_wait3A_370 = tpu.memref_slice %arg13[%dma_wait3A_369] : memref<1280xi32, #tpu.memory_space<vmem>> -> memref<128xi32, #tpu.memory_space<vmem>>
    %dma_wait3A_371 = arith.constant 0 : i32
    %dma_wait3A_372 = tpu.memref_slice %arg4[%dma_wait3A_371] : memref<192000xf32, #tpu.memory_space<hbm>> -> memref<192000xf32, #tpu.memory_space<hbm>>
    tpu.wait_indirect_dma semaphore(%arg17 : memref<!tpu.dma_semaphore, #tpu.memory_space<semaphore_mem>>) src(%dma_wait3A_372 : memref<192000xf32, #tpu.memory_space<hbm>>) dst(%dma_wait3A_368 : memref<128xf32, #tpu.memory_space<vmem>>)
    %dma_start3A_373 = tpu.memref_slice %arg8[%mul3A_2] : memref<40960xf32, #tpu.memory_space<hbm>> -> memref<1280xf32, #tpu.memory_space<hbm>>
    %dma_start3A_374 = tpu.memref_slice %arg8[%mul3A_2] : memref<40960xf32, #tpu.memory_space<hbm>> -> memref<1280xf32, #tpu.memory_space<hbm>>
    tpu.enqueue_dma source(%arg14 : memref<1280xf32, #tpu.memory_space<vmem>>) target(%dma_start3A_374 : memref<1280xf32, #tpu.memory_space<hbm>>) target_semaphore(%arg17 : memref<!tpu.dma_semaphore, #tpu.memory_space<semaphore_mem>>)
    %dma_start3A_375 = tpu.memref_slice %arg9[%mul3A_2] : memref<40960xf32, #tpu.memory_space<hbm>> -> memref<1280xf32, #tpu.memory_space<hbm>>
    %dma_start3A_376 = tpu.memref_slice %arg9[%mul3A_2] : memref<40960xf32, #tpu.memory_space<hbm>> -> memref<1280xf32, #tpu.memory_space<hbm>>
    tpu.enqueue_dma source(%arg15 : memref<1280xf32, #tpu.memory_space<vmem>>) target(%dma_start3A_376 : memref<1280xf32, #tpu.memory_space<hbm>>) target_semaphore(%arg17 : memref<!tpu.dma_semaphore, #tpu.memory_space<semaphore_mem>>)
    %dma_start3A_377 = tpu.memref_slice %arg10[%mul3A_2] : memref<40960xf32, #tpu.memory_space<hbm>> -> memref<1280xf32, #tpu.memory_space<hbm>>
    %dma_start3A_378 = tpu.memref_slice %arg10[%mul3A_2] : memref<40960xf32, #tpu.memory_space<hbm>> -> memref<1280xf32, #tpu.memory_space<hbm>>
    tpu.enqueue_dma source(%arg16 : memref<1280xf32, #tpu.memory_space<vmem>>) target(%dma_start3A_378 : memref<1280xf32, #tpu.memory_space<hbm>>) target_semaphore(%arg17 : memref<!tpu.dma_semaphore, #tpu.memory_space<semaphore_mem>>)
    %dma_wait3A_379 = tpu.memref_slice %arg8[%mul3A_2] : memref<40960xf32, #tpu.memory_space<hbm>> -> memref<1280xf32, #tpu.memory_space<hbm>>
    %dma_wait3A_380 = tpu.memref_slice %arg8[%mul3A_2] : memref<40960xf32, #tpu.memory_space<hbm>> -> memref<1280xf32, #tpu.memory_space<hbm>>
    tpu.wait_dma2 semaphore(%arg17 : memref<!tpu.dma_semaphore, #tpu.memory_space<semaphore_mem>>) src(%arg14 : memref<1280xf32, #tpu.memory_space<vmem>>) dst(%dma_wait3A_380 : memref<1280xf32, #tpu.memory_space<hbm>>)
    %dma_wait3A_381 = tpu.memref_slice %arg9[%mul3A_2] : memref<40960xf32, #tpu.memory_space<hbm>> -> memref<1280xf32, #tpu.memory_space<hbm>>
    %dma_wait3A_382 = tpu.memref_slice %arg9[%mul3A_2] : memref<40960xf32, #tpu.memory_space<hbm>> -> memref<1280xf32, #tpu.memory_space<hbm>>
    tpu.wait_dma2 semaphore(%arg17 : memref<!tpu.dma_semaphore, #tpu.memory_space<semaphore_mem>>) src(%arg15 : memref<1280xf32, #tpu.memory_space<vmem>>) dst(%dma_wait3A_382 : memref<1280xf32, #tpu.memory_space<hbm>>)
    %dma_wait3A_383 = tpu.memref_slice %arg10[%mul3A_2] : memref<40960xf32, #tpu.memory_space<hbm>> -> memref<1280xf32, #tpu.memory_space<hbm>>
    %dma_wait3A_384 = tpu.memref_slice %arg10[%mul3A_2] : memref<40960xf32, #tpu.memory_space<hbm>> -> memref<1280xf32, #tpu.memory_space<hbm>>
    tpu.wait_dma2 semaphore(%arg17 : memref<!tpu.dma_semaphore, #tpu.memory_space<semaphore_mem>>) src(%arg16 : memref<1280xf32, #tpu.memory_space<vmem>>) dst(%dma_wait3A_384 : memref<1280xf32, #tpu.memory_space<hbm>>)
    return
  }
}

module attributes {stable_mosaic.version = 14 : i64} {
  func.func @_prep_compute(%arg0: memref<48x128xf32, #tpu.memory_space<vmem>>, %arg1: memref<320x128xi32, #tpu.memory_space<vmem>>, %arg2: memref<320x128xi32, #tpu.memory_space<vmem>>, %arg3: memref<320x128xi32, #tpu.memory_space<vmem>>, %arg4: memref<512x128xf32, #tpu.memory_space<vmem>>, %arg5: memref<512x128xf32, #tpu.memory_space<vmem>>, %arg6: memref<512x128xf32, #tpu.memory_space<vmem>>) attributes {dimension_semantics = [], scalar_prefetch = 0 : i64, scratch_operands = 0 : i64, tpu.core_type = #tpu.core_type<tc>} {
    %get3A = arith.constant 0 : index
    %get3A_0 = arith.constant 0 : index
    %get3A_1 = vector.load %arg0[%get3A, %get3A_0] : memref<48x128xf32, #tpu.memory_space<vmem>>, vector<8x128xf32>
    %slice3A = vector.extract_strided_slice %get3A_1 {offsets = [0, 0], sizes = [4, 128], strides = [1, 1]} : vector<8x128xf32> to vector<4x128xf32>
    %concatenate3A = tpu.concatenate %slice3A, %slice3A, %slice3A, %slice3A, %slice3A, %slice3A, %slice3A, %slice3A, %slice3A, %slice3A, %slice3A, %slice3A, %slice3A, %slice3A, %slice3A, %slice3A in 0 : vector<4x128xf32>, vector<4x128xf32>, vector<4x128xf32>, vector<4x128xf32>, vector<4x128xf32>, vector<4x128xf32>, vector<4x128xf32>, vector<4x128xf32>, vector<4x128xf32>, vector<4x128xf32>, vector<4x128xf32>, vector<4x128xf32>, vector<4x128xf32>, vector<4x128xf32>, vector<4x128xf32>, vector<4x128xf32> -> vector<64x128xf32>
    %get3A_2 = arith.constant 16 : index
    %get3A_3 = arith.constant 0 : index
    %get3A_4 = vector.load %arg0[%get3A_2, %get3A_3] : memref<48x128xf32, #tpu.memory_space<vmem>>, vector<8x128xf32>
    %slice3A_5 = vector.extract_strided_slice %get3A_4 {offsets = [0, 0], sizes = [4, 128], strides = [1, 1]} : vector<8x128xf32> to vector<4x128xf32>
    %concatenate3A_6 = tpu.concatenate %slice3A_5, %slice3A_5, %slice3A_5, %slice3A_5, %slice3A_5, %slice3A_5, %slice3A_5, %slice3A_5, %slice3A_5, %slice3A_5, %slice3A_5, %slice3A_5, %slice3A_5, %slice3A_5, %slice3A_5, %slice3A_5 in 0 : vector<4x128xf32>, vector<4x128xf32>, vector<4x128xf32>, vector<4x128xf32>, vector<4x128xf32>, vector<4x128xf32>, vector<4x128xf32>, vector<4x128xf32>, vector<4x128xf32>, vector<4x128xf32>, vector<4x128xf32>, vector<4x128xf32>, vector<4x128xf32>, vector<4x128xf32>, vector<4x128xf32>, vector<4x128xf32> -> vector<64x128xf32>
    %get3A_7 = arith.constant 24 : index
    %get3A_8 = arith.constant 0 : index
    %get3A_9 = vector.load %arg0[%get3A_7, %get3A_8] : memref<48x128xf32, #tpu.memory_space<vmem>>, vector<8x128xf32>
    %slice3A_10 = vector.extract_strided_slice %get3A_9 {offsets = [0, 0], sizes = [4, 128], strides = [1, 1]} : vector<8x128xf32> to vector<4x128xf32>
    %concatenate3A_11 = tpu.concatenate %slice3A_10, %slice3A_10, %slice3A_10, %slice3A_10, %slice3A_10, %slice3A_10, %slice3A_10, %slice3A_10, %slice3A_10, %slice3A_10, %slice3A_10, %slice3A_10, %slice3A_10, %slice3A_10, %slice3A_10, %slice3A_10 in 0 : vector<4x128xf32>, vector<4x128xf32>, vector<4x128xf32>, vector<4x128xf32>, vector<4x128xf32>, vector<4x128xf32>, vector<4x128xf32>, vector<4x128xf32>, vector<4x128xf32>, vector<4x128xf32>, vector<4x128xf32>, vector<4x128xf32>, vector<4x128xf32>, vector<4x128xf32>, vector<4x128xf32>, vector<4x128xf32> -> vector<64x128xf32>
    %get3A_12 = arith.constant 32 : index
    %get3A_13 = arith.constant 0 : index
    %get3A_14 = vector.load %arg0[%get3A_12, %get3A_13] : memref<48x128xf32, #tpu.memory_space<vmem>>, vector<8x128xf32>
    %slice3A_15 = vector.extract_strided_slice %get3A_14 {offsets = [0, 0], sizes = [4, 128], strides = [1, 1]} : vector<8x128xf32> to vector<4x128xf32>
    %concatenate3A_16 = tpu.concatenate %slice3A_15, %slice3A_15, %slice3A_15, %slice3A_15, %slice3A_15, %slice3A_15, %slice3A_15, %slice3A_15, %slice3A_15, %slice3A_15, %slice3A_15, %slice3A_15, %slice3A_15, %slice3A_15, %slice3A_15, %slice3A_15 in 0 : vector<4x128xf32>, vector<4x128xf32>, vector<4x128xf32>, vector<4x128xf32>, vector<4x128xf32>, vector<4x128xf32>, vector<4x128xf32>, vector<4x128xf32>, vector<4x128xf32>, vector<4x128xf32>, vector<4x128xf32>, vector<4x128xf32>, vector<4x128xf32>, vector<4x128xf32>, vector<4x128xf32>, vector<4x128xf32> -> vector<64x128xf32>
    %get3A_17 = arith.constant 40 : index
    %get3A_18 = arith.constant 0 : index
    %get3A_19 = vector.load %arg0[%get3A_17, %get3A_18] : memref<48x128xf32, #tpu.memory_space<vmem>>, vector<8x128xf32>
    %slice3A_20 = vector.extract_strided_slice %get3A_19 {offsets = [0, 0], sizes = [4, 128], strides = [1, 1]} : vector<8x128xf32> to vector<4x128xf32>
    %concatenate3A_21 = tpu.concatenate %slice3A_20, %slice3A_20, %slice3A_20, %slice3A_20, %slice3A_20, %slice3A_20, %slice3A_20, %slice3A_20, %slice3A_20, %slice3A_20, %slice3A_20, %slice3A_20, %slice3A_20, %slice3A_20, %slice3A_20, %slice3A_20 in 0 : vector<4x128xf32>, vector<4x128xf32>, vector<4x128xf32>, vector<4x128xf32>, vector<4x128xf32>, vector<4x128xf32>, vector<4x128xf32>, vector<4x128xf32>, vector<4x128xf32>, vector<4x128xf32>, vector<4x128xf32>, vector<4x128xf32>, vector<4x128xf32>, vector<4x128xf32>, vector<4x128xf32>, vector<4x128xf32> -> vector<64x128xf32>
    %iota3A = tpu.iota {dimensions = array<i32: 0>} : vector<64x128xi32>
    %jit3A = arith.constant 4 : i32
    %div3A = vector.broadcast %jit3A : i32 to vector<64x128xi32>
    %div3A_22 = arith.divsi %iota3A, %div3A : vector<64x128xi32>
    %sign3A = arith.constant 0 : i32
    %sign3A_23 = vector.broadcast %sign3A : i32 to vector<64x128xi32>
    %sign3A_24 = arith.cmpi sgt, %iota3A, %sign3A_23 : vector<64x128xi32>
    %sign3A_25 = arith.extui %sign3A_24 : vector<64x128xi1> to vector<64x128xi32>
    %sign3A_26 = arith.constant 0 : i32
    %sign3A_27 = vector.broadcast %sign3A_26 : i32 to vector<64x128xi32>
    %sign3A_28 = arith.cmpi slt, %iota3A, %sign3A_27 : vector<64x128xi32>
    %sign3A_29 = arith.extui %sign3A_28 : vector<64x128xi1> to vector<64x128xi32>
    %sign3A_30 = arith.subi %sign3A_25, %sign3A_29 : vector<64x128xi32>
    %sign3A_31 = arith.constant 0 : i32
    %sign3A_32 = arith.cmpi sgt, %jit3A, %sign3A_31 : i32
    %sign3A_33 = arith.extui %sign3A_32 : i1 to i32
    %sign3A_34 = arith.constant 0 : i32
    %sign3A_35 = arith.cmpi slt, %jit3A, %sign3A_34 : i32
    %sign3A_36 = arith.extui %sign3A_35 : i1 to i32
    %sign3A_37 = arith.subi %sign3A_33, %sign3A_36 : i32
    %ne3A = vector.broadcast %sign3A_37 : i32 to vector<64x128xi32>
    %ne3A_38 = arith.cmpi ne, %sign3A_30, %ne3A : vector<64x128xi32>
    %rem3A = vector.broadcast %jit3A : i32 to vector<64x128xi32>
    %rem3A_39 = arith.remsi %iota3A, %rem3A : vector<64x128xi32>
    %ne3A_40 = arith.constant 0 : i32
    %ne3A_41 = vector.broadcast %ne3A_40 : i32 to vector<64x128xi32>
    %ne3A_42 = arith.cmpi ne, %rem3A_39, %ne3A_41 : vector<64x128xi32>
    %and3A = arith.andi %ne3A_38, %ne3A_42 : vector<64x128xi1>
    %sub3A = arith.constant 1 : i32
    %sub3A_43 = vector.broadcast %sub3A : i32 to vector<64x128xi32>
    %sub3A_44 = arith.subi %div3A_22, %sub3A_43 : vector<64x128xi32>
    %select_n3A = arith.select %and3A, %sub3A_44, %div3A_22 : vector<64x128xi1>, vector<64x128xi32>
    %jit3A_45 = arith.constant 3 : i32
    %div3A_46 = vector.broadcast %jit3A_45 : i32 to vector<64x128xi32>
    %div3A_47 = arith.divsi %select_n3A, %div3A_46 : vector<64x128xi32>
    %sign3A_48 = arith.constant 0 : i32
    %sign3A_49 = vector.broadcast %sign3A_48 : i32 to vector<64x128xi32>
    %sign3A_50 = arith.cmpi sgt, %select_n3A, %sign3A_49 : vector<64x128xi32>
    %sign3A_51 = arith.extui %sign3A_50 : vector<64x128xi1> to vector<64x128xi32>
    %sign3A_52 = arith.constant 0 : i32
    %sign3A_53 = vector.broadcast %sign3A_52 : i32 to vector<64x128xi32>
    %sign3A_54 = arith.cmpi slt, %select_n3A, %sign3A_53 : vector<64x128xi32>
    %sign3A_55 = arith.extui %sign3A_54 : vector<64x128xi1> to vector<64x128xi32>
    %sign3A_56 = arith.subi %sign3A_51, %sign3A_55 : vector<64x128xi32>
    %sign3A_57 = arith.constant 0 : i32
    %sign3A_58 = arith.cmpi sgt, %jit3A_45, %sign3A_57 : i32
    %sign3A_59 = arith.extui %sign3A_58 : i1 to i32
    %sign3A_60 = arith.constant 0 : i32
    %sign3A_61 = arith.cmpi slt, %jit3A_45, %sign3A_60 : i32
    %sign3A_62 = arith.extui %sign3A_61 : i1 to i32
    %sign3A_63 = arith.subi %sign3A_59, %sign3A_62 : i32
    %ne3A_64 = vector.broadcast %sign3A_63 : i32 to vector<64x128xi32>
    %ne3A_65 = arith.cmpi ne, %sign3A_56, %ne3A_64 : vector<64x128xi32>
    %rem3A_66 = vector.broadcast %jit3A_45 : i32 to vector<64x128xi32>
    %rem3A_67 = arith.remsi %select_n3A, %rem3A_66 : vector<64x128xi32>
    %ne3A_68 = arith.constant 0 : i32
    %ne3A_69 = vector.broadcast %ne3A_68 : i32 to vector<64x128xi32>
    %ne3A_70 = arith.cmpi ne, %rem3A_67, %ne3A_69 : vector<64x128xi32>
    %and3A_71 = arith.andi %ne3A_65, %ne3A_70 : vector<64x128xi1>
    %sub3A_72 = arith.constant 1 : i32
    %sub3A_73 = vector.broadcast %sub3A_72 : i32 to vector<64x128xi32>
    %sub3A_74 = arith.subi %div3A_47, %sub3A_73 : vector<64x128xi32>
    %select_n3A_75 = arith.select %and3A_71, %sub3A_74, %div3A_47 : vector<64x128xi1>, vector<64x128xi32>
    %mul3A = arith.constant 3 : i32
    %mul3A_76 = vector.broadcast %mul3A : i32 to vector<64x128xi32>
    %mul3A_77 = arith.muli %mul3A_76, %select_n3A_75 : vector<64x128xi32>
    %sub3A_78 = arith.subi %select_n3A, %mul3A_77 : vector<64x128xi32>
    %convert_element_type3A = arith.fptosi %concatenate3A : vector<64x128xf32> to vector<64x128xi32>
    %mul3A_79 = arith.constant 8.000000e+01 : f32
    %mul3A_80 = vector.broadcast %mul3A_79 : f32 to vector<64x128xf32>
    %mul3A_81 = arith.mulf %concatenate3A_6, %mul3A_80 : vector<64x128xf32>
    %mul3A_82 = arith.constant 8.000000e+01 : f32
    %mul3A_83 = vector.broadcast %mul3A_82 : f32 to vector<64x128xf32>
    %mul3A_84 = arith.mulf %concatenate3A_11, %mul3A_83 : vector<64x128xf32>
    %mul3A_85 = arith.constant 8.000000e+01 : f32
    %mul3A_86 = vector.broadcast %mul3A_85 : f32 to vector<64x128xf32>
    %mul3A_87 = arith.mulf %concatenate3A_16, %mul3A_86 : vector<64x128xf32>
    %mul3A_88 = arith.constant 8.000000e+01 : f32
    %mul3A_89 = vector.broadcast %mul3A_88 : f32 to vector<64x128xf32>
    %mul3A_90 = arith.mulf %concatenate3A_21, %mul3A_89 : vector<64x128xf32>
    %eq3A = arith.constant 0 : i32
    %eq3A_91 = vector.broadcast %eq3A : i32 to vector<64x128xi32>
    %eq3A_92 = arith.cmpi eq, %sub3A_78, %eq3A_91 : vector<64x128xi32>
    %eq3A_93 = arith.constant 1 : i32
    %eq3A_94 = vector.broadcast %eq3A_93 : i32 to vector<64x128xi32>
    %eq3A_95 = arith.cmpi eq, %sub3A_78, %eq3A_94 : vector<64x128xi32>
    %jit3A_96 = arith.constant 5.137500e+00 : f32
    %jit3A_97 = arith.constant 9.2624998 : f32
    %broadcast_in_dim3A = vector.broadcast %jit3A_96 : f32 to vector<64x128xf32>
    %broadcast_in_dim3A_98 = vector.broadcast %jit3A_97 : f32 to vector<64x128xf32>
    %select_n3A_99 = arith.select %eq3A_95, %broadcast_in_dim3A, %broadcast_in_dim3A_98 : vector<64x128xi1>, vector<64x128xf32>
    %jit3A_100 = arith.constant 2.025000e+00 : f32
    %broadcast_in_dim3A_101 = vector.broadcast %jit3A_100 : f32 to vector<64x128xf32>
    %select_n3A_102 = arith.select %eq3A_92, %broadcast_in_dim3A_101, %select_n3A_99 : vector<64x128xi1>, vector<64x128xf32>
    %eq3A_103 = arith.constant 0 : i32
    %eq3A_104 = vector.broadcast %eq3A_103 : i32 to vector<64x128xi32>
    %eq3A_105 = arith.cmpi eq, %sub3A_78, %eq3A_104 : vector<64x128xi32>
    %eq3A_106 = arith.constant 1 : i32
    %eq3A_107 = vector.broadcast %eq3A_106 : i32 to vector<64x128xi32>
    %eq3A_108 = arith.cmpi eq, %sub3A_78, %eq3A_107 : vector<64x128xi32>
    %jit3A_109 = arith.constant 4.162500e+00 : f32
    %jit3A_110 = arith.constant 7.1999998 : f32
    %broadcast_in_dim3A_111 = vector.broadcast %jit3A_109 : f32 to vector<64x128xf32>
    %broadcast_in_dim3A_112 = vector.broadcast %jit3A_110 : f32 to vector<64x128xf32>
    %select_n3A_113 = arith.select %eq3A_108, %broadcast_in_dim3A_111, %broadcast_in_dim3A_112 : vector<64x128xi1>, vector<64x128xf32>
    %jit3A_114 = arith.constant 1.800000e+00 : f32
    %broadcast_in_dim3A_115 = vector.broadcast %jit3A_114 : f32 to vector<64x128xf32>
    %select_n3A_116 = arith.select %eq3A_105, %broadcast_in_dim3A_115, %select_n3A_113 : vector<64x128xi1>, vector<64x128xf32>
    %div3A_117 = arith.divf %mul3A_87, %select_n3A_102 : vector<64x128xf32>
    %div3A_118 = arith.divf %mul3A_90, %select_n3A_116 : vector<64x128xf32>
    %div3A_119 = arith.constant 1.000000e+00 : f32
    %div3A_120 = vector.broadcast %div3A_119 : f32 to vector<64x128xf32>
    %div3A_121 = arith.divf %div3A_120, %div3A_117 : vector<64x128xf32>
    %max3A = arith.maximumf %div3A_117, %div3A_121 : vector<64x128xf32>
    %div3A_122 = arith.constant 1.000000e+00 : f32
    %div3A_123 = vector.broadcast %div3A_122 : f32 to vector<64x128xf32>
    %div3A_124 = arith.divf %div3A_123, %div3A_118 : vector<64x128xf32>
    %max3A_125 = arith.maximumf %div3A_118, %div3A_124 : vector<64x128xf32>
    %max3A_126 = arith.maximumf %max3A, %max3A_125 : vector<64x128xf32>
    %lt3A = arith.constant 4.000000e+00 : f32
    %lt3A_127 = vector.broadcast %lt3A : f32 to vector<64x128xf32>
    %lt3A_128 = arith.cmpf olt, %max3A_126, %lt3A_127 : vector<64x128xf32>
    %floor3A = math.floor %mul3A_81 : vector<64x128xf32>
    %sub3A_129 = arith.subf %mul3A_81, %floor3A : vector<64x128xf32>
    %lt3A_130 = arith.constant 5.000000e-01 : f32
    %lt3A_131 = vector.broadcast %lt3A_130 : f32 to vector<64x128xf32>
    %lt3A_132 = arith.cmpf olt, %sub3A_129, %lt3A_131 : vector<64x128xf32>
    %gt3A = arith.constant 1.000000e+00 : f32
    %gt3A_133 = vector.broadcast %gt3A : f32 to vector<64x128xf32>
    %gt3A_134 = arith.cmpf ogt, %mul3A_81, %gt3A_133 : vector<64x128xf32>
    %and3A_135 = arith.andi %lt3A_132, %gt3A_134 : vector<64x128xi1>
    %floor3A_136 = math.floor %mul3A_84 : vector<64x128xf32>
    %sub3A_137 = arith.subf %mul3A_84, %floor3A_136 : vector<64x128xf32>
    %lt3A_138 = arith.constant 5.000000e-01 : f32
    %lt3A_139 = vector.broadcast %lt3A_138 : f32 to vector<64x128xf32>
    %lt3A_140 = arith.cmpf olt, %sub3A_137, %lt3A_139 : vector<64x128xf32>
    %gt3A_141 = arith.constant 1.000000e+00 : f32
    %gt3A_142 = vector.broadcast %gt3A_141 : f32 to vector<64x128xf32>
    %gt3A_143 = arith.cmpf ogt, %mul3A_84, %gt3A_142 : vector<64x128xf32>
    %and3A_144 = arith.andi %lt3A_140, %gt3A_143 : vector<64x128xi1>
    %sub3A_145 = arith.constant 8.000000e+01 : f32
    %sub3A_146 = vector.broadcast %sub3A_145 : f32 to vector<64x128xf32>
    %sub3A_147 = arith.subf %sub3A_146, %mul3A_81 : vector<64x128xf32>
    %sub3A_148 = arith.constant 8.000000e+01 : f32
    %sub3A_149 = vector.broadcast %sub3A_148 : f32 to vector<64x128xf32>
    %sub3A_150 = arith.subf %sub3A_149, %mul3A_84 : vector<64x128xf32>
    %floor3A_151 = math.floor %sub3A_147 : vector<64x128xf32>
    %sub3A_152 = arith.subf %sub3A_147, %floor3A_151 : vector<64x128xf32>
    %lt3A_153 = arith.constant 5.000000e-01 : f32
    %lt3A_154 = vector.broadcast %lt3A_153 : f32 to vector<64x128xf32>
    %lt3A_155 = arith.cmpf olt, %sub3A_152, %lt3A_154 : vector<64x128xf32>
    %gt3A_156 = arith.constant 1.000000e+00 : f32
    %gt3A_157 = vector.broadcast %gt3A_156 : f32 to vector<64x128xf32>
    %gt3A_158 = arith.cmpf ogt, %sub3A_147, %gt3A_157 : vector<64x128xf32>
    %and3A_159 = arith.andi %lt3A_155, %gt3A_158 : vector<64x128xi1>
    %floor3A_160 = math.floor %sub3A_150 : vector<64x128xf32>
    %sub3A_161 = arith.subf %sub3A_150, %floor3A_160 : vector<64x128xf32>
    %lt3A_162 = arith.constant 5.000000e-01 : f32
    %lt3A_163 = vector.broadcast %lt3A_162 : f32 to vector<64x128xf32>
    %lt3A_164 = arith.cmpf olt, %sub3A_161, %lt3A_163 : vector<64x128xf32>
    %gt3A_165 = arith.constant 1.000000e+00 : f32
    %gt3A_166 = vector.broadcast %gt3A_165 : f32 to vector<64x128xf32>
    %gt3A_167 = arith.cmpf ogt, %sub3A_150, %gt3A_166 : vector<64x128xf32>
    %and3A_168 = arith.andi %lt3A_164, %gt3A_167 : vector<64x128xi1>
    %eq3A_169 = arith.constant 0 : i32
    %eq3A_170 = vector.broadcast %eq3A_169 : i32 to vector<64x128xi32>
    %eq3A_171 = arith.cmpi eq, %select_n3A_75, %eq3A_170 : vector<64x128xi32>
    %eq3A_172 = arith.constant 1 : i32
    %eq3A_173 = vector.broadcast %eq3A_172 : i32 to vector<64x128xi32>
    %eq3A_174 = arith.cmpi eq, %select_n3A_75, %eq3A_173 : vector<64x128xi32>
    %and3A_175 = arith.andi %eq3A_174, %and3A_135 : vector<64x128xi1>
    %or3A = arith.ori %eq3A_171, %and3A_175 : vector<64x128xi1>
    %eq3A_176 = arith.constant 2 : i32
    %eq3A_177 = vector.broadcast %eq3A_176 : i32 to vector<64x128xi32>
    %eq3A_178 = arith.cmpi eq, %select_n3A_75, %eq3A_177 : vector<64x128xi32>
    %and3A_179 = arith.andi %eq3A_178, %and3A_144 : vector<64x128xi1>
    %or3A_180 = arith.ori %or3A, %and3A_179 : vector<64x128xi1>
    %eq3A_181 = arith.constant 3 : i32
    %eq3A_182 = vector.broadcast %eq3A_181 : i32 to vector<64x128xi32>
    %eq3A_183 = arith.cmpi eq, %select_n3A_75, %eq3A_182 : vector<64x128xi32>
    %and3A_184 = arith.andi %eq3A_183, %and3A_159 : vector<64x128xi1>
    %or3A_185 = arith.ori %or3A_180, %and3A_184 : vector<64x128xi1>
    %eq3A_186 = arith.constant 4 : i32
    %eq3A_187 = vector.broadcast %eq3A_186 : i32 to vector<64x128xi32>
    %eq3A_188 = arith.cmpi eq, %select_n3A_75, %eq3A_187 : vector<64x128xi32>
    %and3A_189 = arith.andi %eq3A_188, %and3A_168 : vector<64x128xi1>
    %or3A_190 = arith.ori %or3A_185, %and3A_189 : vector<64x128xi1>
    %and3A_191 = arith.andi %or3A_190, %lt3A_128 : vector<64x128xi1>
    %convert_element_type3A_192 = arith.extui %and3A_191 : vector<64x128xi1> to vector<64x128xi32>
    %convert_element_type3A_193 = arith.sitofp %convert_element_type3A_192 : vector<64x128xi32> to vector<64x128xf32>
    %eq3A_194 = arith.constant 1 : i32
    %eq3A_195 = vector.broadcast %eq3A_194 : i32 to vector<64x128xi32>
    %eq3A_196 = arith.cmpi eq, %select_n3A_75, %eq3A_195 : vector<64x128xi32>
    %jit3A_197 = arith.constant 5.000000e-01 : f32
    %jit3A_198 = arith.constant 0.000000e+00 : f32
    %broadcast_in_dim3A_199 = vector.broadcast %jit3A_197 : f32 to vector<64x128xf32>
    %broadcast_in_dim3A_200 = vector.broadcast %jit3A_198 : f32 to vector<64x128xf32>
    %select_n3A_201 = arith.select %eq3A_196, %broadcast_in_dim3A_199, %broadcast_in_dim3A_200 : vector<64x128xi1>, vector<64x128xf32>
    %eq3A_202 = arith.constant 3 : i32
    %eq3A_203 = vector.broadcast %eq3A_202 : i32 to vector<64x128xi32>
    %eq3A_204 = arith.cmpi eq, %select_n3A_75, %eq3A_203 : vector<64x128xi32>
    %jit3A_205 = arith.constant -5.000000e-01 : f32
    %jit3A_206 = arith.constant 0.000000e+00 : f32
    %broadcast_in_dim3A_207 = vector.broadcast %jit3A_205 : f32 to vector<64x128xf32>
    %broadcast_in_dim3A_208 = vector.broadcast %jit3A_206 : f32 to vector<64x128xf32>
    %select_n3A_209 = arith.select %eq3A_204, %broadcast_in_dim3A_207, %broadcast_in_dim3A_208 : vector<64x128xi1>, vector<64x128xf32>
    %add3A = arith.addf %select_n3A_201, %select_n3A_209 : vector<64x128xf32>
    %eq3A_210 = arith.constant 2 : i32
    %eq3A_211 = vector.broadcast %eq3A_210 : i32 to vector<64x128xi32>
    %eq3A_212 = arith.cmpi eq, %select_n3A_75, %eq3A_211 : vector<64x128xi32>
    %jit3A_213 = arith.constant 5.000000e-01 : f32
    %jit3A_214 = arith.constant 0.000000e+00 : f32
    %broadcast_in_dim3A_215 = vector.broadcast %jit3A_213 : f32 to vector<64x128xf32>
    %broadcast_in_dim3A_216 = vector.broadcast %jit3A_214 : f32 to vector<64x128xf32>
    %select_n3A_217 = arith.select %eq3A_212, %broadcast_in_dim3A_215, %broadcast_in_dim3A_216 : vector<64x128xi1>, vector<64x128xf32>
    %eq3A_218 = arith.constant 4 : i32
    %eq3A_219 = vector.broadcast %eq3A_218 : i32 to vector<64x128xi32>
    %eq3A_220 = arith.cmpi eq, %select_n3A_75, %eq3A_219 : vector<64x128xi32>
    %jit3A_221 = arith.constant -5.000000e-01 : f32
    %jit3A_222 = arith.constant 0.000000e+00 : f32
    %broadcast_in_dim3A_223 = vector.broadcast %jit3A_221 : f32 to vector<64x128xf32>
    %broadcast_in_dim3A_224 = vector.broadcast %jit3A_222 : f32 to vector<64x128xf32>
    %select_n3A_225 = arith.select %eq3A_220, %broadcast_in_dim3A_223, %broadcast_in_dim3A_224 : vector<64x128xi1>, vector<64x128xf32>
    %add3A_226 = arith.addf %select_n3A_217, %select_n3A_225 : vector<64x128xf32>
    %sub3A_227 = arith.subf %mul3A_81, %add3A : vector<64x128xf32>
    %sub3A_228 = arith.subf %mul3A_84, %add3A_226 : vector<64x128xf32>
    %convert_element_type3A_229 = arith.fptosi %sub3A_227 : vector<64x128xf32> to vector<64x128xi32>
    %convert_element_type3A_230 = arith.fptosi %sub3A_228 : vector<64x128xf32> to vector<64x128xi32>
    %jit3A_231 = arith.constant 0 : i32
    %jit3A_232 = arith.constant 79 : i32
    %max3A_233 = vector.broadcast %jit3A_231 : i32 to vector<64x128xi32>
    %max3A_234 = arith.maxsi %max3A_233, %convert_element_type3A_229 : vector<64x128xi32>
    %min3A = vector.broadcast %jit3A_232 : i32 to vector<64x128xi32>
    %min3A_235 = arith.minsi %min3A, %max3A_234 : vector<64x128xi32>
    %jit3A_236 = arith.constant 0 : i32
    %jit3A_237 = arith.constant 79 : i32
    %max3A_238 = vector.broadcast %jit3A_236 : i32 to vector<64x128xi32>
    %max3A_239 = arith.maxsi %max3A_238, %convert_element_type3A_230 : vector<64x128xi32>
    %min3A_240 = vector.broadcast %jit3A_237 : i32 to vector<64x128xi32>
    %min3A_241 = arith.minsi %min3A_240, %max3A_239 : vector<64x128xi32>
    %convert_element_type3A_242 = arith.sitofp %convert_element_type3A_229 : vector<64x128xi32> to vector<64x128xf32>
    %sub3A_243 = arith.subf %mul3A_81, %convert_element_type3A_242 : vector<64x128xf32>
    %convert_element_type3A_244 = arith.sitofp %convert_element_type3A_230 : vector<64x128xi32> to vector<64x128xf32>
    %sub3A_245 = arith.subf %mul3A_84, %convert_element_type3A_244 : vector<64x128xf32>
    %mul3A_246 = arith.constant 15 : i32
    %mul3A_247 = vector.broadcast %mul3A_246 : i32 to vector<64x128xi32>
    %mul3A_248 = arith.muli %convert_element_type3A, %mul3A_247 : vector<64x128xi32>
    %mul3A_249 = arith.constant 5 : i32
    %mul3A_250 = vector.broadcast %mul3A_249 : i32 to vector<64x128xi32>
    %mul3A_251 = arith.muli %sub3A_78, %mul3A_250 : vector<64x128xi32>
    %add3A_252 = arith.addi %mul3A_248, %mul3A_251 : vector<64x128xi32>
    %mul3A_253 = arith.constant 80 : i32
    %mul3A_254 = vector.broadcast %mul3A_253 : i32 to vector<64x128xi32>
    %mul3A_255 = arith.muli %add3A_252, %mul3A_254 : vector<64x128xi32>
    %add3A_256 = arith.addi %mul3A_255, %min3A_241 : vector<64x128xi32>
    %mul3A_257 = arith.constant 80 : i32
    %mul3A_258 = vector.broadcast %mul3A_257 : i32 to vector<64x128xi32>
    %mul3A_259 = arith.muli %add3A_256, %mul3A_258 : vector<64x128xi32>
    %add3A_260 = arith.addi %mul3A_259, %min3A_235 : vector<64x128xi32>
    %add3A_261 = arith.constant 0 : i32
    %add3A_262 = vector.broadcast %add3A_261 : i32 to vector<64x128xi32>
    %add3A_263 = arith.addi %add3A_260, %add3A_262 : vector<64x128xi32>
    %add3A_264 = arith.constant 6400 : i32
    %add3A_265 = vector.broadcast %add3A_264 : i32 to vector<64x128xi32>
    %add3A_266 = arith.addi %add3A_260, %add3A_265 : vector<64x128xi32>
    %add3A_267 = arith.constant 12800 : i32
    %add3A_268 = vector.broadcast %add3A_267 : i32 to vector<64x128xi32>
    %add3A_269 = arith.addi %add3A_260, %add3A_268 : vector<64x128xi32>
    %add3A_270 = arith.constant 19200 : i32
    %add3A_271 = vector.broadcast %add3A_270 : i32 to vector<64x128xi32>
    %add3A_272 = arith.addi %add3A_260, %add3A_271 : vector<64x128xi32>
    %add3A_273 = arith.constant 25600 : i32
    %add3A_274 = vector.broadcast %add3A_273 : i32 to vector<64x128xi32>
    %add3A_275 = arith.addi %add3A_260, %add3A_274 : vector<64x128xi32>
    %concatenate3A_276 = tpu.concatenate %add3A_263, %add3A_266, %add3A_269, %add3A_272, %add3A_275 in 0 : vector<64x128xi32>, vector<64x128xi32>, vector<64x128xi32>, vector<64x128xi32>, vector<64x128xi32> -> vector<320x128xi32>
    %swap3A = arith.constant 0 : index
    %swap3A_277 = arith.constant 0 : index
    %swap3A_278 = vector.load %arg1[%swap3A, %swap3A_277] : memref<320x128xi32, #tpu.memory_space<vmem>>, vector<320x128xi32>
    tpu.vector_store %arg1[%swap3A, %swap3A_277], %concatenate3A_276 {strides = array<i32>} : memref<320x128xi32, #tpu.memory_space<vmem>>, vector<320x128xi32>,
    %broadcast_in_dim3A_279 = arith.constant 0.000000e+00 : f32
    %broadcast_in_dim3A_280 = vector.broadcast %broadcast_in_dim3A_279 : f32 to vector<64x128xf32>
    %concatenate3A_281 = tpu.concatenate %convert_element_type3A_193, %sub3A_243, %sub3A_245, %mul3A_87, %mul3A_90, %select_n3A_102, %select_n3A_116, %broadcast_in_dim3A_280 in 0 : vector<64x128xf32>, vector<64x128xf32>, vector<64x128xf32>, vector<64x128xf32>, vector<64x128xf32>, vector<64x128xf32>, vector<64x128xf32>, vector<64x128xf32> -> vector<512x128xf32>
    %swap3A_282 = arith.constant 0 : index
    %swap3A_283 = arith.constant 0 : index
    %swap3A_284 = vector.load %arg4[%swap3A_282, %swap3A_283] : memref<512x128xf32, #tpu.memory_space<vmem>>, vector<512x128xf32>
    tpu.vector_store %arg4[%swap3A_282, %swap3A_283], %concatenate3A_281 {strides = array<i32>} : memref<512x128xf32, #tpu.memory_space<vmem>>, vector<512x128xf32>,
    %mul3A_285 = arith.constant 4.000000e+01 : f32
    %mul3A_286 = vector.broadcast %mul3A_285 : f32 to vector<64x128xf32>
    %mul3A_287 = arith.mulf %concatenate3A_6, %mul3A_286 : vector<64x128xf32>
    %mul3A_288 = arith.constant 4.000000e+01 : f32
    %mul3A_289 = vector.broadcast %mul3A_288 : f32 to vector<64x128xf32>
    %mul3A_290 = arith.mulf %concatenate3A_11, %mul3A_289 : vector<64x128xf32>
    %mul3A_291 = arith.constant 4.000000e+01 : f32
    %mul3A_292 = vector.broadcast %mul3A_291 : f32 to vector<64x128xf32>
    %mul3A_293 = arith.mulf %concatenate3A_16, %mul3A_292 : vector<64x128xf32>
    %mul3A_294 = arith.constant 4.000000e+01 : f32
    %mul3A_295 = vector.broadcast %mul3A_294 : f32 to vector<64x128xf32>
    %mul3A_296 = arith.mulf %concatenate3A_21, %mul3A_295 : vector<64x128xf32>
    %eq3A_297 = arith.constant 0 : i32
    %eq3A_298 = vector.broadcast %eq3A_297 : i32 to vector<64x128xi32>
    %eq3A_299 = arith.cmpi eq, %sub3A_78, %eq3A_298 : vector<64x128xi32>
    %eq3A_300 = arith.constant 1 : i32
    %eq3A_301 = vector.broadcast %eq3A_300 : i32 to vector<64x128xi32>
    %eq3A_302 = arith.cmpi eq, %sub3A_78, %eq3A_301 : vector<64x128xi32>
    %jit3A_303 = arith.constant 9.14999961 : f32
    %jit3A_304 = arith.constant 11.2687502 : f32
    %broadcast_in_dim3A_305 = vector.broadcast %jit3A_303 : f32 to vector<64x128xf32>
    %broadcast_in_dim3A_306 = vector.broadcast %jit3A_304 : f32 to vector<64x128xf32>
    %select_n3A_307 = arith.select %eq3A_302, %broadcast_in_dim3A_305, %broadcast_in_dim3A_306 : vector<64x128xi1>, vector<64x128xf32>
    %jit3A_308 = arith.constant 6.900000e+00 : f32
    %broadcast_in_dim3A_309 = vector.broadcast %jit3A_308 : f32 to vector<64x128xf32>
    %select_n3A_310 = arith.select %eq3A_299, %broadcast_in_dim3A_309, %select_n3A_307 : vector<64x128xi1>, vector<64x128xf32>
    %eq3A_311 = arith.constant 0 : i32
    %eq3A_312 = vector.broadcast %eq3A_311 : i32 to vector<64x128xi32>
    %eq3A_313 = arith.cmpi eq, %sub3A_78, %eq3A_312 : vector<64x128xi32>
    %eq3A_314 = arith.constant 1 : i32
    %eq3A_315 = vector.broadcast %eq3A_314 : i32 to vector<64x128xi32>
    %eq3A_316 = arith.cmpi eq, %sub3A_78, %eq3A_315 : vector<64x128xi32>
    %jit3A_317 = arith.constant 6.693750e+00 : f32
    %jit3A_318 = arith.constant 8.287500e+00 : f32
    %broadcast_in_dim3A_319 = vector.broadcast %jit3A_317 : f32 to vector<64x128xf32>
    %broadcast_in_dim3A_320 = vector.broadcast %jit3A_318 : f32 to vector<64x128xf32>
    %select_n3A_321 = arith.select %eq3A_316, %broadcast_in_dim3A_319, %broadcast_in_dim3A_320 : vector<64x128xi1>, vector<64x128xf32>
    %jit3A_322 = arith.constant 5.250000e+00 : f32
    %broadcast_in_dim3A_323 = vector.broadcast %jit3A_322 : f32 to vector<64x128xf32>
    %select_n3A_324 = arith.select %eq3A_313, %broadcast_in_dim3A_323, %select_n3A_321 : vector<64x128xi1>, vector<64x128xf32>
    %div3A_325 = arith.divf %mul3A_293, %select_n3A_310 : vector<64x128xf32>
    %div3A_326 = arith.divf %mul3A_296, %select_n3A_324 : vector<64x128xf32>
    %div3A_327 = arith.constant 1.000000e+00 : f32
    %div3A_328 = vector.broadcast %div3A_327 : f32 to vector<64x128xf32>
    %div3A_329 = arith.divf %div3A_328, %div3A_325 : vector<64x128xf32>
    %max3A_330 = arith.maximumf %div3A_325, %div3A_329 : vector<64x128xf32>
    %div3A_331 = arith.constant 1.000000e+00 : f32
    %div3A_332 = vector.broadcast %div3A_331 : f32 to vector<64x128xf32>
    %div3A_333 = arith.divf %div3A_332, %div3A_326 : vector<64x128xf32>
    %max3A_334 = arith.maximumf %div3A_326, %div3A_333 : vector<64x128xf32>
    %max3A_335 = arith.maximumf %max3A_330, %max3A_334 : vector<64x128xf32>
    %lt3A_336 = arith.constant 4.000000e+00 : f32
    %lt3A_337 = vector.broadcast %lt3A_336 : f32 to vector<64x128xf32>
    %lt3A_338 = arith.cmpf olt, %max3A_335, %lt3A_337 : vector<64x128xf32>
    %floor3A_339 = math.floor %mul3A_287 : vector<64x128xf32>
    %sub3A_340 = arith.subf %mul3A_287, %floor3A_339 : vector<64x128xf32>
    %lt3A_341 = arith.constant 5.000000e-01 : f32
    %lt3A_342 = vector.broadcast %lt3A_341 : f32 to vector<64x128xf32>
    %lt3A_343 = arith.cmpf olt, %sub3A_340, %lt3A_342 : vector<64x128xf32>
    %gt3A_344 = arith.constant 1.000000e+00 : f32
    %gt3A_345 = vector.broadcast %gt3A_344 : f32 to vector<64x128xf32>
    %gt3A_346 = arith.cmpf ogt, %mul3A_287, %gt3A_345 : vector<64x128xf32>
    %and3A_347 = arith.andi %lt3A_343, %gt3A_346 : vector<64x128xi1>
    %floor3A_348 = math.floor %mul3A_290 : vector<64x128xf32>
    %sub3A_349 = arith.subf %mul3A_290, %floor3A_348 : vector<64x128xf32>
    %lt3A_350 = arith.constant 5.000000e-01 : f32
    %lt3A_351 = vector.broadcast %lt3A_350 : f32 to vector<64x128xf32>
    %lt3A_352 = arith.cmpf olt, %sub3A_349, %lt3A_351 : vector<64x128xf32>
    %gt3A_353 = arith.constant 1.000000e+00 : f32
    %gt3A_354 = vector.broadcast %gt3A_353 : f32 to vector<64x128xf32>
    %gt3A_355 = arith.cmpf ogt, %mul3A_290, %gt3A_354 : vector<64x128xf32>
    %and3A_356 = arith.andi %lt3A_352, %gt3A_355 : vector<64x128xi1>
    %sub3A_357 = arith.constant 4.000000e+01 : f32
    %sub3A_358 = vector.broadcast %sub3A_357 : f32 to vector<64x128xf32>
    %sub3A_359 = arith.subf %sub3A_358, %mul3A_287 : vector<64x128xf32>
    %sub3A_360 = arith.constant 4.000000e+01 : f32
    %sub3A_361 = vector.broadcast %sub3A_360 : f32 to vector<64x128xf32>
    %sub3A_362 = arith.subf %sub3A_361, %mul3A_290 : vector<64x128xf32>
    %floor3A_363 = math.floor %sub3A_359 : vector<64x128xf32>
    %sub3A_364 = arith.subf %sub3A_359, %floor3A_363 : vector<64x128xf32>
    %lt3A_365 = arith.constant 5.000000e-01 : f32
    %lt3A_366 = vector.broadcast %lt3A_365 : f32 to vector<64x128xf32>
    %lt3A_367 = arith.cmpf olt, %sub3A_364, %lt3A_366 : vector<64x128xf32>
    %gt3A_368 = arith.constant 1.000000e+00 : f32
    %gt3A_369 = vector.broadcast %gt3A_368 : f32 to vector<64x128xf32>
    %gt3A_370 = arith.cmpf ogt, %sub3A_359, %gt3A_369 : vector<64x128xf32>
    %and3A_371 = arith.andi %lt3A_367, %gt3A_370 : vector<64x128xi1>
    %floor3A_372 = math.floor %sub3A_362 : vector<64x128xf32>
    %sub3A_373 = arith.subf %sub3A_362, %floor3A_372 : vector<64x128xf32>
    %lt3A_374 = arith.constant 5.000000e-01 : f32
    %lt3A_375 = vector.broadcast %lt3A_374 : f32 to vector<64x128xf32>
    %lt3A_376 = arith.cmpf olt, %sub3A_373, %lt3A_375 : vector<64x128xf32>
    %gt3A_377 = arith.constant 1.000000e+00 : f32
    %gt3A_378 = vector.broadcast %gt3A_377 : f32 to vector<64x128xf32>
    %gt3A_379 = arith.cmpf ogt, %sub3A_362, %gt3A_378 : vector<64x128xf32>
    %and3A_380 = arith.andi %lt3A_376, %gt3A_379 : vector<64x128xi1>
    %eq3A_381 = arith.constant 0 : i32
    %eq3A_382 = vector.broadcast %eq3A_381 : i32 to vector<64x128xi32>
    %eq3A_383 = arith.cmpi eq, %select_n3A_75, %eq3A_382 : vector<64x128xi32>
    %eq3A_384 = arith.constant 1 : i32
    %eq3A_385 = vector.broadcast %eq3A_384 : i32 to vector<64x128xi32>
    %eq3A_386 = arith.cmpi eq, %select_n3A_75, %eq3A_385 : vector<64x128xi32>
    %and3A_387 = arith.andi %eq3A_386, %and3A_347 : vector<64x128xi1>
    %or3A_388 = arith.ori %eq3A_383, %and3A_387 : vector<64x128xi1>
    %eq3A_389 = arith.constant 2 : i32
    %eq3A_390 = vector.broadcast %eq3A_389 : i32 to vector<64x128xi32>
    %eq3A_391 = arith.cmpi eq, %select_n3A_75, %eq3A_390 : vector<64x128xi32>
    %and3A_392 = arith.andi %eq3A_391, %and3A_356 : vector<64x128xi1>
    %or3A_393 = arith.ori %or3A_388, %and3A_392 : vector<64x128xi1>
    %eq3A_394 = arith.constant 3 : i32
    %eq3A_395 = vector.broadcast %eq3A_394 : i32 to vector<64x128xi32>
    %eq3A_396 = arith.cmpi eq, %select_n3A_75, %eq3A_395 : vector<64x128xi32>
    %and3A_397 = arith.andi %eq3A_396, %and3A_371 : vector<64x128xi1>
    %or3A_398 = arith.ori %or3A_393, %and3A_397 : vector<64x128xi1>
    %eq3A_399 = arith.constant 4 : i32
    %eq3A_400 = vector.broadcast %eq3A_399 : i32 to vector<64x128xi32>
    %eq3A_401 = arith.cmpi eq, %select_n3A_75, %eq3A_400 : vector<64x128xi32>
    %and3A_402 = arith.andi %eq3A_401, %and3A_380 : vector<64x128xi1>
    %or3A_403 = arith.ori %or3A_398, %and3A_402 : vector<64x128xi1>
    %and3A_404 = arith.andi %or3A_403, %lt3A_338 : vector<64x128xi1>
    %convert_element_type3A_405 = arith.extui %and3A_404 : vector<64x128xi1> to vector<64x128xi32>
    %convert_element_type3A_406 = arith.sitofp %convert_element_type3A_405 : vector<64x128xi32> to vector<64x128xf32>
    %eq3A_407 = arith.constant 1 : i32
    %eq3A_408 = vector.broadcast %eq3A_407 : i32 to vector<64x128xi32>
    %eq3A_409 = arith.cmpi eq, %select_n3A_75, %eq3A_408 : vector<64x128xi32>
    %jit3A_410 = arith.constant 5.000000e-01 : f32
    %jit3A_411 = arith.constant 0.000000e+00 : f32
    %broadcast_in_dim3A_412 = vector.broadcast %jit3A_410 : f32 to vector<64x128xf32>
    %broadcast_in_dim3A_413 = vector.broadcast %jit3A_411 : f32 to vector<64x128xf32>
    %select_n3A_414 = arith.select %eq3A_409, %broadcast_in_dim3A_412, %broadcast_in_dim3A_413 : vector<64x128xi1>, vector<64x128xf32>
    %eq3A_415 = arith.constant 3 : i32
    %eq3A_416 = vector.broadcast %eq3A_415 : i32 to vector<64x128xi32>
    %eq3A_417 = arith.cmpi eq, %select_n3A_75, %eq3A_416 : vector<64x128xi32>
    %jit3A_418 = arith.constant -5.000000e-01 : f32
    %jit3A_419 = arith.constant 0.000000e+00 : f32
    %broadcast_in_dim3A_420 = vector.broadcast %jit3A_418 : f32 to vector<64x128xf32>
    %broadcast_in_dim3A_421 = vector.broadcast %jit3A_419 : f32 to vector<64x128xf32>
    %select_n3A_422 = arith.select %eq3A_417, %broadcast_in_dim3A_420, %broadcast_in_dim3A_421 : vector<64x128xi1>, vector<64x128xf32>
    %add3A_423 = arith.addf %select_n3A_414, %select_n3A_422 : vector<64x128xf32>
    %eq3A_424 = arith.constant 2 : i32
    %eq3A_425 = vector.broadcast %eq3A_424 : i32 to vector<64x128xi32>
    %eq3A_426 = arith.cmpi eq, %select_n3A_75, %eq3A_425 : vector<64x128xi32>
    %jit3A_427 = arith.constant 5.000000e-01 : f32
    %jit3A_428 = arith.constant 0.000000e+00 : f32
    %broadcast_in_dim3A_429 = vector.broadcast %jit3A_427 : f32 to vector<64x128xf32>
    %broadcast_in_dim3A_430 = vector.broadcast %jit3A_428 : f32 to vector<64x128xf32>
    %select_n3A_431 = arith.select %eq3A_426, %broadcast_in_dim3A_429, %broadcast_in_dim3A_430 : vector<64x128xi1>, vector<64x128xf32>
    %eq3A_432 = arith.constant 4 : i32
    %eq3A_433 = vector.broadcast %eq3A_432 : i32 to vector<64x128xi32>
    %eq3A_434 = arith.cmpi eq, %select_n3A_75, %eq3A_433 : vector<64x128xi32>
    %jit3A_435 = arith.constant -5.000000e-01 : f32
    %jit3A_436 = arith.constant 0.000000e+00 : f32
    %broadcast_in_dim3A_437 = vector.broadcast %jit3A_435 : f32 to vector<64x128xf32>
    %broadcast_in_dim3A_438 = vector.broadcast %jit3A_436 : f32 to vector<64x128xf32>
    %select_n3A_439 = arith.select %eq3A_434, %broadcast_in_dim3A_437, %broadcast_in_dim3A_438 : vector<64x128xi1>, vector<64x128xf32>
    %add3A_440 = arith.addf %select_n3A_431, %select_n3A_439 : vector<64x128xf32>
    %sub3A_441 = arith.subf %mul3A_287, %add3A_423 : vector<64x128xf32>
    %sub3A_442 = arith.subf %mul3A_290, %add3A_440 : vector<64x128xf32>
    %convert_element_type3A_443 = arith.fptosi %sub3A_441 : vector<64x128xf32> to vector<64x128xi32>
    %convert_element_type3A_444 = arith.fptosi %sub3A_442 : vector<64x128xf32> to vector<64x128xi32>
    %jit3A_445 = arith.constant 0 : i32
    %jit3A_446 = arith.constant 39 : i32
    %max3A_447 = vector.broadcast %jit3A_445 : i32 to vector<64x128xi32>
    %max3A_448 = arith.maxsi %max3A_447, %convert_element_type3A_443 : vector<64x128xi32>
    %min3A_449 = vector.broadcast %jit3A_446 : i32 to vector<64x128xi32>
    %min3A_450 = arith.minsi %min3A_449, %max3A_448 : vector<64x128xi32>
    %jit3A_451 = arith.constant 0 : i32
    %jit3A_452 = arith.constant 39 : i32
    %max3A_453 = vector.broadcast %jit3A_451 : i32 to vector<64x128xi32>
    %max3A_454 = arith.maxsi %max3A_453, %convert_element_type3A_444 : vector<64x128xi32>
    %min3A_455 = vector.broadcast %jit3A_452 : i32 to vector<64x128xi32>
    %min3A_456 = arith.minsi %min3A_455, %max3A_454 : vector<64x128xi32>
    %convert_element_type3A_457 = arith.sitofp %convert_element_type3A_443 : vector<64x128xi32> to vector<64x128xf32>
    %sub3A_458 = arith.subf %mul3A_287, %convert_element_type3A_457 : vector<64x128xf32>
    %convert_element_type3A_459 = arith.sitofp %convert_element_type3A_444 : vector<64x128xi32> to vector<64x128xf32>
    %sub3A_460 = arith.subf %mul3A_290, %convert_element_type3A_459 : vector<64x128xf32>
    %mul3A_461 = arith.constant 15 : i32
    %mul3A_462 = vector.broadcast %mul3A_461 : i32 to vector<64x128xi32>
    %mul3A_463 = arith.muli %convert_element_type3A, %mul3A_462 : vector<64x128xi32>
    %mul3A_464 = arith.constant 5 : i32
    %mul3A_465 = vector.broadcast %mul3A_464 : i32 to vector<64x128xi32>
    %mul3A_466 = arith.muli %sub3A_78, %mul3A_465 : vector<64x128xi32>
    %add3A_467 = arith.addi %mul3A_463, %mul3A_466 : vector<64x128xi32>
    %mul3A_468 = arith.constant 40 : i32
    %mul3A_469 = vector.broadcast %mul3A_468 : i32 to vector<64x128xi32>
    %mul3A_470 = arith.muli %add3A_467, %mul3A_469 : vector<64x128xi32>
    %add3A_471 = arith.addi %mul3A_470, %min3A_456 : vector<64x128xi32>
    %mul3A_472 = arith.constant 40 : i32
    %mul3A_473 = vector.broadcast %mul3A_472 : i32 to vector<64x128xi32>
    %mul3A_474 = arith.muli %add3A_471, %mul3A_473 : vector<64x128xi32>
    %add3A_475 = arith.addi %mul3A_474, %min3A_450 : vector<64x128xi32>
    %add3A_476 = arith.constant 0 : i32
    %add3A_477 = vector.broadcast %add3A_476 : i32 to vector<64x128xi32>
    %add3A_478 = arith.addi %add3A_475, %add3A_477 : vector<64x128xi32>
    %add3A_479 = arith.constant 1600 : i32
    %add3A_480 = vector.broadcast %add3A_479 : i32 to vector<64x128xi32>
    %add3A_481 = arith.addi %add3A_475, %add3A_480 : vector<64x128xi32>
    %add3A_482 = arith.constant 3200 : i32
    %add3A_483 = vector.broadcast %add3A_482 : i32 to vector<64x128xi32>
    %add3A_484 = arith.addi %add3A_475, %add3A_483 : vector<64x128xi32>
    %add3A_485 = arith.constant 4800 : i32
    %add3A_486 = vector.broadcast %add3A_485 : i32 to vector<64x128xi32>
    %add3A_487 = arith.addi %add3A_475, %add3A_486 : vector<64x128xi32>
    %add3A_488 = arith.constant 6400 : i32
    %add3A_489 = vector.broadcast %add3A_488 : i32 to vector<64x128xi32>
    %add3A_490 = arith.addi %add3A_475, %add3A_489 : vector<64x128xi32>
    %concatenate3A_491 = tpu.concatenate %add3A_478, %add3A_481, %add3A_484, %add3A_487, %add3A_490 in 0 : vector<64x128xi32>, vector<64x128xi32>, vector<64x128xi32>, vector<64x128xi32>, vector<64x128xi32> -> vector<320x128xi32>
    %swap3A_492 = arith.constant 0 : index
    %swap3A_493 = arith.constant 0 : index
    %swap3A_494 = vector.load %arg2[%swap3A_492, %swap3A_493] : memref<320x128xi32, #tpu.memory_space<vmem>>, vector<320x128xi32>
    tpu.vector_store %arg2[%swap3A_492, %swap3A_493], %concatenate3A_491 {strides = array<i32>} : memref<320x128xi32, #tpu.memory_space<vmem>>, vector<320x128xi32>,
    %broadcast_in_dim3A_495 = arith.constant 0.000000e+00 : f32
    %broadcast_in_dim3A_496 = vector.broadcast %broadcast_in_dim3A_495 : f32 to vector<64x128xf32>
    %concatenate3A_497 = tpu.concatenate %convert_element_type3A_406, %sub3A_458, %sub3A_460, %mul3A_293, %mul3A_296, %select_n3A_310, %select_n3A_324, %broadcast_in_dim3A_496 in 0 : vector<64x128xf32>, vector<64x128xf32>, vector<64x128xf32>, vector<64x128xf32>, vector<64x128xf32>, vector<64x128xf32>, vector<64x128xf32>, vector<64x128xf32> -> vector<512x128xf32>
    %swap3A_498 = arith.constant 0 : index
    %swap3A_499 = arith.constant 0 : index
    %swap3A_500 = vector.load %arg5[%swap3A_498, %swap3A_499] : memref<512x128xf32, #tpu.memory_space<vmem>>, vector<512x128xf32>
    tpu.vector_store %arg5[%swap3A_498, %swap3A_499], %concatenate3A_497 {strides = array<i32>} : memref<512x128xf32, #tpu.memory_space<vmem>>, vector<512x128xf32>,
    %mul3A_501 = arith.constant 2.000000e+01 : f32
    %mul3A_502 = vector.broadcast %mul3A_501 : f32 to vector<64x128xf32>
    %mul3A_503 = arith.mulf %concatenate3A_6, %mul3A_502 : vector<64x128xf32>
    %mul3A_504 = arith.constant 2.000000e+01 : f32
    %mul3A_505 = vector.broadcast %mul3A_504 : f32 to vector<64x128xf32>
    %mul3A_506 = arith.mulf %concatenate3A_11, %mul3A_505 : vector<64x128xf32>
    %mul3A_507 = arith.constant 2.000000e+01 : f32
    %mul3A_508 = vector.broadcast %mul3A_507 : f32 to vector<64x128xf32>
    %mul3A_509 = arith.mulf %concatenate3A_16, %mul3A_508 : vector<64x128xf32>
    %mul3A_510 = arith.constant 2.000000e+01 : f32
    %mul3A_511 = vector.broadcast %mul3A_510 : f32 to vector<64x128xf32>
    %mul3A_512 = arith.mulf %concatenate3A_21, %mul3A_511 : vector<64x128xf32>
    %eq3A_513 = arith.constant 0 : i32
    %eq3A_514 = vector.broadcast %eq3A_513 : i32 to vector<64x128xi32>
    %eq3A_515 = arith.cmpi eq, %sub3A_78, %eq3A_514 : vector<64x128xi32>
    %eq3A_516 = arith.constant 1 : i32
    %eq3A_517 = vector.broadcast %eq3A_516 : i32 to vector<64x128xi32>
    %eq3A_518 = arith.cmpi eq, %sub3A_78, %eq3A_517 : vector<64x128xi32>
    %jit3A_519 = arith.constant 6.712500e+00 : f32
    %jit3A_520 = arith.constant 8.693750e+00 : f32
    %broadcast_in_dim3A_521 = vector.broadcast %jit3A_519 : f32 to vector<64x128xf32>
    %broadcast_in_dim3A_522 = vector.broadcast %jit3A_520 : f32 to vector<64x128xf32>
    %select_n3A_523 = arith.select %eq3A_518, %broadcast_in_dim3A_521, %broadcast_in_dim3A_522 : vector<64x128xi1>, vector<64x128xf32>
    %jit3A_524 = arith.constant 7.062500e+00 : f32
    %broadcast_in_dim3A_525 = vector.broadcast %jit3A_524 : f32 to vector<64x128xf32>
    %select_n3A_526 = arith.select %eq3A_515, %broadcast_in_dim3A_525, %select_n3A_523 : vector<64x128xi1>, vector<64x128xf32>
    %eq3A_527 = arith.constant 0 : i32
    %eq3A_528 = vector.broadcast %eq3A_527 : i32 to vector<64x128xi32>
    %eq3A_529 = arith.cmpi eq, %sub3A_78, %eq3A_528 : vector<64x128xi32>
    %eq3A_530 = arith.constant 1 : i32
    %eq3A_531 = vector.broadcast %eq3A_530 : i32 to vector<64x128xi32>
    %eq3A_532 = arith.cmpi eq, %sub3A_78, %eq3A_531 : vector<64x128xi32>
    %jit3A_533 = arith.constant 5.900000e+00 : f32
    %jit3A_534 = arith.constant 5.4156251 : f32
    %broadcast_in_dim3A_535 = vector.broadcast %jit3A_533 : f32 to vector<64x128xf32>
    %broadcast_in_dim3A_536 = vector.broadcast %jit3A_534 : f32 to vector<64x128xf32>
    %select_n3A_537 = arith.select %eq3A_532, %broadcast_in_dim3A_535, %broadcast_in_dim3A_536 : vector<64x128xi1>, vector<64x128xf32>
    %jit3A_538 = arith.constant 4.0406251 : f32
    %broadcast_in_dim3A_539 = vector.broadcast %jit3A_538 : f32 to vector<64x128xf32>
    %select_n3A_540 = arith.select %eq3A_529, %broadcast_in_dim3A_539, %select_n3A_537 : vector<64x128xi1>, vector<64x128xf32>
    %div3A_541 = arith.divf %mul3A_509, %select_n3A_526 : vector<64x128xf32>
    %div3A_542 = arith.divf %mul3A_512, %select_n3A_540 : vector<64x128xf32>
    %div3A_543 = arith.constant 1.000000e+00 : f32
    %div3A_544 = vector.broadcast %div3A_543 : f32 to vector<64x128xf32>
    %div3A_545 = arith.divf %div3A_544, %div3A_541 : vector<64x128xf32>
    %max3A_546 = arith.maximumf %div3A_541, %div3A_545 : vector<64x128xf32>
    %div3A_547 = arith.constant 1.000000e+00 : f32
    %div3A_548 = vector.broadcast %div3A_547 : f32 to vector<64x128xf32>
    %div3A_549 = arith.divf %div3A_548, %div3A_542 : vector<64x128xf32>
    %max3A_550 = arith.maximumf %div3A_542, %div3A_549 : vector<64x128xf32>
    %max3A_551 = arith.maximumf %max3A_546, %max3A_550 : vector<64x128xf32>
    %lt3A_552 = arith.constant 4.000000e+00 : f32
    %lt3A_553 = vector.broadcast %lt3A_552 : f32 to vector<64x128xf32>
    %lt3A_554 = arith.cmpf olt, %max3A_551, %lt3A_553 : vector<64x128xf32>
    %floor3A_555 = math.floor %mul3A_503 : vector<64x128xf32>
    %sub3A_556 = arith.subf %mul3A_503, %floor3A_555 : vector<64x128xf32>
    %lt3A_557 = arith.constant 5.000000e-01 : f32
    %lt3A_558 = vector.broadcast %lt3A_557 : f32 to vector<64x128xf32>
    %lt3A_559 = arith.cmpf olt, %sub3A_556, %lt3A_558 : vector<64x128xf32>
    %gt3A_560 = arith.constant 1.000000e+00 : f32
    %gt3A_561 = vector.broadcast %gt3A_560 : f32 to vector<64x128xf32>
    %gt3A_562 = arith.cmpf ogt, %mul3A_503, %gt3A_561 : vector<64x128xf32>
    %and3A_563 = arith.andi %lt3A_559, %gt3A_562 : vector<64x128xi1>
    %floor3A_564 = math.floor %mul3A_506 : vector<64x128xf32>
    %sub3A_565 = arith.subf %mul3A_506, %floor3A_564 : vector<64x128xf32>
    %lt3A_566 = arith.constant 5.000000e-01 : f32
    %lt3A_567 = vector.broadcast %lt3A_566 : f32 to vector<64x128xf32>
    %lt3A_568 = arith.cmpf olt, %sub3A_565, %lt3A_567 : vector<64x128xf32>
    %gt3A_569 = arith.constant 1.000000e+00 : f32
    %gt3A_570 = vector.broadcast %gt3A_569 : f32 to vector<64x128xf32>
    %gt3A_571 = arith.cmpf ogt, %mul3A_506, %gt3A_570 : vector<64x128xf32>
    %and3A_572 = arith.andi %lt3A_568, %gt3A_571 : vector<64x128xi1>
    %sub3A_573 = arith.constant 2.000000e+01 : f32
    %sub3A_574 = vector.broadcast %sub3A_573 : f32 to vector<64x128xf32>
    %sub3A_575 = arith.subf %sub3A_574, %mul3A_503 : vector<64x128xf32>
    %sub3A_576 = arith.constant 2.000000e+01 : f32
    %sub3A_577 = vector.broadcast %sub3A_576 : f32 to vector<64x128xf32>
    %sub3A_578 = arith.subf %sub3A_577, %mul3A_506 : vector<64x128xf32>
    %floor3A_579 = math.floor %sub3A_575 : vector<64x128xf32>
    %sub3A_580 = arith.subf %sub3A_575, %floor3A_579 : vector<64x128xf32>
    %lt3A_581 = arith.constant 5.000000e-01 : f32
    %lt3A_582 = vector.broadcast %lt3A_581 : f32 to vector<64x128xf32>
    %lt3A_583 = arith.cmpf olt, %sub3A_580, %lt3A_582 : vector<64x128xf32>
    %gt3A_584 = arith.constant 1.000000e+00 : f32
    %gt3A_585 = vector.broadcast %gt3A_584 : f32 to vector<64x128xf32>
    %gt3A_586 = arith.cmpf ogt, %sub3A_575, %gt3A_585 : vector<64x128xf32>
    %and3A_587 = arith.andi %lt3A_583, %gt3A_586 : vector<64x128xi1>
    %floor3A_588 = math.floor %sub3A_578 : vector<64x128xf32>
    %sub3A_589 = arith.subf %sub3A_578, %floor3A_588 : vector<64x128xf32>
    %lt3A_590 = arith.constant 5.000000e-01 : f32
    %lt3A_591 = vector.broadcast %lt3A_590 : f32 to vector<64x128xf32>
    %lt3A_592 = arith.cmpf olt, %sub3A_589, %lt3A_591 : vector<64x128xf32>
    %gt3A_593 = arith.constant 1.000000e+00 : f32
    %gt3A_594 = vector.broadcast %gt3A_593 : f32 to vector<64x128xf32>
    %gt3A_595 = arith.cmpf ogt, %sub3A_578, %gt3A_594 : vector<64x128xf32>
    %and3A_596 = arith.andi %lt3A_592, %gt3A_595 : vector<64x128xi1>
    %eq3A_597 = arith.constant 0 : i32
    %eq3A_598 = vector.broadcast %eq3A_597 : i32 to vector<64x128xi32>
    %eq3A_599 = arith.cmpi eq, %select_n3A_75, %eq3A_598 : vector<64x128xi32>
    %eq3A_600 = arith.constant 1 : i32
    %eq3A_601 = vector.broadcast %eq3A_600 : i32 to vector<64x128xi32>
    %eq3A_602 = arith.cmpi eq, %select_n3A_75, %eq3A_601 : vector<64x128xi32>
    %and3A_603 = arith.andi %eq3A_602, %and3A_563 : vector<64x128xi1>
    %or3A_604 = arith.ori %eq3A_599, %and3A_603 : vector<64x128xi1>
    %eq3A_605 = arith.constant 2 : i32
    %eq3A_606 = vector.broadcast %eq3A_605 : i32 to vector<64x128xi32>
    %eq3A_607 = arith.cmpi eq, %select_n3A_75, %eq3A_606 : vector<64x128xi32>
    %and3A_608 = arith.andi %eq3A_607, %and3A_572 : vector<64x128xi1>
    %or3A_609 = arith.ori %or3A_604, %and3A_608 : vector<64x128xi1>
    %eq3A_610 = arith.constant 3 : i32
    %eq3A_611 = vector.broadcast %eq3A_610 : i32 to vector<64x128xi32>
    %eq3A_612 = arith.cmpi eq, %select_n3A_75, %eq3A_611 : vector<64x128xi32>
    %and3A_613 = arith.andi %eq3A_612, %and3A_587 : vector<64x128xi1>
    %or3A_614 = arith.ori %or3A_609, %and3A_613 : vector<64x128xi1>
    %eq3A_615 = arith.constant 4 : i32
    %eq3A_616 = vector.broadcast %eq3A_615 : i32 to vector<64x128xi32>
    %eq3A_617 = arith.cmpi eq, %select_n3A_75, %eq3A_616 : vector<64x128xi32>
    %and3A_618 = arith.andi %eq3A_617, %and3A_596 : vector<64x128xi1>
    %or3A_619 = arith.ori %or3A_614, %and3A_618 : vector<64x128xi1>
    %and3A_620 = arith.andi %or3A_619, %lt3A_554 : vector<64x128xi1>
    %convert_element_type3A_621 = arith.extui %and3A_620 : vector<64x128xi1> to vector<64x128xi32>
    %convert_element_type3A_622 = arith.sitofp %convert_element_type3A_621 : vector<64x128xi32> to vector<64x128xf32>
    %eq3A_623 = arith.constant 1 : i32
    %eq3A_624 = vector.broadcast %eq3A_623 : i32 to vector<64x128xi32>
    %eq3A_625 = arith.cmpi eq, %select_n3A_75, %eq3A_624 : vector<64x128xi32>
    %jit3A_626 = arith.constant 5.000000e-01 : f32
    %jit3A_627 = arith.constant 0.000000e+00 : f32
    %broadcast_in_dim3A_628 = vector.broadcast %jit3A_626 : f32 to vector<64x128xf32>
    %broadcast_in_dim3A_629 = vector.broadcast %jit3A_627 : f32 to vector<64x128xf32>
    %select_n3A_630 = arith.select %eq3A_625, %broadcast_in_dim3A_628, %broadcast_in_dim3A_629 : vector<64x128xi1>, vector<64x128xf32>
    %eq3A_631 = arith.constant 3 : i32
    %eq3A_632 = vector.broadcast %eq3A_631 : i32 to vector<64x128xi32>
    %eq3A_633 = arith.cmpi eq, %select_n3A_75, %eq3A_632 : vector<64x128xi32>
    %jit3A_634 = arith.constant -5.000000e-01 : f32
    %jit3A_635 = arith.constant 0.000000e+00 : f32
    %broadcast_in_dim3A_636 = vector.broadcast %jit3A_634 : f32 to vector<64x128xf32>
    %broadcast_in_dim3A_637 = vector.broadcast %jit3A_635 : f32 to vector<64x128xf32>
    %select_n3A_638 = arith.select %eq3A_633, %broadcast_in_dim3A_636, %broadcast_in_dim3A_637 : vector<64x128xi1>, vector<64x128xf32>
    %add3A_639 = arith.addf %select_n3A_630, %select_n3A_638 : vector<64x128xf32>
    %eq3A_640 = arith.constant 2 : i32
    %eq3A_641 = vector.broadcast %eq3A_640 : i32 to vector<64x128xi32>
    %eq3A_642 = arith.cmpi eq, %select_n3A_75, %eq3A_641 : vector<64x128xi32>
    %jit3A_643 = arith.constant 5.000000e-01 : f32
    %jit3A_644 = arith.constant 0.000000e+00 : f32
    %broadcast_in_dim3A_645 = vector.broadcast %jit3A_643 : f32 to vector<64x128xf32>
    %broadcast_in_dim3A_646 = vector.broadcast %jit3A_644 : f32 to vector<64x128xf32>
    %select_n3A_647 = arith.select %eq3A_642, %broadcast_in_dim3A_645, %broadcast_in_dim3A_646 : vector<64x128xi1>, vector<64x128xf32>
    %eq3A_648 = arith.constant 4 : i32
    %eq3A_649 = vector.broadcast %eq3A_648 : i32 to vector<64x128xi32>
    %eq3A_650 = arith.cmpi eq, %select_n3A_75, %eq3A_649 : vector<64x128xi32>
    %jit3A_651 = arith.constant -5.000000e-01 : f32
    %jit3A_652 = arith.constant 0.000000e+00 : f32
    %broadcast_in_dim3A_653 = vector.broadcast %jit3A_651 : f32 to vector<64x128xf32>
    %broadcast_in_dim3A_654 = vector.broadcast %jit3A_652 : f32 to vector<64x128xf32>
    %select_n3A_655 = arith.select %eq3A_650, %broadcast_in_dim3A_653, %broadcast_in_dim3A_654 : vector<64x128xi1>, vector<64x128xf32>
    %add3A_656 = arith.addf %select_n3A_647, %select_n3A_655 : vector<64x128xf32>
    %sub3A_657 = arith.subf %mul3A_503, %add3A_639 : vector<64x128xf32>
    %sub3A_658 = arith.subf %mul3A_506, %add3A_656 : vector<64x128xf32>
    %convert_element_type3A_659 = arith.fptosi %sub3A_657 : vector<64x128xf32> to vector<64x128xi32>
    %convert_element_type3A_660 = arith.fptosi %sub3A_658 : vector<64x128xf32> to vector<64x128xi32>
    %jit3A_661 = arith.constant 0 : i32
    %jit3A_662 = arith.constant 19 : i32
    %max3A_663 = vector.broadcast %jit3A_661 : i32 to vector<64x128xi32>
    %max3A_664 = arith.maxsi %max3A_663, %convert_element_type3A_659 : vector<64x128xi32>
    %min3A_665 = vector.broadcast %jit3A_662 : i32 to vector<64x128xi32>
    %min3A_666 = arith.minsi %min3A_665, %max3A_664 : vector<64x128xi32>
    %jit3A_667 = arith.constant 0 : i32
    %jit3A_668 = arith.constant 19 : i32
    %max3A_669 = vector.broadcast %jit3A_667 : i32 to vector<64x128xi32>
    %max3A_670 = arith.maxsi %max3A_669, %convert_element_type3A_660 : vector<64x128xi32>
    %min3A_671 = vector.broadcast %jit3A_668 : i32 to vector<64x128xi32>
    %min3A_672 = arith.minsi %min3A_671, %max3A_670 : vector<64x128xi32>
    %convert_element_type3A_673 = arith.sitofp %convert_element_type3A_659 : vector<64x128xi32> to vector<64x128xf32>
    %sub3A_674 = arith.subf %mul3A_503, %convert_element_type3A_673 : vector<64x128xf32>
    %convert_element_type3A_675 = arith.sitofp %convert_element_type3A_660 : vector<64x128xi32> to vector<64x128xf32>
    %sub3A_676 = arith.subf %mul3A_506, %convert_element_type3A_675 : vector<64x128xf32>
    %mul3A_677 = arith.constant 15 : i32
    %mul3A_678 = vector.broadcast %mul3A_677 : i32 to vector<64x128xi32>
    %mul3A_679 = arith.muli %convert_element_type3A, %mul3A_678 : vector<64x128xi32>
    %mul3A_680 = arith.constant 5 : i32
    %mul3A_681 = vector.broadcast %mul3A_680 : i32 to vector<64x128xi32>
    %mul3A_682 = arith.muli %sub3A_78, %mul3A_681 : vector<64x128xi32>
    %add3A_683 = arith.addi %mul3A_679, %mul3A_682 : vector<64x128xi32>
    %mul3A_684 = arith.constant 20 : i32
    %mul3A_685 = vector.broadcast %mul3A_684 : i32 to vector<64x128xi32>
    %mul3A_686 = arith.muli %add3A_683, %mul3A_685 : vector<64x128xi32>
    %add3A_687 = arith.addi %mul3A_686, %min3A_672 : vector<64x128xi32>
    %mul3A_688 = arith.constant 20 : i32
    %mul3A_689 = vector.broadcast %mul3A_688 : i32 to vector<64x128xi32>
    %mul3A_690 = arith.muli %add3A_687, %mul3A_689 : vector<64x128xi32>
    %add3A_691 = arith.addi %mul3A_690, %min3A_666 : vector<64x128xi32>
    %add3A_692 = arith.constant 0 : i32
    %add3A_693 = vector.broadcast %add3A_692 : i32 to vector<64x128xi32>
    %add3A_694 = arith.addi %add3A_691, %add3A_693 : vector<64x128xi32>
    %add3A_695 = arith.constant 400 : i32
    %add3A_696 = vector.broadcast %add3A_695 : i32 to vector<64x128xi32>
    %add3A_697 = arith.addi %add3A_691, %add3A_696 : vector<64x128xi32>
    %add3A_698 = arith.constant 800 : i32
    %add3A_699 = vector.broadcast %add3A_698 : i32 to vector<64x128xi32>
    %add3A_700 = arith.addi %add3A_691, %add3A_699 : vector<64x128xi32>
    %add3A_701 = arith.constant 1200 : i32
    %add3A_702 = vector.broadcast %add3A_701 : i32 to vector<64x128xi32>
    %add3A_703 = arith.addi %add3A_691, %add3A_702 : vector<64x128xi32>
    %add3A_704 = arith.constant 1600 : i32
    %add3A_705 = vector.broadcast %add3A_704 : i32 to vector<64x128xi32>
    %add3A_706 = arith.addi %add3A_691, %add3A_705 : vector<64x128xi32>
    %concatenate3A_707 = tpu.concatenate %add3A_694, %add3A_697, %add3A_700, %add3A_703, %add3A_706 in 0 : vector<64x128xi32>, vector<64x128xi32>, vector<64x128xi32>, vector<64x128xi32>, vector<64x128xi32> -> vector<320x128xi32>
    %swap3A_708 = arith.constant 0 : index
    %swap3A_709 = arith.constant 0 : index
    %swap3A_710 = vector.load %arg3[%swap3A_708, %swap3A_709] : memref<320x128xi32, #tpu.memory_space<vmem>>, vector<320x128xi32>
    tpu.vector_store %arg3[%swap3A_708, %swap3A_709], %concatenate3A_707 {strides = array<i32>} : memref<320x128xi32, #tpu.memory_space<vmem>>, vector<320x128xi32>,
    %broadcast_in_dim3A_711 = arith.constant 0.000000e+00 : f32
    %broadcast_in_dim3A_712 = vector.broadcast %broadcast_in_dim3A_711 : f32 to vector<64x128xf32>
    %concatenate3A_713 = tpu.concatenate %convert_element_type3A_622, %sub3A_674, %sub3A_676, %mul3A_509, %mul3A_512, %select_n3A_526, %select_n3A_540, %broadcast_in_dim3A_712 in 0 : vector<64x128xf32>, vector<64x128xf32>, vector<64x128xf32>, vector<64x128xf32>, vector<64x128xf32>, vector<64x128xf32>, vector<64x128xf32>, vector<64x128xf32> -> vector<512x128xf32>
    %swap3A_714 = arith.constant 0 : index
    %swap3A_715 = arith.constant 0 : index
    %swap3A_716 = vector.load %arg6[%swap3A_714, %swap3A_715] : memref<512x128xf32, #tpu.memory_space<vmem>>, vector<512x128xf32>
    tpu.vector_store %arg6[%swap3A_714, %swap3A_715], %concatenate3A_713 {strides = array<i32>} : memref<512x128xf32, #tpu.memory_space<vmem>>, vector<512x128xf32>,
    return
  }
}

module attributes {stable_mosaic.version = 14 : i64} {
  func.func @_objsum_body(%arg0: i32, %arg1: memref<32x1x80x80xf32, #tpu.memory_space<vmem>>, %arg2: memref<32x1x40x40xf32, #tpu.memory_space<vmem>>, %arg3: memref<32x1x20x20xf32, #tpu.memory_space<vmem>>, %arg4: memref<1x4xf32, #tpu.memory_space<smem>>) attributes {dimension_semantics = [#tpu.dimension_semantics<arbitrary>], iteration_bounds = array<i64: 3>, scalar_prefetch = 0 : i64, scratch_operands = 0 : i64, tpu.core_type = #tpu.core_type<tc>, window_params = [{transform_indices = @transform_0, window_bounds = array<i64: 32, 1, 80, 80>}, {transform_indices = @transform_1, window_bounds = array<i64: 32, 1, 40, 40>}, {transform_indices = @transform_2, window_bounds = array<i64: 32, 1, 20, 20>}, {transform_indices = @transform_3, window_bounds = array<i64: 1, 4>}]} {
    %eq3A = arith.constant 0 : i32
    %eq3A_0 = arith.cmpi eq, %arg0, %eq3A : i32
    %convert_element_type3A = arith.extui %eq3A_0 : i1 to i32
    %cond3A = arith.constant 0 : i32
    %cond3A_1 = arith.cmpi ne, %convert_element_type3A, %cond3A : i32
    scf.if %cond3A_1 {
      %swap3A_74 = arith.constant 0.000000e+00 : f32
      %swap3A_75 = arith.constant 0 : index
      %swap3A_76 = arith.constant 0 : index
      %swap3A_77 = memref.load %arg4[%swap3A_75, %swap3A_76] : memref<1x4xf32, #tpu.memory_space<smem>>
      memref.store %swap3A_74, %arg4[%swap3A_75, %swap3A_76] : memref<1x4xf32, #tpu.memory_space<smem>>
      %swap3A_78 = arith.constant 0.000000e+00 : f32
      %swap3A_79 = arith.constant 0 : index
      %swap3A_80 = arith.constant 1 : index
      %swap3A_81 = memref.load %arg4[%swap3A_79, %swap3A_80] : memref<1x4xf32, #tpu.memory_space<smem>>
      memref.store %swap3A_78, %arg4[%swap3A_79, %swap3A_80] : memref<1x4xf32, #tpu.memory_space<smem>>
      %swap3A_82 = arith.constant 0.000000e+00 : f32
      %swap3A_83 = arith.constant 0 : index
      %swap3A_84 = arith.constant 2 : index
      %swap3A_85 = memref.load %arg4[%swap3A_83, %swap3A_84] : memref<1x4xf32, #tpu.memory_space<smem>>
      memref.store %swap3A_82, %arg4[%swap3A_83, %swap3A_84] : memref<1x4xf32, #tpu.memory_space<smem>>
      %swap3A_86 = arith.constant 0.000000e+00 : f32
      %swap3A_87 = arith.constant 0 : index
      %swap3A_88 = arith.constant 3 : index
      %swap3A_89 = memref.load %arg4[%swap3A_87, %swap3A_88] : memref<1x4xf32, #tpu.memory_space<smem>>
      memref.store %swap3A_86, %arg4[%swap3A_87, %swap3A_88] : memref<1x4xf32, #tpu.memory_space<smem>>
    } else {
    }
    %get3A = arith.constant 0 : index
    %get3A_2 = arith.constant 0 : index
    %get3A_3 = memref.load %arg4[%get3A, %get3A_2] : memref<1x4xf32, #tpu.memory_space<smem>>
    %get3A_4 = arith.constant 0 : index
    %get3A_5 = arith.constant 0 : index
    %get3A_6 = arith.constant 0 : index
    %get3A_7 = arith.constant 0 : index
    %get3A_8 = vector.load %arg1[%get3A_4, %get3A_5, %get3A_6, %get3A_7] : memref<32x1x80x80xf32, #tpu.memory_space<vmem>>, vector<32x1x80x80xf32>
    %max3A = arith.constant 0.000000e+00 : f32
    %max3A_9 = vector.broadcast %max3A : f32 to vector<32x1x80x80xf32>
    %max3A_10 = arith.maximumf %get3A_8, %max3A_9 : vector<32x1x80x80xf32>
    %abs3A = math.absf %get3A_8 : vector<32x1x80x80xf32>
    %neg3A = arith.constant 0.000000e+00 : f32
    %neg3A_11 = vector.broadcast %neg3A : f32 to vector<32x1x80x80xf32>
    %neg3A_12 = arith.subf %neg3A_11, %abs3A : vector<32x1x80x80xf32>
    %exp3A = math.exp %neg3A_12 : vector<32x1x80x80xf32>
    %log1p3A = math.log1p %exp3A : vector<32x1x80x80xf32>
    %add3A = arith.addf %max3A_10, %log1p3A : vector<32x1x80x80xf32>
    %reduce_sum3A = vector.shape_cast %add3A : vector<32x1x80x80xf32> to vector<1x32x1x80x80xf32>
    %reduce_sum3A_13 = arith.constant dense<0.000000e+00> : vector<1xf32>
    %reduce_sum3A_14 = vector.multi_reduction <add>, %reduce_sum3A, %reduce_sum3A_13 [1, 2, 3, 4] : vector<1x32x1x80x80xf32> to vector<1xf32>
    %reduce_sum3A_15 = vector.shape_cast %reduce_sum3A_14 : vector<1xf32> to vector<1x1x1x1x1xf32>
    %reduce_sum3A_16 = vector.extract %reduce_sum3A_15[0, 0, 0, 0, 0] : f32 from vector<1x1x1x1x1xf32>
    %add3A_17 = arith.addf %get3A_3, %reduce_sum3A_16 : f32
    %swap3A = arith.constant 0 : index
    %swap3A_18 = arith.constant 0 : index
    %swap3A_19 = memref.load %arg4[%swap3A, %swap3A_18] : memref<1x4xf32, #tpu.memory_space<smem>>
    memref.store %add3A_17, %arg4[%swap3A, %swap3A_18] : memref<1x4xf32, #tpu.memory_space<smem>>
    %get3A_20 = arith.constant 0 : index
    %get3A_21 = arith.constant 1 : index
    %get3A_22 = memref.load %arg4[%get3A_20, %get3A_21] : memref<1x4xf32, #tpu.memory_space<smem>>
    %get3A_23 = arith.constant 0 : index
    %get3A_24 = arith.constant 0 : index
    %get3A_25 = arith.constant 0 : index
    %get3A_26 = arith.constant 0 : index
    %get3A_27 = vector.load %arg2[%get3A_23, %get3A_24, %get3A_25, %get3A_26] : memref<32x1x40x40xf32, #tpu.memory_space<vmem>>, vector<32x1x40x40xf32>
    %max3A_28 = arith.constant 0.000000e+00 : f32
    %max3A_29 = vector.broadcast %max3A_28 : f32 to vector<32x1x40x40xf32>
    %max3A_30 = arith.maximumf %get3A_27, %max3A_29 : vector<32x1x40x40xf32>
    %abs3A_31 = math.absf %get3A_27 : vector<32x1x40x40xf32>
    %neg3A_32 = arith.constant 0.000000e+00 : f32
    %neg3A_33 = vector.broadcast %neg3A_32 : f32 to vector<32x1x40x40xf32>
    %neg3A_34 = arith.subf %neg3A_33, %abs3A_31 : vector<32x1x40x40xf32>
    %exp3A_35 = math.exp %neg3A_34 : vector<32x1x40x40xf32>
    %log1p3A_36 = math.log1p %exp3A_35 : vector<32x1x40x40xf32>
    %add3A_37 = arith.addf %max3A_30, %log1p3A_36 : vector<32x1x40x40xf32>
    %reduce_sum3A_38 = vector.shape_cast %add3A_37 : vector<32x1x40x40xf32> to vector<1x32x1x40x40xf32>
    %reduce_sum3A_39 = arith.constant dense<0.000000e+00> : vector<1xf32>
    %reduce_sum3A_40 = vector.multi_reduction <add>, %reduce_sum3A_38, %reduce_sum3A_39 [1, 2, 3, 4] : vector<1x32x1x40x40xf32> to vector<1xf32>
    %reduce_sum3A_41 = vector.shape_cast %reduce_sum3A_40 : vector<1xf32> to vector<1x1x1x1x1xf32>
    %reduce_sum3A_42 = vector.extract %reduce_sum3A_41[0, 0, 0, 0, 0] : f32 from vector<1x1x1x1x1xf32>
    %add3A_43 = arith.addf %get3A_22, %reduce_sum3A_42 : f32
    %swap3A_44 = arith.constant 0 : index
    %swap3A_45 = arith.constant 1 : index
    %swap3A_46 = memref.load %arg4[%swap3A_44, %swap3A_45] : memref<1x4xf32, #tpu.memory_space<smem>>
    memref.store %add3A_43, %arg4[%swap3A_44, %swap3A_45] : memref<1x4xf32, #tpu.memory_space<smem>>
    %get3A_47 = arith.constant 0 : index
    %get3A_48 = arith.constant 2 : index
    %get3A_49 = memref.load %arg4[%get3A_47, %get3A_48] : memref<1x4xf32, #tpu.memory_space<smem>>
    %get3A_50 = arith.constant 0 : index
    %get3A_51 = arith.constant 0 : index
    %get3A_52 = arith.constant 0 : index
    %get3A_53 = arith.constant 0 : index
    %get3A_54 = vector.load %arg3[%get3A_50, %get3A_51, %get3A_52, %get3A_53] : memref<32x1x20x20xf32, #tpu.memory_space<vmem>>, vector<32x1x20x20xf32>
    %max3A_55 = arith.constant 0.000000e+00 : f32
    %max3A_56 = vector.broadcast %max3A_55 : f32 to vector<32x1x20x20xf32>
    %max3A_57 = arith.maximumf %get3A_54, %max3A_56 : vector<32x1x20x20xf32>
    %abs3A_58 = math.absf %get3A_54 : vector<32x1x20x20xf32>
    %neg3A_59 = arith.constant 0.000000e+00 : f32
    %neg3A_60 = vector.broadcast %neg3A_59 : f32 to vector<32x1x20x20xf32>
    %neg3A_61 = arith.subf %neg3A_60, %abs3A_58 : vector<32x1x20x20xf32>
    %exp3A_62 = math.exp %neg3A_61 : vector<32x1x20x20xf32>
    %log1p3A_63 = math.log1p %exp3A_62 : vector<32x1x20x20xf32>
    %add3A_64 = arith.addf %max3A_57, %log1p3A_63 : vector<32x1x20x20xf32>
    %reduce_sum3A_65 = vector.shape_cast %add3A_64 : vector<32x1x20x20xf32> to vector<1x32x1x20x20xf32>
    %reduce_sum3A_66 = arith.constant dense<0.000000e+00> : vector<1xf32>
    %reduce_sum3A_67 = vector.multi_reduction <add>, %reduce_sum3A_65, %reduce_sum3A_66 [1, 2, 3, 4] : vector<1x32x1x20x20xf32> to vector<1xf32>
    %reduce_sum3A_68 = vector.shape_cast %reduce_sum3A_67 : vector<1xf32> to vector<1x1x1x1x1xf32>
    %reduce_sum3A_69 = vector.extract %reduce_sum3A_68[0, 0, 0, 0, 0] : f32 from vector<1x1x1x1x1xf32>
    %add3A_70 = arith.addf %get3A_49, %reduce_sum3A_69 : f32
    %swap3A_71 = arith.constant 0 : index
    %swap3A_72 = arith.constant 2 : index
    %swap3A_73 = memref.load %arg4[%swap3A_71, %swap3A_72] : memref<1x4xf32, #tpu.memory_space<smem>>
    memref.store %add3A_70, %arg4[%swap3A_71, %swap3A_72] : memref<1x4xf32, #tpu.memory_space<smem>>
    return
  }
  func.func @transform_0(%arg0: i32) -> (i32, i32, i32, i32) {
    %mul3A = arith.constant 5 : i32
    %mul3A_0 = arith.muli %mul3A, %arg0 : i32
    %add3A = arith.constant 4 : i32
    %add3A_1 = arith.addi %mul3A_0, %add3A : i32
    %c0_i32 = arith.constant 0 : i32
    %c0_i32_2 = arith.constant 0 : i32
    %c0_i32_3 = arith.constant 0 : i32
    %c0_i32_4 = arith.constant 0 : i32
    return %c0_i32, %add3A_1, %c0_i32_2, %c0_i32_3 : i32, i32, i32, i32
  }
  func.func @transform_1(%arg0: i32) -> (i32, i32, i32, i32) {
    %mul3A = arith.constant 5 : i32
    %mul3A_0 = arith.muli %mul3A, %arg0 : i32
    %add3A = arith.constant 4 : i32
    %add3A_1 = arith.addi %mul3A_0, %add3A : i32
    %c0_i32 = arith.constant 0 : i32
    %c0_i32_2 = arith.constant 0 : i32
    %c0_i32_3 = arith.constant 0 : i32
    %c0_i32_4 = arith.constant 0 : i32
    return %c0_i32, %add3A_1, %c0_i32_2, %c0_i32_3 : i32, i32, i32, i32
  }
  func.func @transform_2(%arg0: i32) -> (i32, i32, i32, i32) {
    %mul3A = arith.constant 5 : i32
    %mul3A_0 = arith.muli %mul3A, %arg0 : i32
    %add3A = arith.constant 4 : i32
    %add3A_1 = arith.addi %mul3A_0, %add3A : i32
    %c0_i32 = arith.constant 0 : i32
    %c0_i32_2 = arith.constant 0 : i32
    %c0_i32_3 = arith.constant 0 : i32
    %c0_i32_4 = arith.constant 0 : i32
    return %c0_i32, %add3A_1, %c0_i32_2, %c0_i32_3 : i32, i32, i32, i32
  }
  func.func @transform_3(%arg0: i32) -> (i32, i32) {
    %c0_i32 = arith.constant 0 : i32
    %c0_i32_0 = arith.constant 0 : i32
    %c0_i32_1 = arith.constant 0 : i32
    return %c0_i32, %c0_i32_0 : i32, i32
  }
}

module attributes {stable_mosaic.version = 14 : i64} {
  func.func @_math_body(%arg0: memref<320x128xf32, #tpu.memory_space<vmem>>, %arg1: memref<320x128xf32, #tpu.memory_space<vmem>>, %arg2: memref<320x128xf32, #tpu.memory_space<vmem>>, %arg3: memref<512x128xf32, #tpu.memory_space<vmem>>, %arg4: memref<512x128xf32, #tpu.memory_space<vmem>>, %arg5: memref<512x128xf32, #tpu.memory_space<vmem>>, %arg6: memref<3x4xf32, #tpu.memory_space<smem>>) attributes {dimension_semantics = [], scalar_prefetch = 0 : i64, scratch_operands = 0 : i64, tpu.core_type = #tpu.core_type<tc>} {
    %get3A = arith.constant 0 : index
    %get3A_0 = arith.constant 0 : index
    %get3A_1 = vector.load %arg0[%get3A, %get3A_0] : memref<320x128xf32, #tpu.memory_space<vmem>>, vector<64x128xf32>
    %get3A_2 = arith.constant 64 : index
    %get3A_3 = arith.constant 0 : index
    %get3A_4 = vector.load %arg0[%get3A_2, %get3A_3] : memref<320x128xf32, #tpu.memory_space<vmem>>, vector<64x128xf32>
    %get3A_5 = arith.constant 128 : index
    %get3A_6 = arith.constant 0 : index
    %get3A_7 = vector.load %arg0[%get3A_5, %get3A_6] : memref<320x128xf32, #tpu.memory_space<vmem>>, vector<64x128xf32>
    %get3A_8 = arith.constant 192 : index
    %get3A_9 = arith.constant 0 : index
    %get3A_10 = vector.load %arg0[%get3A_8, %get3A_9] : memref<320x128xf32, #tpu.memory_space<vmem>>, vector<64x128xf32>
    %get3A_11 = arith.constant 256 : index
    %get3A_12 = arith.constant 0 : index
    %get3A_13 = vector.load %arg0[%get3A_11, %get3A_12] : memref<320x128xf32, #tpu.memory_space<vmem>>, vector<64x128xf32>
    %get3A_14 = arith.constant 0 : index
    %get3A_15 = arith.constant 0 : index
    %get3A_16 = vector.load %arg3[%get3A_14, %get3A_15] : memref<512x128xf32, #tpu.memory_space<vmem>>, vector<64x128xf32>
    %get3A_17 = arith.constant 64 : index
    %get3A_18 = arith.constant 0 : index
    %get3A_19 = vector.load %arg3[%get3A_17, %get3A_18] : memref<512x128xf32, #tpu.memory_space<vmem>>, vector<64x128xf32>
    %get3A_20 = arith.constant 128 : index
    %get3A_21 = arith.constant 0 : index
    %get3A_22 = vector.load %arg3[%get3A_20, %get3A_21] : memref<512x128xf32, #tpu.memory_space<vmem>>, vector<64x128xf32>
    %get3A_23 = arith.constant 192 : index
    %get3A_24 = arith.constant 0 : index
    %get3A_25 = vector.load %arg3[%get3A_23, %get3A_24] : memref<512x128xf32, #tpu.memory_space<vmem>>, vector<64x128xf32>
    %get3A_26 = arith.constant 256 : index
    %get3A_27 = arith.constant 0 : index
    %get3A_28 = vector.load %arg3[%get3A_26, %get3A_27] : memref<512x128xf32, #tpu.memory_space<vmem>>, vector<64x128xf32>
    %get3A_29 = arith.constant 320 : index
    %get3A_30 = arith.constant 0 : index
    %get3A_31 = vector.load %arg3[%get3A_29, %get3A_30] : memref<512x128xf32, #tpu.memory_space<vmem>>, vector<64x128xf32>
    %get3A_32 = arith.constant 384 : index
    %get3A_33 = arith.constant 0 : index
    %get3A_34 = vector.load %arg3[%get3A_32, %get3A_33] : memref<512x128xf32, #tpu.memory_space<vmem>>, vector<64x128xf32>
    %neg3A = arith.constant 0.000000e+00 : f32
    %neg3A_35 = vector.broadcast %neg3A : f32 to vector<64x128xf32>
    %neg3A_36 = arith.subf %neg3A_35, %get3A_1 : vector<64x128xf32>
    %exp3A = math.exp %neg3A_36 : vector<64x128xf32>
    %add3A = arith.constant 1.000000e+00 : f32
    %add3A_37 = vector.broadcast %add3A : f32 to vector<64x128xf32>
    %add3A_38 = arith.addf %add3A_37, %exp3A : vector<64x128xf32>
    %div3A = arith.constant 1.000000e+00 : f32
    %div3A_39 = vector.broadcast %div3A : f32 to vector<64x128xf32>
    %div3A_40 = arith.divf %div3A_39, %add3A_38 : vector<64x128xf32>
    %mul3A = arith.constant 2.000000e+00 : f32
    %mul3A_41 = vector.broadcast %mul3A : f32 to vector<64x128xf32>
    %mul3A_42 = arith.mulf %div3A_40, %mul3A_41 : vector<64x128xf32>
    %sub3A = arith.constant 5.000000e-01 : f32
    %sub3A_43 = vector.broadcast %sub3A : f32 to vector<64x128xf32>
    %sub3A_44 = arith.subf %mul3A_42, %sub3A_43 : vector<64x128xf32>
    %neg3A_45 = arith.constant 0.000000e+00 : f32
    %neg3A_46 = vector.broadcast %neg3A_45 : f32 to vector<64x128xf32>
    %neg3A_47 = arith.subf %neg3A_46, %get3A_4 : vector<64x128xf32>
    %exp3A_48 = math.exp %neg3A_47 : vector<64x128xf32>
    %add3A_49 = arith.constant 1.000000e+00 : f32
    %add3A_50 = vector.broadcast %add3A_49 : f32 to vector<64x128xf32>
    %add3A_51 = arith.addf %add3A_50, %exp3A_48 : vector<64x128xf32>
    %div3A_52 = arith.constant 1.000000e+00 : f32
    %div3A_53 = vector.broadcast %div3A_52 : f32 to vector<64x128xf32>
    %div3A_54 = arith.divf %div3A_53, %add3A_51 : vector<64x128xf32>
    %mul3A_55 = arith.constant 2.000000e+00 : f32
    %mul3A_56 = vector.broadcast %mul3A_55 : f32 to vector<64x128xf32>
    %mul3A_57 = arith.mulf %div3A_54, %mul3A_56 : vector<64x128xf32>
    %sub3A_58 = arith.constant 5.000000e-01 : f32
    %sub3A_59 = vector.broadcast %sub3A_58 : f32 to vector<64x128xf32>
    %sub3A_60 = arith.subf %mul3A_57, %sub3A_59 : vector<64x128xf32>
    %neg3A_61 = arith.constant 0.000000e+00 : f32
    %neg3A_62 = vector.broadcast %neg3A_61 : f32 to vector<64x128xf32>
    %neg3A_63 = arith.subf %neg3A_62, %get3A_7 : vector<64x128xf32>
    %exp3A_64 = math.exp %neg3A_63 : vector<64x128xf32>
    %add3A_65 = arith.constant 1.000000e+00 : f32
    %add3A_66 = vector.broadcast %add3A_65 : f32 to vector<64x128xf32>
    %add3A_67 = arith.addf %add3A_66, %exp3A_64 : vector<64x128xf32>
    %div3A_68 = arith.constant 1.000000e+00 : f32
    %div3A_69 = vector.broadcast %div3A_68 : f32 to vector<64x128xf32>
    %div3A_70 = arith.divf %div3A_69, %add3A_67 : vector<64x128xf32>
    %mul3A_71 = arith.constant 2.000000e+00 : f32
    %mul3A_72 = vector.broadcast %mul3A_71 : f32 to vector<64x128xf32>
    %mul3A_73 = arith.mulf %div3A_70, %mul3A_72 : vector<64x128xf32>
    %integer_pow3A = arith.mulf %mul3A_73, %mul3A_73 : vector<64x128xf32>
    %mul3A_74 = arith.mulf %integer_pow3A, %get3A_31 : vector<64x128xf32>
    %neg3A_75 = arith.constant 0.000000e+00 : f32
    %neg3A_76 = vector.broadcast %neg3A_75 : f32 to vector<64x128xf32>
    %neg3A_77 = arith.subf %neg3A_76, %get3A_10 : vector<64x128xf32>
    %exp3A_78 = math.exp %neg3A_77 : vector<64x128xf32>
    %add3A_79 = arith.constant 1.000000e+00 : f32
    %add3A_80 = vector.broadcast %add3A_79 : f32 to vector<64x128xf32>
    %add3A_81 = arith.addf %add3A_80, %exp3A_78 : vector<64x128xf32>
    %div3A_82 = arith.constant 1.000000e+00 : f32
    %div3A_83 = vector.broadcast %div3A_82 : f32 to vector<64x128xf32>
    %div3A_84 = arith.divf %div3A_83, %add3A_81 : vector<64x128xf32>
    %mul3A_85 = arith.constant 2.000000e+00 : f32
    %mul3A_86 = vector.broadcast %mul3A_85 : f32 to vector<64x128xf32>
    %mul3A_87 = arith.mulf %div3A_84, %mul3A_86 : vector<64x128xf32>
    %integer_pow3A_88 = arith.mulf %mul3A_87, %mul3A_87 : vector<64x128xf32>
    %mul3A_89 = arith.mulf %integer_pow3A_88, %get3A_34 : vector<64x128xf32>
    %div3A_90 = arith.constant 2.000000e+00 : f32
    %div3A_91 = vector.broadcast %div3A_90 : f32 to vector<64x128xf32>
    %div3A_92 = arith.divf %mul3A_74, %div3A_91 : vector<64x128xf32>
    %sub3A_93 = arith.subf %sub3A_44, %div3A_92 : vector<64x128xf32>
    %div3A_94 = arith.constant 2.000000e+00 : f32
    %div3A_95 = vector.broadcast %div3A_94 : f32 to vector<64x128xf32>
    %div3A_96 = arith.divf %mul3A_74, %div3A_95 : vector<64x128xf32>
    %add3A_97 = arith.addf %sub3A_44, %div3A_96 : vector<64x128xf32>
    %div3A_98 = arith.constant 2.000000e+00 : f32
    %div3A_99 = vector.broadcast %div3A_98 : f32 to vector<64x128xf32>
    %div3A_100 = arith.divf %mul3A_89, %div3A_99 : vector<64x128xf32>
    %sub3A_101 = arith.subf %sub3A_60, %div3A_100 : vector<64x128xf32>
    %div3A_102 = arith.constant 2.000000e+00 : f32
    %div3A_103 = vector.broadcast %div3A_102 : f32 to vector<64x128xf32>
    %div3A_104 = arith.divf %mul3A_89, %div3A_103 : vector<64x128xf32>
    %add3A_105 = arith.addf %sub3A_60, %div3A_104 : vector<64x128xf32>
    %div3A_106 = arith.constant 2.000000e+00 : f32
    %div3A_107 = vector.broadcast %div3A_106 : f32 to vector<64x128xf32>
    %div3A_108 = arith.divf %get3A_25, %div3A_107 : vector<64x128xf32>
    %sub3A_109 = arith.subf %get3A_19, %div3A_108 : vector<64x128xf32>
    %div3A_110 = arith.constant 2.000000e+00 : f32
    %div3A_111 = vector.broadcast %div3A_110 : f32 to vector<64x128xf32>
    %div3A_112 = arith.divf %get3A_25, %div3A_111 : vector<64x128xf32>
    %add3A_113 = arith.addf %get3A_19, %div3A_112 : vector<64x128xf32>
    %div3A_114 = arith.constant 2.000000e+00 : f32
    %div3A_115 = vector.broadcast %div3A_114 : f32 to vector<64x128xf32>
    %div3A_116 = arith.divf %get3A_28, %div3A_115 : vector<64x128xf32>
    %sub3A_117 = arith.subf %get3A_22, %div3A_116 : vector<64x128xf32>
    %div3A_118 = arith.constant 2.000000e+00 : f32
    %div3A_119 = vector.broadcast %div3A_118 : f32 to vector<64x128xf32>
    %div3A_120 = arith.divf %get3A_28, %div3A_119 : vector<64x128xf32>
    %add3A_121 = arith.addf %get3A_22, %div3A_120 : vector<64x128xf32>
    %min3A = arith.minimumf %add3A_97, %add3A_113 : vector<64x128xf32>
    %max3A = arith.maximumf %sub3A_93, %sub3A_109 : vector<64x128xf32>
    %sub3A_122 = arith.subf %min3A, %max3A : vector<64x128xf32>
    %jit3A = arith.constant 0.000000e+00 : f32
    %max3A_123 = vector.broadcast %jit3A : f32 to vector<64x128xf32>
    %max3A_124 = arith.maximumf %max3A_123, %sub3A_122 : vector<64x128xf32>
    %min3A_125 = arith.minimumf %add3A_105, %add3A_121 : vector<64x128xf32>
    %max3A_126 = arith.maximumf %sub3A_101, %sub3A_117 : vector<64x128xf32>
    %sub3A_127 = arith.subf %min3A_125, %max3A_126 : vector<64x128xf32>
    %jit3A_128 = arith.constant 0.000000e+00 : f32
    %max3A_129 = vector.broadcast %jit3A_128 : f32 to vector<64x128xf32>
    %max3A_130 = arith.maximumf %max3A_129, %sub3A_127 : vector<64x128xf32>
    %mul3A_131 = arith.mulf %max3A_124, %max3A_130 : vector<64x128xf32>
    %mul3A_132 = arith.mulf %mul3A_74, %mul3A_89 : vector<64x128xf32>
    %mul3A_133 = arith.mulf %get3A_25, %get3A_28 : vector<64x128xf32>
    %add3A_134 = arith.addf %mul3A_132, %mul3A_133 : vector<64x128xf32>
    %sub3A_135 = arith.subf %add3A_134, %mul3A_131 : vector<64x128xf32>
    %add3A_136 = arith.constant 1.000000e-07 : f32
    %add3A_137 = vector.broadcast %add3A_136 : f32 to vector<64x128xf32>
    %add3A_138 = arith.addf %sub3A_135, %add3A_137 : vector<64x128xf32>
    %jit3A_139 = arith.constant 1.000000e-07 : f32
    %max3A_140 = vector.broadcast %jit3A_139 : f32 to vector<64x128xf32>
    %max3A_141 = arith.maximumf %max3A_140, %add3A_138 : vector<64x128xf32>
    %div3A_142 = arith.divf %mul3A_131, %max3A_141 : vector<64x128xf32>
    %jit3A_143 = arith.constant 0.000000e+00 : f32
    %jit3A_144 = arith.constant 1.000000e+00 : f32
    %max3A_145 = vector.broadcast %jit3A_143 : f32 to vector<64x128xf32>
    %max3A_146 = arith.maximumf %max3A_145, %div3A_142 : vector<64x128xf32>
    %min3A_147 = vector.broadcast %jit3A_144 : f32 to vector<64x128xf32>
    %min3A_148 = arith.minimumf %min3A_147, %max3A_146 : vector<64x128xf32>
    %max3A_149 = arith.maximumf %add3A_97, %add3A_113 : vector<64x128xf32>
    %min3A_150 = arith.minimumf %sub3A_93, %sub3A_109 : vector<64x128xf32>
    %sub3A_151 = arith.subf %max3A_149, %min3A_150 : vector<64x128xf32>
    %max3A_152 = arith.maximumf %add3A_105, %add3A_121 : vector<64x128xf32>
    %min3A_153 = arith.minimumf %sub3A_101, %sub3A_117 : vector<64x128xf32>
    %sub3A_154 = arith.subf %max3A_152, %min3A_153 : vector<64x128xf32>
    %integer_pow3A_155 = arith.mulf %sub3A_151, %sub3A_151 : vector<64x128xf32>
    %integer_pow3A_156 = arith.mulf %sub3A_154, %sub3A_154 : vector<64x128xf32>
    %add3A_157 = arith.addf %integer_pow3A_155, %integer_pow3A_156 : vector<64x128xf32>
    %add3A_158 = arith.constant 1.000000e-07 : f32
    %add3A_159 = vector.broadcast %add3A_158 : f32 to vector<64x128xf32>
    %add3A_160 = arith.addf %add3A_157, %add3A_159 : vector<64x128xf32>
    %jit3A_161 = arith.constant 1.000000e-07 : f32
    %max3A_162 = vector.broadcast %jit3A_161 : f32 to vector<64x128xf32>
    %max3A_163 = arith.maximumf %max3A_162, %add3A_160 : vector<64x128xf32>
    %add3A_164 = arith.addf %sub3A_109, %add3A_113 : vector<64x128xf32>
    %sub3A_165 = arith.subf %add3A_164, %sub3A_93 : vector<64x128xf32>
    %sub3A_166 = arith.subf %sub3A_165, %add3A_97 : vector<64x128xf32>
    %integer_pow3A_167 = arith.mulf %sub3A_166, %sub3A_166 : vector<64x128xf32>
    %add3A_168 = arith.addf %sub3A_117, %add3A_121 : vector<64x128xf32>
    %sub3A_169 = arith.subf %add3A_168, %sub3A_101 : vector<64x128xf32>
    %sub3A_170 = arith.subf %sub3A_169, %add3A_105 : vector<64x128xf32>
    %integer_pow3A_171 = arith.mulf %sub3A_170, %sub3A_170 : vector<64x128xf32>
    %add3A_172 = arith.addf %integer_pow3A_167, %integer_pow3A_171 : vector<64x128xf32>
    %div3A_173 = arith.divf %add3A_172, %max3A_163 : vector<64x128xf32>
    %add3A_174 = arith.constant 1.000000e-07 : f32
    %add3A_175 = vector.broadcast %add3A_174 : f32 to vector<64x128xf32>
    %add3A_176 = arith.addf %get3A_28, %add3A_175 : vector<64x128xf32>
    %div3A_177 = arith.divf %get3A_25, %add3A_176 : vector<64x128xf32>
    %gt3A = arith.constant 1.000000e+00 : f32
    %gt3A_178 = vector.broadcast %gt3A : f32 to vector<64x128xf32>
    %gt3A_179 = arith.cmpf ogt, %div3A_177, %gt3A_178 : vector<64x128xf32>
    %div3A_180 = arith.constant 1.000000e+00 : f32
    %div3A_181 = vector.broadcast %div3A_180 : f32 to vector<64x128xf32>
    %div3A_182 = arith.divf %div3A_181, %div3A_177 : vector<64x128xf32>
    %select_n3A = arith.select %gt3A_179, %div3A_182, %div3A_177 : vector<64x128xi1>, vector<64x128xf32>
    %mul3A_183 = arith.mulf %select_n3A, %select_n3A : vector<64x128xf32>
    %broadcast_in_dim3A = arith.constant 0.00304996804 : f32
    %broadcast_in_dim3A_184 = vector.broadcast %broadcast_in_dim3A : f32 to vector<64x128xf32>
    %mul3A_185 = arith.mulf %broadcast_in_dim3A_184, %mul3A_183 : vector<64x128xf32>
    %add3A_186 = arith.constant -0.0168274492 : f32
    %add3A_187 = vector.broadcast %add3A_186 : f32 to vector<64x128xf32>
    %add3A_188 = arith.addf %mul3A_185, %add3A_187 : vector<64x128xf32>
    %mul3A_189 = arith.mulf %add3A_188, %mul3A_183 : vector<64x128xf32>
    %add3A_190 = arith.constant 4.385560e-02 : f32
    %add3A_191 = vector.broadcast %add3A_190 : f32 to vector<64x128xf32>
    %add3A_192 = arith.addf %mul3A_189, %add3A_191 : vector<64x128xf32>
    %mul3A_193 = arith.mulf %add3A_192, %mul3A_183 : vector<64x128xf32>
    %add3A_194 = arith.constant -7.596810e-02 : f32
    %add3A_195 = vector.broadcast %add3A_194 : f32 to vector<64x128xf32>
    %add3A_196 = arith.addf %mul3A_193, %add3A_195 : vector<64x128xf32>
    %mul3A_197 = arith.mulf %add3A_196, %mul3A_183 : vector<64x128xf32>
    %add3A_198 = arith.constant 0.106814213 : f32
    %add3A_199 = vector.broadcast %add3A_198 : f32 to vector<64x128xf32>
    %add3A_200 = arith.addf %mul3A_197, %add3A_199 : vector<64x128xf32>
    %mul3A_201 = arith.mulf %add3A_200, %mul3A_183 : vector<64x128xf32>
    %add3A_202 = arith.constant -0.142131969 : f32
    %add3A_203 = vector.broadcast %add3A_202 : f32 to vector<64x128xf32>
    %add3A_204 = arith.addf %mul3A_201, %add3A_203 : vector<64x128xf32>
    %mul3A_205 = arith.mulf %add3A_204, %mul3A_183 : vector<64x128xf32>
    %add3A_206 = arith.constant 0.199937165 : f32
    %add3A_207 = vector.broadcast %add3A_206 : f32 to vector<64x128xf32>
    %add3A_208 = arith.addf %mul3A_205, %add3A_207 : vector<64x128xf32>
    %mul3A_209 = arith.mulf %add3A_208, %mul3A_183 : vector<64x128xf32>
    %add3A_210 = arith.constant -0.333331198 : f32
    %add3A_211 = vector.broadcast %add3A_210 : f32 to vector<64x128xf32>
    %add3A_212 = arith.addf %mul3A_209, %add3A_211 : vector<64x128xf32>
    %mul3A_213 = arith.mulf %add3A_212, %mul3A_183 : vector<64x128xf32>
    %add3A_214 = arith.constant 1.000000e+00 : f32
    %add3A_215 = vector.broadcast %add3A_214 : f32 to vector<64x128xf32>
    %add3A_216 = arith.addf %mul3A_213, %add3A_215 : vector<64x128xf32>
    %mul3A_217 = arith.mulf %select_n3A, %add3A_216 : vector<64x128xf32>
    %sub3A_218 = arith.constant 1.57079637 : f32
    %sub3A_219 = vector.broadcast %sub3A_218 : f32 to vector<64x128xf32>
    %sub3A_220 = arith.subf %sub3A_219, %mul3A_217 : vector<64x128xf32>
    %select_n3A_221 = arith.select %gt3A_179, %sub3A_220, %mul3A_217 : vector<64x128xi1>, vector<64x128xf32>
    %add3A_222 = arith.constant 1.000000e-07 : f32
    %add3A_223 = vector.broadcast %add3A_222 : f32 to vector<64x128xf32>
    %add3A_224 = arith.addf %mul3A_89, %add3A_223 : vector<64x128xf32>
    %div3A_225 = arith.divf %mul3A_74, %add3A_224 : vector<64x128xf32>
    %gt3A_226 = arith.constant 1.000000e+00 : f32
    %gt3A_227 = vector.broadcast %gt3A_226 : f32 to vector<64x128xf32>
    %gt3A_228 = arith.cmpf ogt, %div3A_225, %gt3A_227 : vector<64x128xf32>
    %div3A_229 = arith.constant 1.000000e+00 : f32
    %div3A_230 = vector.broadcast %div3A_229 : f32 to vector<64x128xf32>
    %div3A_231 = arith.divf %div3A_230, %div3A_225 : vector<64x128xf32>
    %select_n3A_232 = arith.select %gt3A_228, %div3A_231, %div3A_225 : vector<64x128xi1>, vector<64x128xf32>
    %mul3A_233 = arith.mulf %select_n3A_232, %select_n3A_232 : vector<64x128xf32>
    %broadcast_in_dim3A_234 = arith.constant 0.00304996804 : f32
    %broadcast_in_dim3A_235 = vector.broadcast %broadcast_in_dim3A_234 : f32 to vector<64x128xf32>
    %mul3A_236 = arith.mulf %broadcast_in_dim3A_235, %mul3A_233 : vector<64x128xf32>
    %add3A_237 = arith.constant -0.0168274492 : f32
    %add3A_238 = vector.broadcast %add3A_237 : f32 to vector<64x128xf32>
    %add3A_239 = arith.addf %mul3A_236, %add3A_238 : vector<64x128xf32>
    %mul3A_240 = arith.mulf %add3A_239, %mul3A_233 : vector<64x128xf32>
    %add3A_241 = arith.constant 4.385560e-02 : f32
    %add3A_242 = vector.broadcast %add3A_241 : f32 to vector<64x128xf32>
    %add3A_243 = arith.addf %mul3A_240, %add3A_242 : vector<64x128xf32>
    %mul3A_244 = arith.mulf %add3A_243, %mul3A_233 : vector<64x128xf32>
    %add3A_245 = arith.constant -7.596810e-02 : f32
    %add3A_246 = vector.broadcast %add3A_245 : f32 to vector<64x128xf32>
    %add3A_247 = arith.addf %mul3A_244, %add3A_246 : vector<64x128xf32>
    %mul3A_248 = arith.mulf %add3A_247, %mul3A_233 : vector<64x128xf32>
    %add3A_249 = arith.constant 0.106814213 : f32
    %add3A_250 = vector.broadcast %add3A_249 : f32 to vector<64x128xf32>
    %add3A_251 = arith.addf %mul3A_248, %add3A_250 : vector<64x128xf32>
    %mul3A_252 = arith.mulf %add3A_251, %mul3A_233 : vector<64x128xf32>
    %add3A_253 = arith.constant -0.142131969 : f32
    %add3A_254 = vector.broadcast %add3A_253 : f32 to vector<64x128xf32>
    %add3A_255 = arith.addf %mul3A_252, %add3A_254 : vector<64x128xf32>
    %mul3A_256 = arith.mulf %add3A_255, %mul3A_233 : vector<64x128xf32>
    %add3A_257 = arith.constant 0.199937165 : f32
    %add3A_258 = vector.broadcast %add3A_257 : f32 to vector<64x128xf32>
    %add3A_259 = arith.addf %mul3A_256, %add3A_258 : vector<64x128xf32>
    %mul3A_260 = arith.mulf %add3A_259, %mul3A_233 : vector<64x128xf32>
    %add3A_261 = arith.constant -0.333331198 : f32
    %add3A_262 = vector.broadcast %add3A_261 : f32 to vector<64x128xf32>
    %add3A_263 = arith.addf %mul3A_260, %add3A_262 : vector<64x128xf32>
    %mul3A_264 = arith.mulf %add3A_263, %mul3A_233 : vector<64x128xf32>
    %add3A_265 = arith.constant 1.000000e+00 : f32
    %add3A_266 = vector.broadcast %add3A_265 : f32 to vector<64x128xf32>
    %add3A_267 = arith.addf %mul3A_264, %add3A_266 : vector<64x128xf32>
    %mul3A_268 = arith.mulf %select_n3A_232, %add3A_267 : vector<64x128xf32>
    %sub3A_269 = arith.constant 1.57079637 : f32
    %sub3A_270 = vector.broadcast %sub3A_269 : f32 to vector<64x128xf32>
    %sub3A_271 = arith.subf %sub3A_270, %mul3A_268 : vector<64x128xf32>
    %select_n3A_272 = arith.select %gt3A_228, %sub3A_271, %mul3A_268 : vector<64x128xi1>, vector<64x128xf32>
    %sub3A_273 = arith.subf %select_n3A_221, %select_n3A_272 : vector<64x128xf32>
    %integer_pow3A_274 = arith.mulf %sub3A_273, %sub3A_273 : vector<64x128xf32>
    %mul3A_275 = arith.constant 0.405284733 : f32
    %mul3A_276 = vector.broadcast %mul3A_275 : f32 to vector<64x128xf32>
    %mul3A_277 = arith.mulf %mul3A_276, %integer_pow3A_274 : vector<64x128xf32>
    %sub3A_278 = arith.subf %mul3A_277, %min3A_148 : vector<64x128xf32>
    %add3A_279 = arith.constant 1.000000e+00 : f32
    %add3A_280 = vector.broadcast %add3A_279 : f32 to vector<64x128xf32>
    %add3A_281 = arith.addf %sub3A_278, %add3A_280 : vector<64x128xf32>
    %add3A_282 = arith.constant 1.000000e-07 : f32
    %add3A_283 = vector.broadcast %add3A_282 : f32 to vector<64x128xf32>
    %add3A_284 = arith.addf %add3A_281, %add3A_283 : vector<64x128xf32>
    %div3A_285 = arith.divf %mul3A_277, %add3A_284 : vector<64x128xf32>
    %mul3A_286 = arith.mulf %mul3A_277, %div3A_285 : vector<64x128xf32>
    %add3A_287 = arith.addf %div3A_173, %mul3A_286 : vector<64x128xf32>
    %sub3A_288 = arith.subf %min3A_148, %add3A_287 : vector<64x128xf32>
    %jit3A_289 = arith.constant 0.000000e+00 : f32
    %jit3A_290 = arith.constant 1.000000e+00 : f32
    %max3A_291 = vector.broadcast %jit3A_289 : f32 to vector<64x128xf32>
    %max3A_292 = arith.maximumf %max3A_291, %sub3A_288 : vector<64x128xf32>
    %min3A_293 = vector.broadcast %jit3A_290 : f32 to vector<64x128xf32>
    %min3A_294 = arith.minimumf %min3A_293, %max3A_292 : vector<64x128xf32>
    %sub3A_295 = arith.constant 1.000000e+00 : f32
    %sub3A_296 = vector.broadcast %sub3A_295 : f32 to vector<64x128xf32>
    %sub3A_297 = arith.subf %sub3A_296, %min3A_294 : vector<64x128xf32>
    %sqrt3A = math.sqrt %sub3A_297 : vector<64x128xf32>
    %mul3A_298 = arith.mulf %sub3A_297, %sqrt3A : vector<64x128xf32>
    %mul3A_299 = arith.mulf %get3A_16, %mul3A_298 : vector<64x128xf32>
    %reduce_sum3A = vector.shape_cast %mul3A_299 : vector<64x128xf32> to vector<1x64x128xf32>
    %reduce_sum3A_300 = arith.constant dense<0.000000e+00> : vector<1xf32>
    %reduce_sum3A_301 = vector.multi_reduction <add>, %reduce_sum3A, %reduce_sum3A_300 [1, 2] : vector<1x64x128xf32> to vector<1xf32>
    %reduce_sum3A_302 = vector.shape_cast %reduce_sum3A_301 : vector<1xf32> to vector<1x1x1xf32>
    %reduce_sum3A_303 = vector.extract %reduce_sum3A_302[0, 0, 0] : f32 from vector<1x1x1xf32>
    %swap3A = arith.constant 0 : index
    %swap3A_304 = arith.constant 0 : index
    %swap3A_305 = memref.load %arg6[%swap3A, %swap3A_304] : memref<3x4xf32, #tpu.memory_space<smem>>
    memref.store %reduce_sum3A_303, %arg6[%swap3A, %swap3A_304] : memref<3x4xf32, #tpu.memory_space<smem>>
    %reduce_sum3A_306 = vector.shape_cast %get3A_16 : vector<64x128xf32> to vector<1x64x128xf32>
    %reduce_sum3A_307 = arith.constant dense<0.000000e+00> : vector<1xf32>
    %reduce_sum3A_308 = vector.multi_reduction <add>, %reduce_sum3A_306, %reduce_sum3A_307 [1, 2] : vector<1x64x128xf32> to vector<1xf32>
    %reduce_sum3A_309 = vector.shape_cast %reduce_sum3A_308 : vector<1xf32> to vector<1x1x1xf32>
    %reduce_sum3A_310 = vector.extract %reduce_sum3A_309[0, 0, 0] : f32 from vector<1x1x1xf32>
    %swap3A_311 = arith.constant 0 : index
    %swap3A_312 = arith.constant 1 : index
    %swap3A_313 = memref.load %arg6[%swap3A_311, %swap3A_312] : memref<3x4xf32, #tpu.memory_space<smem>>
    memref.store %reduce_sum3A_310, %arg6[%swap3A_311, %swap3A_312] : memref<3x4xf32, #tpu.memory_space<smem>>
    %mul3A_314 = arith.mulf %get3A_16, %get3A_13 : vector<64x128xf32>
    %mul3A_315 = arith.mulf %mul3A_314, %min3A_294 : vector<64x128xf32>
    %reduce_sum3A_316 = vector.shape_cast %mul3A_315 : vector<64x128xf32> to vector<1x64x128xf32>
    %reduce_sum3A_317 = arith.constant dense<0.000000e+00> : vector<1xf32>
    %reduce_sum3A_318 = vector.multi_reduction <add>, %reduce_sum3A_316, %reduce_sum3A_317 [1, 2] : vector<1x64x128xf32> to vector<1xf32>
    %reduce_sum3A_319 = vector.shape_cast %reduce_sum3A_318 : vector<1xf32> to vector<1x1x1xf32>
    %reduce_sum3A_320 = vector.extract %reduce_sum3A_319[0, 0, 0] : f32 from vector<1x1x1xf32>
    %swap3A_321 = arith.constant 0 : index
    %swap3A_322 = arith.constant 2 : index
    %swap3A_323 = memref.load %arg6[%swap3A_321, %swap3A_322] : memref<3x4xf32, #tpu.memory_space<smem>>
    memref.store %reduce_sum3A_320, %arg6[%swap3A_321, %swap3A_322] : memref<3x4xf32, #tpu.memory_space<smem>>
    %swap3A_324 = arith.constant 0.000000e+00 : f32
    %swap3A_325 = arith.constant 0 : index
    %swap3A_326 = arith.constant 3 : index
    %swap3A_327 = memref.load %arg6[%swap3A_325, %swap3A_326] : memref<3x4xf32, #tpu.memory_space<smem>>
    memref.store %swap3A_324, %arg6[%swap3A_325, %swap3A_326] : memref<3x4xf32, #tpu.memory_space<smem>>
    %get3A_328 = arith.constant 0 : index
    %get3A_329 = arith.constant 0 : index
    %get3A_330 = vector.load %arg1[%get3A_328, %get3A_329] : memref<320x128xf32, #tpu.memory_space<vmem>>, vector<64x128xf32>
    %get3A_331 = arith.constant 64 : index
    %get3A_332 = arith.constant 0 : index
    %get3A_333 = vector.load %arg1[%get3A_331, %get3A_332] : memref<320x128xf32, #tpu.memory_space<vmem>>, vector<64x128xf32>
    %get3A_334 = arith.constant 128 : index
    %get3A_335 = arith.constant 0 : index
    %get3A_336 = vector.load %arg1[%get3A_334, %get3A_335] : memref<320x128xf32, #tpu.memory_space<vmem>>, vector<64x128xf32>
    %get3A_337 = arith.constant 192 : index
    %get3A_338 = arith.constant 0 : index
    %get3A_339 = vector.load %arg1[%get3A_337, %get3A_338] : memref<320x128xf32, #tpu.memory_space<vmem>>, vector<64x128xf32>
    %get3A_340 = arith.constant 256 : index
    %get3A_341 = arith.constant 0 : index
    %get3A_342 = vector.load %arg1[%get3A_340, %get3A_341] : memref<320x128xf32, #tpu.memory_space<vmem>>, vector<64x128xf32>
    %get3A_343 = arith.constant 0 : index
    %get3A_344 = arith.constant 0 : index
    %get3A_345 = vector.load %arg4[%get3A_343, %get3A_344] : memref<512x128xf32, #tpu.memory_space<vmem>>, vector<64x128xf32>
    %get3A_346 = arith.constant 64 : index
    %get3A_347 = arith.constant 0 : index
    %get3A_348 = vector.load %arg4[%get3A_346, %get3A_347] : memref<512x128xf32, #tpu.memory_space<vmem>>, vector<64x128xf32>
    %get3A_349 = arith.constant 128 : index
    %get3A_350 = arith.constant 0 : index
    %get3A_351 = vector.load %arg4[%get3A_349, %get3A_350] : memref<512x128xf32, #tpu.memory_space<vmem>>, vector<64x128xf32>
    %get3A_352 = arith.constant 192 : index
    %get3A_353 = arith.constant 0 : index
    %get3A_354 = vector.load %arg4[%get3A_352, %get3A_353] : memref<512x128xf32, #tpu.memory_space<vmem>>, vector<64x128xf32>
    %get3A_355 = arith.constant 256 : index
    %get3A_356 = arith.constant 0 : index
    %get3A_357 = vector.load %arg4[%get3A_355, %get3A_356] : memref<512x128xf32, #tpu.memory_space<vmem>>, vector<64x128xf32>
    %get3A_358 = arith.constant 320 : index
    %get3A_359 = arith.constant 0 : index
    %get3A_360 = vector.load %arg4[%get3A_358, %get3A_359] : memref<512x128xf32, #tpu.memory_space<vmem>>, vector<64x128xf32>
    %get3A_361 = arith.constant 384 : index
    %get3A_362 = arith.constant 0 : index
    %get3A_363 = vector.load %arg4[%get3A_361, %get3A_362] : memref<512x128xf32, #tpu.memory_space<vmem>>, vector<64x128xf32>
    %neg3A_364 = arith.constant 0.000000e+00 : f32
    %neg3A_365 = vector.broadcast %neg3A_364 : f32 to vector<64x128xf32>
    %neg3A_366 = arith.subf %neg3A_365, %get3A_330 : vector<64x128xf32>
    %exp3A_367 = math.exp %neg3A_366 : vector<64x128xf32>
    %add3A_368 = arith.constant 1.000000e+00 : f32
    %add3A_369 = vector.broadcast %add3A_368 : f32 to vector<64x128xf32>
    %add3A_370 = arith.addf %add3A_369, %exp3A_367 : vector<64x128xf32>
    %div3A_371 = arith.constant 1.000000e+00 : f32
    %div3A_372 = vector.broadcast %div3A_371 : f32 to vector<64x128xf32>
    %div3A_373 = arith.divf %div3A_372, %add3A_370 : vector<64x128xf32>
    %mul3A_374 = arith.constant 2.000000e+00 : f32
    %mul3A_375 = vector.broadcast %mul3A_374 : f32 to vector<64x128xf32>
    %mul3A_376 = arith.mulf %div3A_373, %mul3A_375 : vector<64x128xf32>
    %sub3A_377 = arith.constant 5.000000e-01 : f32
    %sub3A_378 = vector.broadcast %sub3A_377 : f32 to vector<64x128xf32>
    %sub3A_379 = arith.subf %mul3A_376, %sub3A_378 : vector<64x128xf32>
    %neg3A_380 = arith.constant 0.000000e+00 : f32
    %neg3A_381 = vector.broadcast %neg3A_380 : f32 to vector<64x128xf32>
    %neg3A_382 = arith.subf %neg3A_381, %get3A_333 : vector<64x128xf32>
    %exp3A_383 = math.exp %neg3A_382 : vector<64x128xf32>
    %add3A_384 = arith.constant 1.000000e+00 : f32
    %add3A_385 = vector.broadcast %add3A_384 : f32 to vector<64x128xf32>
    %add3A_386 = arith.addf %add3A_385, %exp3A_383 : vector<64x128xf32>
    %div3A_387 = arith.constant 1.000000e+00 : f32
    %div3A_388 = vector.broadcast %div3A_387 : f32 to vector<64x128xf32>
    %div3A_389 = arith.divf %div3A_388, %add3A_386 : vector<64x128xf32>
    %mul3A_390 = arith.constant 2.000000e+00 : f32
    %mul3A_391 = vector.broadcast %mul3A_390 : f32 to vector<64x128xf32>
    %mul3A_392 = arith.mulf %div3A_389, %mul3A_391 : vector<64x128xf32>
    %sub3A_393 = arith.constant 5.000000e-01 : f32
    %sub3A_394 = vector.broadcast %sub3A_393 : f32 to vector<64x128xf32>
    %sub3A_395 = arith.subf %mul3A_392, %sub3A_394 : vector<64x128xf32>
    %neg3A_396 = arith.constant 0.000000e+00 : f32
    %neg3A_397 = vector.broadcast %neg3A_396 : f32 to vector<64x128xf32>
    %neg3A_398 = arith.subf %neg3A_397, %get3A_336 : vector<64x128xf32>
    %exp3A_399 = math.exp %neg3A_398 : vector<64x128xf32>
    %add3A_400 = arith.constant 1.000000e+00 : f32
    %add3A_401 = vector.broadcast %add3A_400 : f32 to vector<64x128xf32>
    %add3A_402 = arith.addf %add3A_401, %exp3A_399 : vector<64x128xf32>
    %div3A_403 = arith.constant 1.000000e+00 : f32
    %div3A_404 = vector.broadcast %div3A_403 : f32 to vector<64x128xf32>
    %div3A_405 = arith.divf %div3A_404, %add3A_402 : vector<64x128xf32>
    %mul3A_406 = arith.constant 2.000000e+00 : f32
    %mul3A_407 = vector.broadcast %mul3A_406 : f32 to vector<64x128xf32>
    %mul3A_408 = arith.mulf %div3A_405, %mul3A_407 : vector<64x128xf32>
    %integer_pow3A_409 = arith.mulf %mul3A_408, %mul3A_408 : vector<64x128xf32>
    %mul3A_410 = arith.mulf %integer_pow3A_409, %get3A_360 : vector<64x128xf32>
    %neg3A_411 = arith.constant 0.000000e+00 : f32
    %neg3A_412 = vector.broadcast %neg3A_411 : f32 to vector<64x128xf32>
    %neg3A_413 = arith.subf %neg3A_412, %get3A_339 : vector<64x128xf32>
    %exp3A_414 = math.exp %neg3A_413 : vector<64x128xf32>
    %add3A_415 = arith.constant 1.000000e+00 : f32
    %add3A_416 = vector.broadcast %add3A_415 : f32 to vector<64x128xf32>
    %add3A_417 = arith.addf %add3A_416, %exp3A_414 : vector<64x128xf32>
    %div3A_418 = arith.constant 1.000000e+00 : f32
    %div3A_419 = vector.broadcast %div3A_418 : f32 to vector<64x128xf32>
    %div3A_420 = arith.divf %div3A_419, %add3A_417 : vector<64x128xf32>
    %mul3A_421 = arith.constant 2.000000e+00 : f32
    %mul3A_422 = vector.broadcast %mul3A_421 : f32 to vector<64x128xf32>
    %mul3A_423 = arith.mulf %div3A_420, %mul3A_422 : vector<64x128xf32>
    %integer_pow3A_424 = arith.mulf %mul3A_423, %mul3A_423 : vector<64x128xf32>
    %mul3A_425 = arith.mulf %integer_pow3A_424, %get3A_363 : vector<64x128xf32>
    %div3A_426 = arith.constant 2.000000e+00 : f32
    %div3A_427 = vector.broadcast %div3A_426 : f32 to vector<64x128xf32>
    %div3A_428 = arith.divf %mul3A_410, %div3A_427 : vector<64x128xf32>
    %sub3A_429 = arith.subf %sub3A_379, %div3A_428 : vector<64x128xf32>
    %div3A_430 = arith.constant 2.000000e+00 : f32
    %div3A_431 = vector.broadcast %div3A_430 : f32 to vector<64x128xf32>
    %div3A_432 = arith.divf %mul3A_410, %div3A_431 : vector<64x128xf32>
    %add3A_433 = arith.addf %sub3A_379, %div3A_432 : vector<64x128xf32>
    %div3A_434 = arith.constant 2.000000e+00 : f32
    %div3A_435 = vector.broadcast %div3A_434 : f32 to vector<64x128xf32>
    %div3A_436 = arith.divf %mul3A_425, %div3A_435 : vector<64x128xf32>
    %sub3A_437 = arith.subf %sub3A_395, %div3A_436 : vector<64x128xf32>
    %div3A_438 = arith.constant 2.000000e+00 : f32
    %div3A_439 = vector.broadcast %div3A_438 : f32 to vector<64x128xf32>
    %div3A_440 = arith.divf %mul3A_425, %div3A_439 : vector<64x128xf32>
    %add3A_441 = arith.addf %sub3A_395, %div3A_440 : vector<64x128xf32>
    %div3A_442 = arith.constant 2.000000e+00 : f32
    %div3A_443 = vector.broadcast %div3A_442 : f32 to vector<64x128xf32>
    %div3A_444 = arith.divf %get3A_354, %div3A_443 : vector<64x128xf32>
    %sub3A_445 = arith.subf %get3A_348, %div3A_444 : vector<64x128xf32>
    %div3A_446 = arith.constant 2.000000e+00 : f32
    %div3A_447 = vector.broadcast %div3A_446 : f32 to vector<64x128xf32>
    %div3A_448 = arith.divf %get3A_354, %div3A_447 : vector<64x128xf32>
    %add3A_449 = arith.addf %get3A_348, %div3A_448 : vector<64x128xf32>
    %div3A_450 = arith.constant 2.000000e+00 : f32
    %div3A_451 = vector.broadcast %div3A_450 : f32 to vector<64x128xf32>
    %div3A_452 = arith.divf %get3A_357, %div3A_451 : vector<64x128xf32>
    %sub3A_453 = arith.subf %get3A_351, %div3A_452 : vector<64x128xf32>
    %div3A_454 = arith.constant 2.000000e+00 : f32
    %div3A_455 = vector.broadcast %div3A_454 : f32 to vector<64x128xf32>
    %div3A_456 = arith.divf %get3A_357, %div3A_455 : vector<64x128xf32>
    %add3A_457 = arith.addf %get3A_351, %div3A_456 : vector<64x128xf32>
    %min3A_458 = arith.minimumf %add3A_433, %add3A_449 : vector<64x128xf32>
    %max3A_459 = arith.maximumf %sub3A_429, %sub3A_445 : vector<64x128xf32>
    %sub3A_460 = arith.subf %min3A_458, %max3A_459 : vector<64x128xf32>
    %jit3A_461 = arith.constant 0.000000e+00 : f32
    %max3A_462 = vector.broadcast %jit3A_461 : f32 to vector<64x128xf32>
    %max3A_463 = arith.maximumf %max3A_462, %sub3A_460 : vector<64x128xf32>
    %min3A_464 = arith.minimumf %add3A_441, %add3A_457 : vector<64x128xf32>
    %max3A_465 = arith.maximumf %sub3A_437, %sub3A_453 : vector<64x128xf32>
    %sub3A_466 = arith.subf %min3A_464, %max3A_465 : vector<64x128xf32>
    %jit3A_467 = arith.constant 0.000000e+00 : f32
    %max3A_468 = vector.broadcast %jit3A_467 : f32 to vector<64x128xf32>
    %max3A_469 = arith.maximumf %max3A_468, %sub3A_466 : vector<64x128xf32>
    %mul3A_470 = arith.mulf %max3A_463, %max3A_469 : vector<64x128xf32>
    %mul3A_471 = arith.mulf %mul3A_410, %mul3A_425 : vector<64x128xf32>
    %mul3A_472 = arith.mulf %get3A_354, %get3A_357 : vector<64x128xf32>
    %add3A_473 = arith.addf %mul3A_471, %mul3A_472 : vector<64x128xf32>
    %sub3A_474 = arith.subf %add3A_473, %mul3A_470 : vector<64x128xf32>
    %add3A_475 = arith.constant 1.000000e-07 : f32
    %add3A_476 = vector.broadcast %add3A_475 : f32 to vector<64x128xf32>
    %add3A_477 = arith.addf %sub3A_474, %add3A_476 : vector<64x128xf32>
    %jit3A_478 = arith.constant 1.000000e-07 : f32
    %max3A_479 = vector.broadcast %jit3A_478 : f32 to vector<64x128xf32>
    %max3A_480 = arith.maximumf %max3A_479, %add3A_477 : vector<64x128xf32>
    %div3A_481 = arith.divf %mul3A_470, %max3A_480 : vector<64x128xf32>
    %jit3A_482 = arith.constant 0.000000e+00 : f32
    %jit3A_483 = arith.constant 1.000000e+00 : f32
    %max3A_484 = vector.broadcast %jit3A_482 : f32 to vector<64x128xf32>
    %max3A_485 = arith.maximumf %max3A_484, %div3A_481 : vector<64x128xf32>
    %min3A_486 = vector.broadcast %jit3A_483 : f32 to vector<64x128xf32>
    %min3A_487 = arith.minimumf %min3A_486, %max3A_485 : vector<64x128xf32>
    %max3A_488 = arith.maximumf %add3A_433, %add3A_449 : vector<64x128xf32>
    %min3A_489 = arith.minimumf %sub3A_429, %sub3A_445 : vector<64x128xf32>
    %sub3A_490 = arith.subf %max3A_488, %min3A_489 : vector<64x128xf32>
    %max3A_491 = arith.maximumf %add3A_441, %add3A_457 : vector<64x128xf32>
    %min3A_492 = arith.minimumf %sub3A_437, %sub3A_453 : vector<64x128xf32>
    %sub3A_493 = arith.subf %max3A_491, %min3A_492 : vector<64x128xf32>
    %integer_pow3A_494 = arith.mulf %sub3A_490, %sub3A_490 : vector<64x128xf32>
    %integer_pow3A_495 = arith.mulf %sub3A_493, %sub3A_493 : vector<64x128xf32>
    %add3A_496 = arith.addf %integer_pow3A_494, %integer_pow3A_495 : vector<64x128xf32>
    %add3A_497 = arith.constant 1.000000e-07 : f32
    %add3A_498 = vector.broadcast %add3A_497 : f32 to vector<64x128xf32>
    %add3A_499 = arith.addf %add3A_496, %add3A_498 : vector<64x128xf32>
    %jit3A_500 = arith.constant 1.000000e-07 : f32
    %max3A_501 = vector.broadcast %jit3A_500 : f32 to vector<64x128xf32>
    %max3A_502 = arith.maximumf %max3A_501, %add3A_499 : vector<64x128xf32>
    %add3A_503 = arith.addf %sub3A_445, %add3A_449 : vector<64x128xf32>
    %sub3A_504 = arith.subf %add3A_503, %sub3A_429 : vector<64x128xf32>
    %sub3A_505 = arith.subf %sub3A_504, %add3A_433 : vector<64x128xf32>
    %integer_pow3A_506 = arith.mulf %sub3A_505, %sub3A_505 : vector<64x128xf32>
    %add3A_507 = arith.addf %sub3A_453, %add3A_457 : vector<64x128xf32>
    %sub3A_508 = arith.subf %add3A_507, %sub3A_437 : vector<64x128xf32>
    %sub3A_509 = arith.subf %sub3A_508, %add3A_441 : vector<64x128xf32>
    %integer_pow3A_510 = arith.mulf %sub3A_509, %sub3A_509 : vector<64x128xf32>
    %add3A_511 = arith.addf %integer_pow3A_506, %integer_pow3A_510 : vector<64x128xf32>
    %div3A_512 = arith.divf %add3A_511, %max3A_502 : vector<64x128xf32>
    %add3A_513 = arith.constant 1.000000e-07 : f32
    %add3A_514 = vector.broadcast %add3A_513 : f32 to vector<64x128xf32>
    %add3A_515 = arith.addf %get3A_357, %add3A_514 : vector<64x128xf32>
    %div3A_516 = arith.divf %get3A_354, %add3A_515 : vector<64x128xf32>
    %gt3A_517 = arith.constant 1.000000e+00 : f32
    %gt3A_518 = vector.broadcast %gt3A_517 : f32 to vector<64x128xf32>
    %gt3A_519 = arith.cmpf ogt, %div3A_516, %gt3A_518 : vector<64x128xf32>
    %div3A_520 = arith.constant 1.000000e+00 : f32
    %div3A_521 = vector.broadcast %div3A_520 : f32 to vector<64x128xf32>
    %div3A_522 = arith.divf %div3A_521, %div3A_516 : vector<64x128xf32>
    %select_n3A_523 = arith.select %gt3A_519, %div3A_522, %div3A_516 : vector<64x128xi1>, vector<64x128xf32>
    %mul3A_524 = arith.mulf %select_n3A_523, %select_n3A_523 : vector<64x128xf32>
    %broadcast_in_dim3A_525 = arith.constant 0.00304996804 : f32
    %broadcast_in_dim3A_526 = vector.broadcast %broadcast_in_dim3A_525 : f32 to vector<64x128xf32>
    %mul3A_527 = arith.mulf %broadcast_in_dim3A_526, %mul3A_524 : vector<64x128xf32>
    %add3A_528 = arith.constant -0.0168274492 : f32
    %add3A_529 = vector.broadcast %add3A_528 : f32 to vector<64x128xf32>
    %add3A_530 = arith.addf %mul3A_527, %add3A_529 : vector<64x128xf32>
    %mul3A_531 = arith.mulf %add3A_530, %mul3A_524 : vector<64x128xf32>
    %add3A_532 = arith.constant 4.385560e-02 : f32
    %add3A_533 = vector.broadcast %add3A_532 : f32 to vector<64x128xf32>
    %add3A_534 = arith.addf %mul3A_531, %add3A_533 : vector<64x128xf32>
    %mul3A_535 = arith.mulf %add3A_534, %mul3A_524 : vector<64x128xf32>
    %add3A_536 = arith.constant -7.596810e-02 : f32
    %add3A_537 = vector.broadcast %add3A_536 : f32 to vector<64x128xf32>
    %add3A_538 = arith.addf %mul3A_535, %add3A_537 : vector<64x128xf32>
    %mul3A_539 = arith.mulf %add3A_538, %mul3A_524 : vector<64x128xf32>
    %add3A_540 = arith.constant 0.106814213 : f32
    %add3A_541 = vector.broadcast %add3A_540 : f32 to vector<64x128xf32>
    %add3A_542 = arith.addf %mul3A_539, %add3A_541 : vector<64x128xf32>
    %mul3A_543 = arith.mulf %add3A_542, %mul3A_524 : vector<64x128xf32>
    %add3A_544 = arith.constant -0.142131969 : f32
    %add3A_545 = vector.broadcast %add3A_544 : f32 to vector<64x128xf32>
    %add3A_546 = arith.addf %mul3A_543, %add3A_545 : vector<64x128xf32>
    %mul3A_547 = arith.mulf %add3A_546, %mul3A_524 : vector<64x128xf32>
    %add3A_548 = arith.constant 0.199937165 : f32
    %add3A_549 = vector.broadcast %add3A_548 : f32 to vector<64x128xf32>
    %add3A_550 = arith.addf %mul3A_547, %add3A_549 : vector<64x128xf32>
    %mul3A_551 = arith.mulf %add3A_550, %mul3A_524 : vector<64x128xf32>
    %add3A_552 = arith.constant -0.333331198 : f32
    %add3A_553 = vector.broadcast %add3A_552 : f32 to vector<64x128xf32>
    %add3A_554 = arith.addf %mul3A_551, %add3A_553 : vector<64x128xf32>
    %mul3A_555 = arith.mulf %add3A_554, %mul3A_524 : vector<64x128xf32>
    %add3A_556 = arith.constant 1.000000e+00 : f32
    %add3A_557 = vector.broadcast %add3A_556 : f32 to vector<64x128xf32>
    %add3A_558 = arith.addf %mul3A_555, %add3A_557 : vector<64x128xf32>
    %mul3A_559 = arith.mulf %select_n3A_523, %add3A_558 : vector<64x128xf32>
    %sub3A_560 = arith.constant 1.57079637 : f32
    %sub3A_561 = vector.broadcast %sub3A_560 : f32 to vector<64x128xf32>
    %sub3A_562 = arith.subf %sub3A_561, %mul3A_559 : vector<64x128xf32>
    %select_n3A_563 = arith.select %gt3A_519, %sub3A_562, %mul3A_559 : vector<64x128xi1>, vector<64x128xf32>
    %add3A_564 = arith.constant 1.000000e-07 : f32
    %add3A_565 = vector.broadcast %add3A_564 : f32 to vector<64x128xf32>
    %add3A_566 = arith.addf %mul3A_425, %add3A_565 : vector<64x128xf32>
    %div3A_567 = arith.divf %mul3A_410, %add3A_566 : vector<64x128xf32>
    %gt3A_568 = arith.constant 1.000000e+00 : f32
    %gt3A_569 = vector.broadcast %gt3A_568 : f32 to vector<64x128xf32>
    %gt3A_570 = arith.cmpf ogt, %div3A_567, %gt3A_569 : vector<64x128xf32>
    %div3A_571 = arith.constant 1.000000e+00 : f32
    %div3A_572 = vector.broadcast %div3A_571 : f32 to vector<64x128xf32>
    %div3A_573 = arith.divf %div3A_572, %div3A_567 : vector<64x128xf32>
    %select_n3A_574 = arith.select %gt3A_570, %div3A_573, %div3A_567 : vector<64x128xi1>, vector<64x128xf32>
    %mul3A_575 = arith.mulf %select_n3A_574, %select_n3A_574 : vector<64x128xf32>
    %broadcast_in_dim3A_576 = arith.constant 0.00304996804 : f32
    %broadcast_in_dim3A_577 = vector.broadcast %broadcast_in_dim3A_576 : f32 to vector<64x128xf32>
    %mul3A_578 = arith.mulf %broadcast_in_dim3A_577, %mul3A_575 : vector<64x128xf32>
    %add3A_579 = arith.constant -0.0168274492 : f32
    %add3A_580 = vector.broadcast %add3A_579 : f32 to vector<64x128xf32>
    %add3A_581 = arith.addf %mul3A_578, %add3A_580 : vector<64x128xf32>
    %mul3A_582 = arith.mulf %add3A_581, %mul3A_575 : vector<64x128xf32>
    %add3A_583 = arith.constant 4.385560e-02 : f32
    %add3A_584 = vector.broadcast %add3A_583 : f32 to vector<64x128xf32>
    %add3A_585 = arith.addf %mul3A_582, %add3A_584 : vector<64x128xf32>
    %mul3A_586 = arith.mulf %add3A_585, %mul3A_575 : vector<64x128xf32>
    %add3A_587 = arith.constant -7.596810e-02 : f32
    %add3A_588 = vector.broadcast %add3A_587 : f32 to vector<64x128xf32>
    %add3A_589 = arith.addf %mul3A_586, %add3A_588 : vector<64x128xf32>
    %mul3A_590 = arith.mulf %add3A_589, %mul3A_575 : vector<64x128xf32>
    %add3A_591 = arith.constant 0.106814213 : f32
    %add3A_592 = vector.broadcast %add3A_591 : f32 to vector<64x128xf32>
    %add3A_593 = arith.addf %mul3A_590, %add3A_592 : vector<64x128xf32>
    %mul3A_594 = arith.mulf %add3A_593, %mul3A_575 : vector<64x128xf32>
    %add3A_595 = arith.constant -0.142131969 : f32
    %add3A_596 = vector.broadcast %add3A_595 : f32 to vector<64x128xf32>
    %add3A_597 = arith.addf %mul3A_594, %add3A_596 : vector<64x128xf32>
    %mul3A_598 = arith.mulf %add3A_597, %mul3A_575 : vector<64x128xf32>
    %add3A_599 = arith.constant 0.199937165 : f32
    %add3A_600 = vector.broadcast %add3A_599 : f32 to vector<64x128xf32>
    %add3A_601 = arith.addf %mul3A_598, %add3A_600 : vector<64x128xf32>
    %mul3A_602 = arith.mulf %add3A_601, %mul3A_575 : vector<64x128xf32>
    %add3A_603 = arith.constant -0.333331198 : f32
    %add3A_604 = vector.broadcast %add3A_603 : f32 to vector<64x128xf32>
    %add3A_605 = arith.addf %mul3A_602, %add3A_604 : vector<64x128xf32>
    %mul3A_606 = arith.mulf %add3A_605, %mul3A_575 : vector<64x128xf32>
    %add3A_607 = arith.constant 1.000000e+00 : f32
    %add3A_608 = vector.broadcast %add3A_607 : f32 to vector<64x128xf32>
    %add3A_609 = arith.addf %mul3A_606, %add3A_608 : vector<64x128xf32>
    %mul3A_610 = arith.mulf %select_n3A_574, %add3A_609 : vector<64x128xf32>
    %sub3A_611 = arith.constant 1.57079637 : f32
    %sub3A_612 = vector.broadcast %sub3A_611 : f32 to vector<64x128xf32>
    %sub3A_613 = arith.subf %sub3A_612, %mul3A_610 : vector<64x128xf32>
    %select_n3A_614 = arith.select %gt3A_570, %sub3A_613, %mul3A_610 : vector<64x128xi1>, vector<64x128xf32>
    %sub3A_615 = arith.subf %select_n3A_563, %select_n3A_614 : vector<64x128xf32>
    %integer_pow3A_616 = arith.mulf %sub3A_615, %sub3A_615 : vector<64x128xf32>
    %mul3A_617 = arith.constant 0.405284733 : f32
    %mul3A_618 = vector.broadcast %mul3A_617 : f32 to vector<64x128xf32>
    %mul3A_619 = arith.mulf %mul3A_618, %integer_pow3A_616 : vector<64x128xf32>
    %sub3A_620 = arith.subf %mul3A_619, %min3A_487 : vector<64x128xf32>
    %add3A_621 = arith.constant 1.000000e+00 : f32
    %add3A_622 = vector.broadcast %add3A_621 : f32 to vector<64x128xf32>
    %add3A_623 = arith.addf %sub3A_620, %add3A_622 : vector<64x128xf32>
    %add3A_624 = arith.constant 1.000000e-07 : f32
    %add3A_625 = vector.broadcast %add3A_624 : f32 to vector<64x128xf32>
    %add3A_626 = arith.addf %add3A_623, %add3A_625 : vector<64x128xf32>
    %div3A_627 = arith.divf %mul3A_619, %add3A_626 : vector<64x128xf32>
    %mul3A_628 = arith.mulf %mul3A_619, %div3A_627 : vector<64x128xf32>
    %add3A_629 = arith.addf %div3A_512, %mul3A_628 : vector<64x128xf32>
    %sub3A_630 = arith.subf %min3A_487, %add3A_629 : vector<64x128xf32>
    %jit3A_631 = arith.constant 0.000000e+00 : f32
    %jit3A_632 = arith.constant 1.000000e+00 : f32
    %max3A_633 = vector.broadcast %jit3A_631 : f32 to vector<64x128xf32>
    %max3A_634 = arith.maximumf %max3A_633, %sub3A_630 : vector<64x128xf32>
    %min3A_635 = vector.broadcast %jit3A_632 : f32 to vector<64x128xf32>
    %min3A_636 = arith.minimumf %min3A_635, %max3A_634 : vector<64x128xf32>
    %sub3A_637 = arith.constant 1.000000e+00 : f32
    %sub3A_638 = vector.broadcast %sub3A_637 : f32 to vector<64x128xf32>
    %sub3A_639 = arith.subf %sub3A_638, %min3A_636 : vector<64x128xf32>
    %sqrt3A_640 = math.sqrt %sub3A_639 : vector<64x128xf32>
    %mul3A_641 = arith.mulf %sub3A_639, %sqrt3A_640 : vector<64x128xf32>
    %mul3A_642 = arith.mulf %get3A_345, %mul3A_641 : vector<64x128xf32>
    %reduce_sum3A_643 = vector.shape_cast %mul3A_642 : vector<64x128xf32> to vector<1x64x128xf32>
    %reduce_sum3A_644 = arith.constant dense<0.000000e+00> : vector<1xf32>
    %reduce_sum3A_645 = vector.multi_reduction <add>, %reduce_sum3A_643, %reduce_sum3A_644 [1, 2] : vector<1x64x128xf32> to vector<1xf32>
    %reduce_sum3A_646 = vector.shape_cast %reduce_sum3A_645 : vector<1xf32> to vector<1x1x1xf32>
    %reduce_sum3A_647 = vector.extract %reduce_sum3A_646[0, 0, 0] : f32 from vector<1x1x1xf32>
    %swap3A_648 = arith.constant 1 : index
    %swap3A_649 = arith.constant 0 : index
    %swap3A_650 = memref.load %arg6[%swap3A_648, %swap3A_649] : memref<3x4xf32, #tpu.memory_space<smem>>
    memref.store %reduce_sum3A_647, %arg6[%swap3A_648, %swap3A_649] : memref<3x4xf32, #tpu.memory_space<smem>>
    %reduce_sum3A_651 = vector.shape_cast %get3A_345 : vector<64x128xf32> to vector<1x64x128xf32>
    %reduce_sum3A_652 = arith.constant dense<0.000000e+00> : vector<1xf32>
    %reduce_sum3A_653 = vector.multi_reduction <add>, %reduce_sum3A_651, %reduce_sum3A_652 [1, 2] : vector<1x64x128xf32> to vector<1xf32>
    %reduce_sum3A_654 = vector.shape_cast %reduce_sum3A_653 : vector<1xf32> to vector<1x1x1xf32>
    %reduce_sum3A_655 = vector.extract %reduce_sum3A_654[0, 0, 0] : f32 from vector<1x1x1xf32>
    %swap3A_656 = arith.constant 1 : index
    %swap3A_657 = arith.constant 1 : index
    %swap3A_658 = memref.load %arg6[%swap3A_656, %swap3A_657] : memref<3x4xf32, #tpu.memory_space<smem>>
    memref.store %reduce_sum3A_655, %arg6[%swap3A_656, %swap3A_657] : memref<3x4xf32, #tpu.memory_space<smem>>
    %mul3A_659 = arith.mulf %get3A_345, %get3A_342 : vector<64x128xf32>
    %mul3A_660 = arith.mulf %mul3A_659, %min3A_636 : vector<64x128xf32>
    %reduce_sum3A_661 = vector.shape_cast %mul3A_660 : vector<64x128xf32> to vector<1x64x128xf32>
    %reduce_sum3A_662 = arith.constant dense<0.000000e+00> : vector<1xf32>
    %reduce_sum3A_663 = vector.multi_reduction <add>, %reduce_sum3A_661, %reduce_sum3A_662 [1, 2] : vector<1x64x128xf32> to vector<1xf32>
    %reduce_sum3A_664 = vector.shape_cast %reduce_sum3A_663 : vector<1xf32> to vector<1x1x1xf32>
    %reduce_sum3A_665 = vector.extract %reduce_sum3A_664[0, 0, 0] : f32 from vector<1x1x1xf32>
    %swap3A_666 = arith.constant 1 : index
    %swap3A_667 = arith.constant 2 : index
    %swap3A_668 = memref.load %arg6[%swap3A_666, %swap3A_667] : memref<3x4xf32, #tpu.memory_space<smem>>
    memref.store %reduce_sum3A_665, %arg6[%swap3A_666, %swap3A_667] : memref<3x4xf32, #tpu.memory_space<smem>>
    %swap3A_669 = arith.constant 0.000000e+00 : f32
    %swap3A_670 = arith.constant 1 : index
    %swap3A_671 = arith.constant 3 : index
    %swap3A_672 = memref.load %arg6[%swap3A_670, %swap3A_671] : memref<3x4xf32, #tpu.memory_space<smem>>
    memref.store %swap3A_669, %arg6[%swap3A_670, %swap3A_671] : memref<3x4xf32, #tpu.memory_space<smem>>
    %get3A_673 = arith.constant 0 : index
    %get3A_674 = arith.constant 0 : index
    %get3A_675 = vector.load %arg2[%get3A_673, %get3A_674] : memref<320x128xf32, #tpu.memory_space<vmem>>, vector<64x128xf32>
    %get3A_676 = arith.constant 64 : index
    %get3A_677 = arith.constant 0 : index
    %get3A_678 = vector.load %arg2[%get3A_676, %get3A_677] : memref<320x128xf32, #tpu.memory_space<vmem>>, vector<64x128xf32>
    %get3A_679 = arith.constant 128 : index
    %get3A_680 = arith.constant 0 : index
    %get3A_681 = vector.load %arg2[%get3A_679, %get3A_680] : memref<320x128xf32, #tpu.memory_space<vmem>>, vector<64x128xf32>
    %get3A_682 = arith.constant 192 : index
    %get3A_683 = arith.constant 0 : index
    %get3A_684 = vector.load %arg2[%get3A_682, %get3A_683] : memref<320x128xf32, #tpu.memory_space<vmem>>, vector<64x128xf32>
    %get3A_685 = arith.constant 256 : index
    %get3A_686 = arith.constant 0 : index
    %get3A_687 = vector.load %arg2[%get3A_685, %get3A_686] : memref<320x128xf32, #tpu.memory_space<vmem>>, vector<64x128xf32>
    %get3A_688 = arith.constant 0 : index
    %get3A_689 = arith.constant 0 : index
    %get3A_690 = vector.load %arg5[%get3A_688, %get3A_689] : memref<512x128xf32, #tpu.memory_space<vmem>>, vector<64x128xf32>
    %get3A_691 = arith.constant 64 : index
    %get3A_692 = arith.constant 0 : index
    %get3A_693 = vector.load %arg5[%get3A_691, %get3A_692] : memref<512x128xf32, #tpu.memory_space<vmem>>, vector<64x128xf32>
    %get3A_694 = arith.constant 128 : index
    %get3A_695 = arith.constant 0 : index
    %get3A_696 = vector.load %arg5[%get3A_694, %get3A_695] : memref<512x128xf32, #tpu.memory_space<vmem>>, vector<64x128xf32>
    %get3A_697 = arith.constant 192 : index
    %get3A_698 = arith.constant 0 : index
    %get3A_699 = vector.load %arg5[%get3A_697, %get3A_698] : memref<512x128xf32, #tpu.memory_space<vmem>>, vector<64x128xf32>
    %get3A_700 = arith.constant 256 : index
    %get3A_701 = arith.constant 0 : index
    %get3A_702 = vector.load %arg5[%get3A_700, %get3A_701] : memref<512x128xf32, #tpu.memory_space<vmem>>, vector<64x128xf32>
    %get3A_703 = arith.constant 320 : index
    %get3A_704 = arith.constant 0 : index
    %get3A_705 = vector.load %arg5[%get3A_703, %get3A_704] : memref<512x128xf32, #tpu.memory_space<vmem>>, vector<64x128xf32>
    %get3A_706 = arith.constant 384 : index
    %get3A_707 = arith.constant 0 : index
    %get3A_708 = vector.load %arg5[%get3A_706, %get3A_707] : memref<512x128xf32, #tpu.memory_space<vmem>>, vector<64x128xf32>
    %neg3A_709 = arith.constant 0.000000e+00 : f32
    %neg3A_710 = vector.broadcast %neg3A_709 : f32 to vector<64x128xf32>
    %neg3A_711 = arith.subf %neg3A_710, %get3A_675 : vector<64x128xf32>
    %exp3A_712 = math.exp %neg3A_711 : vector<64x128xf32>
    %add3A_713 = arith.constant 1.000000e+00 : f32
    %add3A_714 = vector.broadcast %add3A_713 : f32 to vector<64x128xf32>
    %add3A_715 = arith.addf %add3A_714, %exp3A_712 : vector<64x128xf32>
    %div3A_716 = arith.constant 1.000000e+00 : f32
    %div3A_717 = vector.broadcast %div3A_716 : f32 to vector<64x128xf32>
    %div3A_718 = arith.divf %div3A_717, %add3A_715 : vector<64x128xf32>
    %mul3A_719 = arith.constant 2.000000e+00 : f32
    %mul3A_720 = vector.broadcast %mul3A_719 : f32 to vector<64x128xf32>
    %mul3A_721 = arith.mulf %div3A_718, %mul3A_720 : vector<64x128xf32>
    %sub3A_722 = arith.constant 5.000000e-01 : f32
    %sub3A_723 = vector.broadcast %sub3A_722 : f32 to vector<64x128xf32>
    %sub3A_724 = arith.subf %mul3A_721, %sub3A_723 : vector<64x128xf32>
    %neg3A_725 = arith.constant 0.000000e+00 : f32
    %neg3A_726 = vector.broadcast %neg3A_725 : f32 to vector<64x128xf32>
    %neg3A_727 = arith.subf %neg3A_726, %get3A_678 : vector<64x128xf32>
    %exp3A_728 = math.exp %neg3A_727 : vector<64x128xf32>
    %add3A_729 = arith.constant 1.000000e+00 : f32
    %add3A_730 = vector.broadcast %add3A_729 : f32 to vector<64x128xf32>
    %add3A_731 = arith.addf %add3A_730, %exp3A_728 : vector<64x128xf32>
    %div3A_732 = arith.constant 1.000000e+00 : f32
    %div3A_733 = vector.broadcast %div3A_732 : f32 to vector<64x128xf32>
    %div3A_734 = arith.divf %div3A_733, %add3A_731 : vector<64x128xf32>
    %mul3A_735 = arith.constant 2.000000e+00 : f32
    %mul3A_736 = vector.broadcast %mul3A_735 : f32 to vector<64x128xf32>
    %mul3A_737 = arith.mulf %div3A_734, %mul3A_736 : vector<64x128xf32>
    %sub3A_738 = arith.constant 5.000000e-01 : f32
    %sub3A_739 = vector.broadcast %sub3A_738 : f32 to vector<64x128xf32>
    %sub3A_740 = arith.subf %mul3A_737, %sub3A_739 : vector<64x128xf32>
    %neg3A_741 = arith.constant 0.000000e+00 : f32
    %neg3A_742 = vector.broadcast %neg3A_741 : f32 to vector<64x128xf32>
    %neg3A_743 = arith.subf %neg3A_742, %get3A_681 : vector<64x128xf32>
    %exp3A_744 = math.exp %neg3A_743 : vector<64x128xf32>
    %add3A_745 = arith.constant 1.000000e+00 : f32
    %add3A_746 = vector.broadcast %add3A_745 : f32 to vector<64x128xf32>
    %add3A_747 = arith.addf %add3A_746, %exp3A_744 : vector<64x128xf32>
    %div3A_748 = arith.constant 1.000000e+00 : f32
    %div3A_749 = vector.broadcast %div3A_748 : f32 to vector<64x128xf32>
    %div3A_750 = arith.divf %div3A_749, %add3A_747 : vector<64x128xf32>
    %mul3A_751 = arith.constant 2.000000e+00 : f32
    %mul3A_752 = vector.broadcast %mul3A_751 : f32 to vector<64x128xf32>
    %mul3A_753 = arith.mulf %div3A_750, %mul3A_752 : vector<64x128xf32>
    %integer_pow3A_754 = arith.mulf %mul3A_753, %mul3A_753 : vector<64x128xf32>
    %mul3A_755 = arith.mulf %integer_pow3A_754, %get3A_705 : vector<64x128xf32>
    %neg3A_756 = arith.constant 0.000000e+00 : f32
    %neg3A_757 = vector.broadcast %neg3A_756 : f32 to vector<64x128xf32>
    %neg3A_758 = arith.subf %neg3A_757, %get3A_684 : vector<64x128xf32>
    %exp3A_759 = math.exp %neg3A_758 : vector<64x128xf32>
    %add3A_760 = arith.constant 1.000000e+00 : f32
    %add3A_761 = vector.broadcast %add3A_760 : f32 to vector<64x128xf32>
    %add3A_762 = arith.addf %add3A_761, %exp3A_759 : vector<64x128xf32>
    %div3A_763 = arith.constant 1.000000e+00 : f32
    %div3A_764 = vector.broadcast %div3A_763 : f32 to vector<64x128xf32>
    %div3A_765 = arith.divf %div3A_764, %add3A_762 : vector<64x128xf32>
    %mul3A_766 = arith.constant 2.000000e+00 : f32
    %mul3A_767 = vector.broadcast %mul3A_766 : f32 to vector<64x128xf32>
    %mul3A_768 = arith.mulf %div3A_765, %mul3A_767 : vector<64x128xf32>
    %integer_pow3A_769 = arith.mulf %mul3A_768, %mul3A_768 : vector<64x128xf32>
    %mul3A_770 = arith.mulf %integer_pow3A_769, %get3A_708 : vector<64x128xf32>
    %div3A_771 = arith.constant 2.000000e+00 : f32
    %div3A_772 = vector.broadcast %div3A_771 : f32 to vector<64x128xf32>
    %div3A_773 = arith.divf %mul3A_755, %div3A_772 : vector<64x128xf32>
    %sub3A_774 = arith.subf %sub3A_724, %div3A_773 : vector<64x128xf32>
    %div3A_775 = arith.constant 2.000000e+00 : f32
    %div3A_776 = vector.broadcast %div3A_775 : f32 to vector<64x128xf32>
    %div3A_777 = arith.divf %mul3A_755, %div3A_776 : vector<64x128xf32>
    %add3A_778 = arith.addf %sub3A_724, %div3A_777 : vector<64x128xf32>
    %div3A_779 = arith.constant 2.000000e+00 : f32
    %div3A_780 = vector.broadcast %div3A_779 : f32 to vector<64x128xf32>
    %div3A_781 = arith.divf %mul3A_770, %div3A_780 : vector<64x128xf32>
    %sub3A_782 = arith.subf %sub3A_740, %div3A_781 : vector<64x128xf32>
    %div3A_783 = arith.constant 2.000000e+00 : f32
    %div3A_784 = vector.broadcast %div3A_783 : f32 to vector<64x128xf32>
    %div3A_785 = arith.divf %mul3A_770, %div3A_784 : vector<64x128xf32>
    %add3A_786 = arith.addf %sub3A_740, %div3A_785 : vector<64x128xf32>
    %div3A_787 = arith.constant 2.000000e+00 : f32
    %div3A_788 = vector.broadcast %div3A_787 : f32 to vector<64x128xf32>
    %div3A_789 = arith.divf %get3A_699, %div3A_788 : vector<64x128xf32>
    %sub3A_790 = arith.subf %get3A_693, %div3A_789 : vector<64x128xf32>
    %div3A_791 = arith.constant 2.000000e+00 : f32
    %div3A_792 = vector.broadcast %div3A_791 : f32 to vector<64x128xf32>
    %div3A_793 = arith.divf %get3A_699, %div3A_792 : vector<64x128xf32>
    %add3A_794 = arith.addf %get3A_693, %div3A_793 : vector<64x128xf32>
    %div3A_795 = arith.constant 2.000000e+00 : f32
    %div3A_796 = vector.broadcast %div3A_795 : f32 to vector<64x128xf32>
    %div3A_797 = arith.divf %get3A_702, %div3A_796 : vector<64x128xf32>
    %sub3A_798 = arith.subf %get3A_696, %div3A_797 : vector<64x128xf32>
    %div3A_799 = arith.constant 2.000000e+00 : f32
    %div3A_800 = vector.broadcast %div3A_799 : f32 to vector<64x128xf32>
    %div3A_801 = arith.divf %get3A_702, %div3A_800 : vector<64x128xf32>
    %add3A_802 = arith.addf %get3A_696, %div3A_801 : vector<64x128xf32>
    %min3A_803 = arith.minimumf %add3A_778, %add3A_794 : vector<64x128xf32>
    %max3A_804 = arith.maximumf %sub3A_774, %sub3A_790 : vector<64x128xf32>
    %sub3A_805 = arith.subf %min3A_803, %max3A_804 : vector<64x128xf32>
    %jit3A_806 = arith.constant 0.000000e+00 : f32
    %max3A_807 = vector.broadcast %jit3A_806 : f32 to vector<64x128xf32>
    %max3A_808 = arith.maximumf %max3A_807, %sub3A_805 : vector<64x128xf32>
    %min3A_809 = arith.minimumf %add3A_786, %add3A_802 : vector<64x128xf32>
    %max3A_810 = arith.maximumf %sub3A_782, %sub3A_798 : vector<64x128xf32>
    %sub3A_811 = arith.subf %min3A_809, %max3A_810 : vector<64x128xf32>
    %jit3A_812 = arith.constant 0.000000e+00 : f32
    %max3A_813 = vector.broadcast %jit3A_812 : f32 to vector<64x128xf32>
    %max3A_814 = arith.maximumf %max3A_813, %sub3A_811 : vector<64x128xf32>
    %mul3A_815 = arith.mulf %max3A_808, %max3A_814 : vector<64x128xf32>
    %mul3A_816 = arith.mulf %mul3A_755, %mul3A_770 : vector<64x128xf32>
    %mul3A_817 = arith.mulf %get3A_699, %get3A_702 : vector<64x128xf32>
    %add3A_818 = arith.addf %mul3A_816, %mul3A_817 : vector<64x128xf32>
    %sub3A_819 = arith.subf %add3A_818, %mul3A_815 : vector<64x128xf32>
    %add3A_820 = arith.constant 1.000000e-07 : f32
    %add3A_821 = vector.broadcast %add3A_820 : f32 to vector<64x128xf32>
    %add3A_822 = arith.addf %sub3A_819, %add3A_821 : vector<64x128xf32>
    %jit3A_823 = arith.constant 1.000000e-07 : f32
    %max3A_824 = vector.broadcast %jit3A_823 : f32 to vector<64x128xf32>
    %max3A_825 = arith.maximumf %max3A_824, %add3A_822 : vector<64x128xf32>
    %div3A_826 = arith.divf %mul3A_815, %max3A_825 : vector<64x128xf32>
    %jit3A_827 = arith.constant 0.000000e+00 : f32
    %jit3A_828 = arith.constant 1.000000e+00 : f32
    %max3A_829 = vector.broadcast %jit3A_827 : f32 to vector<64x128xf32>
    %max3A_830 = arith.maximumf %max3A_829, %div3A_826 : vector<64x128xf32>
    %min3A_831 = vector.broadcast %jit3A_828 : f32 to vector<64x128xf32>
    %min3A_832 = arith.minimumf %min3A_831, %max3A_830 : vector<64x128xf32>
    %max3A_833 = arith.maximumf %add3A_778, %add3A_794 : vector<64x128xf32>
    %min3A_834 = arith.minimumf %sub3A_774, %sub3A_790 : vector<64x128xf32>
    %sub3A_835 = arith.subf %max3A_833, %min3A_834 : vector<64x128xf32>
    %max3A_836 = arith.maximumf %add3A_786, %add3A_802 : vector<64x128xf32>
    %min3A_837 = arith.minimumf %sub3A_782, %sub3A_798 : vector<64x128xf32>
    %sub3A_838 = arith.subf %max3A_836, %min3A_837 : vector<64x128xf32>
    %integer_pow3A_839 = arith.mulf %sub3A_835, %sub3A_835 : vector<64x128xf32>
    %integer_pow3A_840 = arith.mulf %sub3A_838, %sub3A_838 : vector<64x128xf32>
    %add3A_841 = arith.addf %integer_pow3A_839, %integer_pow3A_840 : vector<64x128xf32>
    %add3A_842 = arith.constant 1.000000e-07 : f32
    %add3A_843 = vector.broadcast %add3A_842 : f32 to vector<64x128xf32>
    %add3A_844 = arith.addf %add3A_841, %add3A_843 : vector<64x128xf32>
    %jit3A_845 = arith.constant 1.000000e-07 : f32
    %max3A_846 = vector.broadcast %jit3A_845 : f32 to vector<64x128xf32>
    %max3A_847 = arith.maximumf %max3A_846, %add3A_844 : vector<64x128xf32>
    %add3A_848 = arith.addf %sub3A_790, %add3A_794 : vector<64x128xf32>
    %sub3A_849 = arith.subf %add3A_848, %sub3A_774 : vector<64x128xf32>
    %sub3A_850 = arith.subf %sub3A_849, %add3A_778 : vector<64x128xf32>
    %integer_pow3A_851 = arith.mulf %sub3A_850, %sub3A_850 : vector<64x128xf32>
    %add3A_852 = arith.addf %sub3A_798, %add3A_802 : vector<64x128xf32>
    %sub3A_853 = arith.subf %add3A_852, %sub3A_782 : vector<64x128xf32>
    %sub3A_854 = arith.subf %sub3A_853, %add3A_786 : vector<64x128xf32>
    %integer_pow3A_855 = arith.mulf %sub3A_854, %sub3A_854 : vector<64x128xf32>
    %add3A_856 = arith.addf %integer_pow3A_851, %integer_pow3A_855 : vector<64x128xf32>
    %div3A_857 = arith.divf %add3A_856, %max3A_847 : vector<64x128xf32>
    %add3A_858 = arith.constant 1.000000e-07 : f32
    %add3A_859 = vector.broadcast %add3A_858 : f32 to vector<64x128xf32>
    %add3A_860 = arith.addf %get3A_702, %add3A_859 : vector<64x128xf32>
    %div3A_861 = arith.divf %get3A_699, %add3A_860 : vector<64x128xf32>
    %gt3A_862 = arith.constant 1.000000e+00 : f32
    %gt3A_863 = vector.broadcast %gt3A_862 : f32 to vector<64x128xf32>
    %gt3A_864 = arith.cmpf ogt, %div3A_861, %gt3A_863 : vector<64x128xf32>
    %div3A_865 = arith.constant 1.000000e+00 : f32
    %div3A_866 = vector.broadcast %div3A_865 : f32 to vector<64x128xf32>
    %div3A_867 = arith.divf %div3A_866, %div3A_861 : vector<64x128xf32>
    %select_n3A_868 = arith.select %gt3A_864, %div3A_867, %div3A_861 : vector<64x128xi1>, vector<64x128xf32>
    %mul3A_869 = arith.mulf %select_n3A_868, %select_n3A_868 : vector<64x128xf32>
    %broadcast_in_dim3A_870 = arith.constant 0.00304996804 : f32
    %broadcast_in_dim3A_871 = vector.broadcast %broadcast_in_dim3A_870 : f32 to vector<64x128xf32>
    %mul3A_872 = arith.mulf %broadcast_in_dim3A_871, %mul3A_869 : vector<64x128xf32>
    %add3A_873 = arith.constant -0.0168274492 : f32
    %add3A_874 = vector.broadcast %add3A_873 : f32 to vector<64x128xf32>
    %add3A_875 = arith.addf %mul3A_872, %add3A_874 : vector<64x128xf32>
    %mul3A_876 = arith.mulf %add3A_875, %mul3A_869 : vector<64x128xf32>
    %add3A_877 = arith.constant 4.385560e-02 : f32
    %add3A_878 = vector.broadcast %add3A_877 : f32 to vector<64x128xf32>
    %add3A_879 = arith.addf %mul3A_876, %add3A_878 : vector<64x128xf32>
    %mul3A_880 = arith.mulf %add3A_879, %mul3A_869 : vector<64x128xf32>
    %add3A_881 = arith.constant -7.596810e-02 : f32
    %add3A_882 = vector.broadcast %add3A_881 : f32 to vector<64x128xf32>
    %add3A_883 = arith.addf %mul3A_880, %add3A_882 : vector<64x128xf32>
    %mul3A_884 = arith.mulf %add3A_883, %mul3A_869 : vector<64x128xf32>
    %add3A_885 = arith.constant 0.106814213 : f32
    %add3A_886 = vector.broadcast %add3A_885 : f32 to vector<64x128xf32>
    %add3A_887 = arith.addf %mul3A_884, %add3A_886 : vector<64x128xf32>
    %mul3A_888 = arith.mulf %add3A_887, %mul3A_869 : vector<64x128xf32>
    %add3A_889 = arith.constant -0.142131969 : f32
    %add3A_890 = vector.broadcast %add3A_889 : f32 to vector<64x128xf32>
    %add3A_891 = arith.addf %mul3A_888, %add3A_890 : vector<64x128xf32>
    %mul3A_892 = arith.mulf %add3A_891, %mul3A_869 : vector<64x128xf32>
    %add3A_893 = arith.constant 0.199937165 : f32
    %add3A_894 = vector.broadcast %add3A_893 : f32 to vector<64x128xf32>
    %add3A_895 = arith.addf %mul3A_892, %add3A_894 : vector<64x128xf32>
    %mul3A_896 = arith.mulf %add3A_895, %mul3A_869 : vector<64x128xf32>
    %add3A_897 = arith.constant -0.333331198 : f32
    %add3A_898 = vector.broadcast %add3A_897 : f32 to vector<64x128xf32>
    %add3A_899 = arith.addf %mul3A_896, %add3A_898 : vector<64x128xf32>
    %mul3A_900 = arith.mulf %add3A_899, %mul3A_869 : vector<64x128xf32>
    %add3A_901 = arith.constant 1.000000e+00 : f32
    %add3A_902 = vector.broadcast %add3A_901 : f32 to vector<64x128xf32>
    %add3A_903 = arith.addf %mul3A_900, %add3A_902 : vector<64x128xf32>
    %mul3A_904 = arith.mulf %select_n3A_868, %add3A_903 : vector<64x128xf32>
    %sub3A_905 = arith.constant 1.57079637 : f32
    %sub3A_906 = vector.broadcast %sub3A_905 : f32 to vector<64x128xf32>
    %sub3A_907 = arith.subf %sub3A_906, %mul3A_904 : vector<64x128xf32>
    %select_n3A_908 = arith.select %gt3A_864, %sub3A_907, %mul3A_904 : vector<64x128xi1>, vector<64x128xf32>
    %add3A_909 = arith.constant 1.000000e-07 : f32
    %add3A_910 = vector.broadcast %add3A_909 : f32 to vector<64x128xf32>
    %add3A_911 = arith.addf %mul3A_770, %add3A_910 : vector<64x128xf32>
    %div3A_912 = arith.divf %mul3A_755, %add3A_911 : vector<64x128xf32>
    %gt3A_913 = arith.constant 1.000000e+00 : f32
    %gt3A_914 = vector.broadcast %gt3A_913 : f32 to vector<64x128xf32>
    %gt3A_915 = arith.cmpf ogt, %div3A_912, %gt3A_914 : vector<64x128xf32>
    %div3A_916 = arith.constant 1.000000e+00 : f32
    %div3A_917 = vector.broadcast %div3A_916 : f32 to vector<64x128xf32>
    %div3A_918 = arith.divf %div3A_917, %div3A_912 : vector<64x128xf32>
    %select_n3A_919 = arith.select %gt3A_915, %div3A_918, %div3A_912 : vector<64x128xi1>, vector<64x128xf32>
    %mul3A_920 = arith.mulf %select_n3A_919, %select_n3A_919 : vector<64x128xf32>
    %broadcast_in_dim3A_921 = arith.constant 0.00304996804 : f32
    %broadcast_in_dim3A_922 = vector.broadcast %broadcast_in_dim3A_921 : f32 to vector<64x128xf32>
    %mul3A_923 = arith.mulf %broadcast_in_dim3A_922, %mul3A_920 : vector<64x128xf32>
    %add3A_924 = arith.constant -0.0168274492 : f32
    %add3A_925 = vector.broadcast %add3A_924 : f32 to vector<64x128xf32>
    %add3A_926 = arith.addf %mul3A_923, %add3A_925 : vector<64x128xf32>
    %mul3A_927 = arith.mulf %add3A_926, %mul3A_920 : vector<64x128xf32>
    %add3A_928 = arith.constant 4.385560e-02 : f32
    %add3A_929 = vector.broadcast %add3A_928 : f32 to vector<64x128xf32>
    %add3A_930 = arith.addf %mul3A_927, %add3A_929 : vector<64x128xf32>
    %mul3A_931 = arith.mulf %add3A_930, %mul3A_920 : vector<64x128xf32>
    %add3A_932 = arith.constant -7.596810e-02 : f32
    %add3A_933 = vector.broadcast %add3A_932 : f32 to vector<64x128xf32>
    %add3A_934 = arith.addf %mul3A_931, %add3A_933 : vector<64x128xf32>
    %mul3A_935 = arith.mulf %add3A_934, %mul3A_920 : vector<64x128xf32>
    %add3A_936 = arith.constant 0.106814213 : f32
    %add3A_937 = vector.broadcast %add3A_936 : f32 to vector<64x128xf32>
    %add3A_938 = arith.addf %mul3A_935, %add3A_937 : vector<64x128xf32>
    %mul3A_939 = arith.mulf %add3A_938, %mul3A_920 : vector<64x128xf32>
    %add3A_940 = arith.constant -0.142131969 : f32
    %add3A_941 = vector.broadcast %add3A_940 : f32 to vector<64x128xf32>
    %add3A_942 = arith.addf %mul3A_939, %add3A_941 : vector<64x128xf32>
    %mul3A_943 = arith.mulf %add3A_942, %mul3A_920 : vector<64x128xf32>
    %add3A_944 = arith.constant 0.199937165 : f32
    %add3A_945 = vector.broadcast %add3A_944 : f32 to vector<64x128xf32>
    %add3A_946 = arith.addf %mul3A_943, %add3A_945 : vector<64x128xf32>
    %mul3A_947 = arith.mulf %add3A_946, %mul3A_920 : vector<64x128xf32>
    %add3A_948 = arith.constant -0.333331198 : f32
    %add3A_949 = vector.broadcast %add3A_948 : f32 to vector<64x128xf32>
    %add3A_950 = arith.addf %mul3A_947, %add3A_949 : vector<64x128xf32>
    %mul3A_951 = arith.mulf %add3A_950, %mul3A_920 : vector<64x128xf32>
    %add3A_952 = arith.constant 1.000000e+00 : f32
    %add3A_953 = vector.broadcast %add3A_952 : f32 to vector<64x128xf32>
    %add3A_954 = arith.addf %mul3A_951, %add3A_953 : vector<64x128xf32>
    %mul3A_955 = arith.mulf %select_n3A_919, %add3A_954 : vector<64x128xf32>
    %sub3A_956 = arith.constant 1.57079637 : f32
    %sub3A_957 = vector.broadcast %sub3A_956 : f32 to vector<64x128xf32>
    %sub3A_958 = arith.subf %sub3A_957, %mul3A_955 : vector<64x128xf32>
    %select_n3A_959 = arith.select %gt3A_915, %sub3A_958, %mul3A_955 : vector<64x128xi1>, vector<64x128xf32>
    %sub3A_960 = arith.subf %select_n3A_908, %select_n3A_959 : vector<64x128xf32>
    %integer_pow3A_961 = arith.mulf %sub3A_960, %sub3A_960 : vector<64x128xf32>
    %mul3A_962 = arith.constant 0.405284733 : f32
    %mul3A_963 = vector.broadcast %mul3A_962 : f32 to vector<64x128xf32>
    %mul3A_964 = arith.mulf %mul3A_963, %integer_pow3A_961 : vector<64x128xf32>
    %sub3A_965 = arith.subf %mul3A_964, %min3A_832 : vector<64x128xf32>
    %add3A_966 = arith.constant 1.000000e+00 : f32
    %add3A_967 = vector.broadcast %add3A_966 : f32 to vector<64x128xf32>
    %add3A_968 = arith.addf %sub3A_965, %add3A_967 : vector<64x128xf32>
    %add3A_969 = arith.constant 1.000000e-07 : f32
    %add3A_970 = vector.broadcast %add3A_969 : f32 to vector<64x128xf32>
    %add3A_971 = arith.addf %add3A_968, %add3A_970 : vector<64x128xf32>
    %div3A_972 = arith.divf %mul3A_964, %add3A_971 : vector<64x128xf32>
    %mul3A_973 = arith.mulf %mul3A_964, %div3A_972 : vector<64x128xf32>
    %add3A_974 = arith.addf %div3A_857, %mul3A_973 : vector<64x128xf32>
    %sub3A_975 = arith.subf %min3A_832, %add3A_974 : vector<64x128xf32>
    %jit3A_976 = arith.constant 0.000000e+00 : f32
    %jit3A_977 = arith.constant 1.000000e+00 : f32
    %max3A_978 = vector.broadcast %jit3A_976 : f32 to vector<64x128xf32>
    %max3A_979 = arith.maximumf %max3A_978, %sub3A_975 : vector<64x128xf32>
    %min3A_980 = vector.broadcast %jit3A_977 : f32 to vector<64x128xf32>
    %min3A_981 = arith.minimumf %min3A_980, %max3A_979 : vector<64x128xf32>
    %sub3A_982 = arith.constant 1.000000e+00 : f32
    %sub3A_983 = vector.broadcast %sub3A_982 : f32 to vector<64x128xf32>
    %sub3A_984 = arith.subf %sub3A_983, %min3A_981 : vector<64x128xf32>
    %sqrt3A_985 = math.sqrt %sub3A_984 : vector<64x128xf32>
    %mul3A_986 = arith.mulf %sub3A_984, %sqrt3A_985 : vector<64x128xf32>
    %mul3A_987 = arith.mulf %get3A_690, %mul3A_986 : vector<64x128xf32>
    %reduce_sum3A_988 = vector.shape_cast %mul3A_987 : vector<64x128xf32> to vector<1x64x128xf32>
    %reduce_sum3A_989 = arith.constant dense<0.000000e+00> : vector<1xf32>
    %reduce_sum3A_990 = vector.multi_reduction <add>, %reduce_sum3A_988, %reduce_sum3A_989 [1, 2] : vector<1x64x128xf32> to vector<1xf32>
    %reduce_sum3A_991 = vector.shape_cast %reduce_sum3A_990 : vector<1xf32> to vector<1x1x1xf32>
    %reduce_sum3A_992 = vector.extract %reduce_sum3A_991[0, 0, 0] : f32 from vector<1x1x1xf32>
    %swap3A_993 = arith.constant 2 : index
    %swap3A_994 = arith.constant 0 : index
    %swap3A_995 = memref.load %arg6[%swap3A_993, %swap3A_994] : memref<3x4xf32, #tpu.memory_space<smem>>
    memref.store %reduce_sum3A_992, %arg6[%swap3A_993, %swap3A_994] : memref<3x4xf32, #tpu.memory_space<smem>>
    %reduce_sum3A_996 = vector.shape_cast %get3A_690 : vector<64x128xf32> to vector<1x64x128xf32>
    %reduce_sum3A_997 = arith.constant dense<0.000000e+00> : vector<1xf32>
    %reduce_sum3A_998 = vector.multi_reduction <add>, %reduce_sum3A_996, %reduce_sum3A_997 [1, 2] : vector<1x64x128xf32> to vector<1xf32>
    %reduce_sum3A_999 = vector.shape_cast %reduce_sum3A_998 : vector<1xf32> to vector<1x1x1xf32>
    %reduce_sum3A_1000 = vector.extract %reduce_sum3A_999[0, 0, 0] : f32 from vector<1x1x1xf32>
    %swap3A_1001 = arith.constant 2 : index
    %swap3A_1002 = arith.constant 1 : index
    %swap3A_1003 = memref.load %arg6[%swap3A_1001, %swap3A_1002] : memref<3x4xf32, #tpu.memory_space<smem>>
    memref.store %reduce_sum3A_1000, %arg6[%swap3A_1001, %swap3A_1002] : memref<3x4xf32, #tpu.memory_space<smem>>
    %mul3A_1004 = arith.mulf %get3A_690, %get3A_687 : vector<64x128xf32>
    %mul3A_1005 = arith.mulf %mul3A_1004, %min3A_981 : vector<64x128xf32>
    %reduce_sum3A_1006 = vector.shape_cast %mul3A_1005 : vector<64x128xf32> to vector<1x64x128xf32>
    %reduce_sum3A_1007 = arith.constant dense<0.000000e+00> : vector<1xf32>
    %reduce_sum3A_1008 = vector.multi_reduction <add>, %reduce_sum3A_1006, %reduce_sum3A_1007 [1, 2] : vector<1x64x128xf32> to vector<1xf32>
    %reduce_sum3A_1009 = vector.shape_cast %reduce_sum3A_1008 : vector<1xf32> to vector<1x1x1xf32>
    %reduce_sum3A_1010 = vector.extract %reduce_sum3A_1009[0, 0, 0] : f32 from vector<1x1x1xf32>
    %swap3A_1011 = arith.constant 2 : index
    %swap3A_1012 = arith.constant 2 : index
    %swap3A_1013 = memref.load %arg6[%swap3A_1011, %swap3A_1012] : memref<3x4xf32, #tpu.memory_space<smem>>
    memref.store %reduce_sum3A_1010, %arg6[%swap3A_1011, %swap3A_1012] : memref<3x4xf32, #tpu.memory_space<smem>>
    %swap3A_1014 = arith.constant 0.000000e+00 : f32
    %swap3A_1015 = arith.constant 2 : index
    %swap3A_1016 = arith.constant 3 : index
    %swap3A_1017 = memref.load %arg6[%swap3A_1015, %swap3A_1016] : memref<3x4xf32, #tpu.memory_space<smem>>
    memref.store %swap3A_1014, %arg6[%swap3A_1015, %swap3A_1016] : memref<3x4xf32, #tpu.memory_space<smem>>
    return
  }
}

</mosaic_0001>

<sc_bundles>
// kernel: kernel.6.cloned.1.call-start
scs
__scs_entry_jumppad:
0x0: {  	(pc) =	sbr.rel $0x88, $3  }
0x1: {  	(tag) =	ssettag $0x0;
	lr =	simm.s32 $0x1  }
0x2: {  	[smem:$0x3F9D] =	sst lr;
	_ =	strace $0xD0000000  }
0x3: {  	_ = 	snop  }
0x4: {  	_ = 	snop  }
0x5: {  	_ = 	snop  }
0x6: {  	_ = 	snop  }
0x7: {  	_ = 	snop  }
__scs_overlays_trampoline_lowered:
0x8: {  	[smem:$0x3FAC] =	sst s0  }
0x9: {  	[smem:$0x3FAD] =	sst s1  }
0xa: {  	[smem:$0x3FAE] =	sst s2  }
0xb: {  	[smem:$0x3FAF] =	sst s3  }
0xc: {  	[smem:$0x3FB0] =	sst s4  }
0xd: {  	[smem:$0x3FB1] =	sst s5  }
0xe: {  	[smem:$0x3FB2] =	sst s6  }
0xf: {  	[smem:$0x3FB3] =	sst s7  }
0x10: {  	[smem:$0x3FB4] =	sst s8  }
0x11: {  	[smem:$0x3FB5] =	sst s9;
	s0 =	simm.s32 @!p0 $0x0  }
0x12: {  	s1 =	sld [smem:$0x3F9B];
	s0 =	simm.s32 @p0 $0x1  }
0x13: {  	[smem:$0x3FB6] =	sst s0;
	s0 =	simm.s32 @!p1 $0x0  }
0x14: {  	s2 =	sld [smem:$0x3F9A];
	s0 =	simm.s32 @p1 $0x1  }
0x15: {  	[smem:$0x3FB7] =	sst s0;
	s0 =	simm.s32 @!p2 $0x0  }
0x16: {  	s3 =	sld [smem:$0x3FDB];
	s0 =	simm.s32 @p2 $0x1  }
0x17: {  	s4 =	simm.s32 $0x1BF5;
	[smem:$0x3FB9] =	sst s0  }
0x18: {  	s0 =	sld [smem:$0x3F9C];
	_ =	swait.ge [sflag:s4], $0x0  }
0x19: {  	s7 =	sld [smem:$0x3F9D]  }
0x1a: {  	s8 =	sadd.s32 $0xFFFFE003, lr  }
0x1b: {  	s9 =	sadd.s32 $0xFFFFFEF7, lr;
	s5 =	simm.s32 $0xFFFFFFFF;
	p2 =	slt.u32 s8, $0xFFFFF086  }
0x1c: {  	p1 =	slt.u32 s9, $0xF7A;
	s5 =	simm.s32 @!p2 $0x0  }
0x1d: {  	s5 =	simm.s32 @p1 $0x1;
	p0 =	seq.s32 s7, s2  }
0x1e: {  	s7 =	smul.u32 @!p0 $0xF7A, s2;
	p2 =	seq.s32 @!p0 s5, $0x0  }
0x1f: {  	s9 =	smul.u32 $0xF7A, s1;
	s8 =	simm.s32 @!p0 $0x1BF5;
	p2 =	por !p2, p0  }
0x20: {  	[sflag:s8] =	ssyncset.s32 @!p0 $0xFFFFF086;
	s6 =	sadd.s32 @!p0 s3, s7;
	s7 =	simm.s32 @!p0 $0x108  }
0x21: {  	s3 =	sadd.s32 s3, s9;
	s6 =	sadd.s32 @!p0 $0x88, s6;
	s7 =	simm.s32 @p2 $0x1082  }
0x22: {  	[simem:s7], [sflag:s8] =	dma.local @!p0 [hbm:s6], $0xF7A  }
0x23: {  	s9 =	sor.u32 $0xD0000000, s2;
	s6 =	simm.s32 $0x108;
	_ =	swait.ge @!p0 [sflag:s8], $0x0  }
0x24: {  	s3 =	sadd.s32 $0x88, s3;
	s6 =	simm.s32 @!p1 $0x1082;
	[sflag:s4] =	ssyncset.s32 $0xFFFFF086  }
0x25: {  	[simem:s6], [sflag:s4] =	dma.local [hbm:s3], $0xF7A  }
0x26: {  	[smem:$0x3F9D] =	sst s1;
	(tag) =	ssettag s2;
	_ =	strace s9  }
0x27: {  	s1 =	sld [smem:$0x3FAD]  }
0x28: {  	s2 =	sld [smem:$0x3FAE]  }
0x29: {  	s4 =	sld [smem:$0x3FB0]  }
0x2a: {  	p0 =	seq.s32 s5, $0x0;
	s5 =	sld [smem:$0x3FB1]  }
0x2b: {  	s6 =	sld [smem:$0x3FB2]  }
0x2c: {  	s7 =	sld [smem:$0x3FB3]  }
0x2d: {  	s3 =	simm.s32 $0x108;
	s8 =	sld [smem:$0x3FB4]  }
0x2e: {  	s3 =	simm.s32 @!p0 $0x1082;
	s9 =	sld [smem:$0x3FB5]  }
0x2f: {  	lr =	sadd.s32 s0, s3;
	s0 =	sld [smem:$0x3FAC]  }
0x30: {  	s3 =	sld [smem:$0x3FAF]  }
0x31: {  	[smem:$0x3FB8] =	sst s10  }
0x32: {  	s10 =	sld [smem:$0x3FB6];
	_ =	sdelay $0x3  }
0x33: {  	p0 =	seq.s32 s10, $0x1;
	s10 =	sld [smem:$0x3FB8];
	_ =	sdelay $0x3  }
0x34: {  	[smem:$0x3FB8] =	sst s10  }
0x35: {  	s10 =	sld [smem:$0x3FB7];
	_ =	sdelay $0x3  }
0x36: {  	p1 =	seq.s32 s10, $0x1;
	s10 =	sld [smem:$0x3FB8];
	_ =	sdelay $0x3  }
0x37: {  	[smem:$0x3FB8] =	sst s10  }
0x38: {  	s10 =	sld [smem:$0x3FB9]  }
0x39: {  	_ = 	snop;
	(pc) =	sbr.ind lr, $3  }
0x3a: {  	_ = 	snop  }
0x3b: {  	_ = 	snop  }
0x3c: {  	p2 =	seq.s32 s10, $0x1;
	s10 =	sld [smem:$0x3FB8]  }
0x3d: {  	_ =	shalt  }
0x3e: {  	_ =	shalt  }
0x3f: {  	_ =	shalt  }
0x40: {  	_ =	shalt  }
0x41: {  	_ =	shalt  }
0x42: {  	_ =	shalt  }
0x43: {  	_ =	shalt  }
0x44: {  	_ =	shalt  }
0x45: {  	_ =	shalt  }
0x46: {  	_ =	shalt  }
0x47: {  	_ =	shalt  }
0x48: {  	_ =	shalt  }
0x49: {  	_ =	shalt  }
0x4a: {  	_ =	shalt  }
0x4b: {  	_ =	shalt  }
0x4c: {  	_ =	shalt  }
0x4d: {  	_ =	shalt  }
0x4e: {  	_ =	shalt  }
0x4f: {  	_ =	shalt  }
0x50: {  	_ =	shalt  }
0x51: {  	_ =	shalt  }
0x52: {  	_ =	shalt  }
0x53: {  	_ =	shalt  }
0x54: {  	_ =	shalt  }
0x55: {  	_ =	shalt  }
0x56: {  	_ =	shalt  }
0x57: {  	_ =	shalt  }
0x58: {  	_ =	shalt  }
0x59: {  	_ =	shalt  }
0x5a: {  	_ =	shalt  }
0x5b: {  	_ =	shalt  }
0x5c: {  	_ =	shalt  }
0x5d: {  	_ =	shalt  }
0x5e: {  	_ =	shalt  }
0x5f: {  	_ =	shalt  }
0x60: {  	_ =	shalt  }
0x61: {  	_ =	shalt  }
0x62: {  	_ =	shalt  }
0x63: {  	_ =	shalt  }
0x64: {  	_ =	shalt  }
0x65: {  	_ =	shalt  }
0x66: {  	_ =	shalt  }
0x67: {  	_ =	shalt  }
0x68: {  	_ =	shalt  }
0x69: {  	_ =	shalt  }
0x6a: {  	_ =	shalt  }
0x6b: {  	_ =	shalt  }
0x6c: {  	_ =	shalt  }
0x6d: {  	_ =	shalt  }
0x6e: {  	_ =	shalt  }
0x6f: {  	_ =	shalt  }
0x70: {  	_ =	shalt  }
0x71: {  	_ =	shalt  }
0x72: {  	_ =	shalt  }
0x73: {  	_ =	shalt  }
0x74: {  	_ =	shalt  }
0x75: {  	_ =	shalt  }
0x76: {  	_ =	shalt  }
0x77: {  	_ =	shalt  }
0x78: {  	_ =	shalt  }
0x79: {  	_ =	shalt  }
0x7a: {  	_ =	shalt  }
0x7b: {  	_ =	shalt  }
0x7c: {  	_ =	shalt  }
0x7d: {  	_ =	shalt  }
0x7e: {  	_ =	shalt  }
0x7f: {  	_ =	shalt  }
0x80: {  	_ =	shalt  }
0x81: {  	_ =	shalt  }
0x82: {  	_ =	shalt  }
0x83: {  	_ =	shalt  }
0x84: {  	_ =	shalt  }
0x85: {  	_ =	shalt  }
0x86: {  	_ =	shalt  }
0x87: {  	_ =	shalt  }
.Lfunc_end0:
.L_simem_size_0:
called_computation_lowered:
.L_overlay_start_0:
0x88: {  	s2 =	sld [smem:$0x3FD9]  }
0x89: {  	s3 =	sld [smem:$0x3FFE];
	_ =	sdelay $0x1  }
0x8a: {  	s1 =	srdreg.scid  }
0x8b: {  	s0 =	sand.u32 $0x1, s1  }
0x8c: {  	s16 =	sshll.u32 s0, $0xA;
	s2 =	sadd.s32 s3, s2  }
0x8d: {  	s2 =	sadd.s32 s2, s16  }
0x8e: {  	[smem:$0x3FC4] =	sst s2  }
0x8f: {  	_ = 	snop  }
0x90: {  	(tm) =	ssettm $0x1  }
0x91: {  	s17 =	sld [smem:$0x3FFB];
	_ =	sdelay $0x3  }
0x92: {  	_ =	strace s17  }
0x93: {  	s2 =	sld [smem:$0x3FFC];
	_ =	sdelay $0x3  }
0x94: {  	_ =	strace s2  }
0x95: {  	s2 =	sld [smem:$0x3FFD];
	_ =	sdelay $0x3  }
0x96: {  	_ =	strace s2  }
0x97: {  	_ =	strace $0x8FFFFFFF  }
0x98: {  	s18 =	sld [smem:$0x3FDB];
	_ =	sdelay $0x1  }
0x99: {  	s19 =	simm.s32 $_scs_section_size  }
0x9a: {  	s4 =	simm.s32 $_size__tile_overlayer_lowered;
	s5 =	simm.s32 $_tile_overlayer_lowered  }
0x9b: {  	s22 =	simm.s32 $0x1BFF;
	s21 =	sshll.u32 s5, $0x1;
	s2 =	sadd.s32 s19, s18  }
0x9c: {  	s6 =	simm.s32 $0x0;
	s20 =	sshll.u32 s4, $0x1;
	s4 =	sadd.s32 s21, s2  }
0x9d: {  	[timem:s6], [sflag:s22] =	dma.local [hbm:s4], s20  }
0x9e: {  	_ =	swait.ge [sflag:s22], s20  }
0x9f: {  	s3 =	ssub.s32 $0x0, s20;
	[sflag:s22] =	ssyncset.done $0x0  }
0xa0: {  	[sflag:s22] =	ssyncadd.s32 s3;
	_ =	sdelay $0x1  }
0xa1: {  	s23 =	simm.s32 $0x1B8B  }
0xa2: {  	_ =	swait.ge [sflag:s23], $0x1  }
0xa3: {  	[sflag:s23] =	ssyncset.done $0x0  }
0xa4: {  	s25 =	simm.s32 $0x1B8E;
	s24 =	sld [smem:$0x3FFE];
	[sflag:s23] =	ssyncadd.s32 $0xFFFFFFFF  }
0xa5: {  	s26 =	simm.s32 $execute0_lowered;
	[smem:$0x3FD2] =	sst s25  }
0xa6: {  	s4 =	sshll.u32 s26, $0x1;
	_ =	strace $0x80000046;
	[dreg:$0x1] =	wrdreg $0xFFFFFFFF  }
0xa7: {  	s28 =	simm.s32 $_size_execute0_lowered;
	s2 =	sadd.s32 s2, s4;
	[dreg:$0x0] =	wrdreg $0x0  }
0xa8: {  	s4 =	sshll.u32 s28, $0x1;
	[dreg:$0x2] =	wrdreg s2  }
0xa9: {  	[dreg:$0x3] =	wrdreg s4  }
0xaa: {  	[dreg:$0x4] =	wrdreg $0xC0  }
0xab: {  	_ =	task [dreg:s6], $0x5FFFF  }
0xac: {  	[dreg:$0x1] =	wrdreg $0xFFFFFFFF  }
0xad: {  	[dreg:$0x0] =	wrdreg $0x60  }
0xae: {  	[dreg:$0x2] =	wrdreg s24  }
0xaf: {  	[dreg:$0x3] =	wrdreg $0x9  }
0xb0: {  	_ =	task.clear_ibuf [dreg:s6], $0x4FFFF;
	_ =	strace $0x90000046  }
0xb1: {  	s29 =	simm.s32 $0x9;
	_ =	strace $0x80000048  }
0xb2: {  	_ =	swait.ge [sflag:s29], $0x1  }
0xb3: {  	[sflag:s29] =	ssyncadd.s32 $0xFFFFFFFF  }
0xb4: {  	_ =	strace $0x90000048  }
0xb5: {  	_ =	sfence  }
0xb6: {  	s30 =	sld [smem:$0x0];
	_ =	sdelay $0x2  }
0xb7: {  	s31 =	sshll.u32 s1, $0xD;
	s1 =	sshrl.u32 s1, $0x2  }
0xb8: {  	s3 =	sand.u32 $0x4000, s31;
	s1 =	sadd.s32 s1, s30  }
0xb9: {  	s0 =	sor.u32 s3, s0;
	s1 =	sshll.u32 s1, $0x11  }
0xba: {  	s0 =	sor.u32 s1, s0  }
0xbb: {  	s0 =	sadd.s32 $0x8F2B, s0  }
0xbc: {  	[sflag:s0] =	ssyncadd.remote.s32 $0x1  }
0xbd: {  	_ =	sfence.sel $0xFFFF  }
0xbe: {  	[dreg:$0x0] =	wrdreg $0xFFFFFFFF;
	(pc) =	sbr.abs _section_cstart, $3  }
0xbf: {  	[dreg:$0x1] =	wrdreg $0xFFFFFFFF  }
0xc0: {  	_ =	task.clear_ibuf [dreg:s6], $0x2FFFF;
	_ =	strace $0x9FFFFFFF  }
0xc1: {  	(tm) =	ssettm $0x7FFFFFFF  }
tec
execute0_lowered:
.L_overlay_start_1:
0x0: {  	(tag) =	ssettag $0x1  }
0x1: {  	s2 =	stileid.u32  }
0x2: {  	s11 =	rddreg [dreg:$0x0];
	s9 =	sshll.u32 s2, $0x1;
	s2 =	simm.s32 $0x0  }
0x3: {  	s15 =	simm.s32 $0xF80;
	[smem:$0x7FF] =	sst s2  }
0x4: {  	s16 =	simm.s32 $0x100;
	_ =	strace $0x80000047;
	[dreg:$0x8] =	wrdreg s15  }
0x5: {  	s17 =	simm.s32 $0x1000;
	[dreg:$0x9] =	wrdreg s16  }
0x6: {  	s18 =	simm.s32 $0x180;
	[dreg:$0xa] =	wrdreg s17  }
0x7: {  	s19 =	simm.s32 $0x1080;
	[dreg:$0xb] =	wrdreg s18  }
0x8: {  	s20 =	simm.s32 $0x200;
	[dreg:$0xc] =	wrdreg s19  }
0x9: {  	s21 =	simm.s32 $0x1100;
	[dreg:$0xd] =	wrdreg s20  }
0xa: {  	s22 =	simm.s32 $0x280;
	[dreg:$0xe] =	wrdreg s21  }
0xb: {  	s23 =	simm.s32 $0x1180;
	[dreg:$0xf] =	wrdreg s22  }
0xc: {  	s24 =	simm.s32 $0x300;
	[dreg:$0x10] =	wrdreg s23  }
0xd: {  	s25 =	simm.s32 $0x1200;
	[dreg:$0x11] =	wrdreg s24  }
0xe: {  	s26 =	simm.s32 $0x380;
	[dreg:$0x12] =	wrdreg s25  }
0xf: {  	s28 =	simm.s32 $0x1280;
	[dreg:$0x13] =	wrdreg s26  }
0x10: {  	s29 =	simm.s32 $0x400;
	[dreg:$0x14] =	wrdreg s28  }
0x11: {  	s30 =	simm.s32 $0x1300;
	[dreg:$0x15] =	wrdreg s29  }
0x12: {  	s4 =	simm.s32 $0x1380;
	[dreg:$0x16] =	wrdreg s30  }
0x13: {  	s5 =	simm.s32 $0x580;
	[dreg:$0x18] =	wrdreg s4  }
0x14: {  	s6 =	simm.s32 $0x1480;
	[dreg:$0x19] =	wrdreg s5  }
0x15: {  	s0 =	srdreg.scid;
	s7 =	simm.s32 $0x600;
	[dreg:$0x1a] =	wrdreg s6  }
0x16: {  	s8 =	simm.s32 $0x1500;
	s1 =	sand.u32 $0x1, s0;
	[dreg:$0x1b] =	wrdreg s7  }
0x17: {  	s0 =	sor.u32 s1, s9;
	s9 =	simm.s32 $0x680;
	[dreg:$0x1c] =	wrdreg s8  }
0x18: {  	[dreg:$0x1d] =	wrdreg s9;
	s15 =	simm.s32 $0x1680  }
0x19: {  	s16 =	simm.s32 $0x800;
	[smem:$0x7F6] =	sst s15  }
0x1a: {  	s17 =	simm.s32 $0x1700;
	[smem:$0x7FA] =	sst s16  }
0x1b: {  	s18 =	simm.s32 $0x880;
	[smem:$0x7F5] =	sst s17  }
0x1c: {  	s19 =	simm.s32 $0x1780;
	[smem:$0x7FB] =	sst s18  }
0x1d: {  	s20 =	simm.s32 $0x900;
	[smem:$0x7F4] =	sst s19  }
0x1e: {  	s0 =	smul.u32 $0xA0, s0;
	s21 =	simm.s32 $0x1800;
	[smem:$0x7FC] =	sst s20  }
0x1f: {  	s22 =	simm.s32 $0x980;
	[smem:$0x7F3] =	sst s21  }
0x20: {  	s6 =	simm.s32 $0x1880;
	[smem:$0x7FD] =	sst s22;
	s0 =	sadd.s32 s0, s11  }
0x21: {  	[smem:$0x7F8] =	sst s6;
	s3 =	sadd.s32 $0x2600, s0  }
0x22: {  	s10 =	sadd.s32 $0x3A00, s0;
	[dreg:$0x2] =	wrdreg s3  }
0x23: {  	s12 =	sadd.s32 $0x4E00, s0;
	[dreg:$0x3] =	wrdreg s10  }
0x24: {  	s13 =	sadd.s32 $0x81400, s0;
	[dreg:$0x4] =	wrdreg s12  }
0x25: {  	s14 =	sadd.s32 $0x82800, s0;
	[dreg:$0x5] =	wrdreg s13  }
0x26: {  	s0 =	sadd.s32 $0x83C00, s0;
	[dreg:$0x6] =	wrdreg s14  }
0x27: {  	[dreg:$0x7] =	wrdreg s0;
	s3 =	simm.s32 $0x480  }
0x28: {  	s10 =	simm.s32 $0x1580;
	[dreg:$0x17] =	wrdreg s3  }
0x29: {  	s12 =	simm.s32 $0x700;
	[dreg:$0x1e] =	wrdreg s10  }
0x2a: {  	s13 =	simm.s32 $0x1600;
	[dreg:$0x1f] =	wrdreg s12  }
0x2b: {  	s14 =	simm.s32 $0x780;
	[smem:$0x7F7] =	sst s13  }
0x2c: {  	[smem:$0x7F9] =	sst s14  }
0x2d: {  	s23 =	rddreg [dreg:$0x2]  }
0x2e: {  	[tilespmem:s2], [sflag:$0x1] =	stream.linear.gather [hbm4b:s23+s2], $0x500, $0x38;
	[tilespmem:$0x1E00] =	vst v63  }
0x2f: {  	s4 =	simm.s32 $0x500;
	s24 =	rddreg [dreg:$0x3]  }
0x30: {  	[tilespmem:s4], [sflag:$0x1] =	stream.linear.gather [hbm4b:s24+s2], $0x500, $0x38;
	[tilespmem:$0x1E00] =	vst v63  }
0x31: {  	s5 =	simm.s32 $0xA00;
	s7 =	rddreg [dreg:$0x4];
	s3 =	simm.s32 $0x1  }
0x32: {  	[tilespmem:s5], [sflag:$0x1] =	stream.linear.gather [hbm4b:s7+s2], $0x500, $0x38;
	[tilespmem:$0x1E00] =	vst v63  }
0x33: {  	_ =	swait.ge [sflag:s3], $0x500  }
0x34: {  	[sflag:s3] =	ssyncset.done $0x0  }
0x35: {  	[sflag:s3] =	ssyncadd.s32 $0xFFFFFB00  }
0x36: {  	_ =	swait.ge [sflag:s3], $0x500  }
0x37: {  	[sflag:s3] =	ssyncset.done $0x0  }
0x38: {  	[sflag:s3] =	ssyncadd.s32 $0xFFFFFB00  }
0x39: {  	_ =	swait.ge [sflag:s3], $0x500  }
0x3a: {  	s0 =	sld [smem:$0x7F3]  }
0x3b: {  	s12 =	sld [smem:$0x7F4]  }
0x3c: {  	s13 =	sld [smem:$0x7F5]  }
0x3d: {  	s14 =	sld [smem:$0x7F6]  }
0x3e: {  	s15 =	sld [smem:$0x7F7]  }
0x3f: {  	s16 =	rddreg [dreg:$0x1e]  }
0x40: {  	s17 =	rddreg [dreg:$0x1c]  }
0x41: {  	s18 =	rddreg [dreg:$0x1a]  }
0x42: {  	s9 =	rddreg [dreg:$0x18]  }
0x43: {  	s10 =	rddreg [dreg:$0x16]  }
0x44: {  	s19 =	rddreg [dreg:$0x14]  }
0x45: {  	s20 =	rddreg [dreg:$0x9]  }
0x46: {  	s21 =	rddreg [dreg:$0x8]  }
0x47: {  	s22 =	rddreg [dreg:$0xa]  }
0x48: {  	s8 =	simm.s32 $0x80;
	s23 =	rddreg [dreg:$0xc]  }
0x49: {  	s6 =	simm.s32 $0xF00;
	[sflag:s3] =	ssyncset.done $0x0;
	s25 =	rddreg [dreg:$0xb]  }
0x4a: {  	s7 =	sadd.s32 $0x23800, s11;
	s26 =	rddreg [dreg:$0xe];
	[sflag:s3] =	ssyncadd.s32 $0xFFFFFB00  }
0x4b: {  	[tilespmem:s6], [sflag:$0x1] =	stream.indirect.gather [hbm4b:s7+s8], $0x1, s2, s8, $0xb8;
	[tilespmem:$0x1E00] =	vst v63  }
0x4c: {  	s28 =	rddreg [dreg:$0xd]  }
0x4d: {  	[tilespmem:s21], [sflag:$0x1] =	stream.indirect.gather [hbm4b:s7+s8], $0x1, s8, s8, $0xb8;
	[tilespmem:$0x1E00] =	vst v63  }
0x4e: {  	s29 =	rddreg [dreg:$0x10]  }
0x4f: {  	[tilespmem:s22], [sflag:$0x1] =	stream.indirect.gather [hbm4b:s7+s8], $0x1, s20, s8, $0xb8;
	[tilespmem:$0x1E00] =	vst v63  }
0x50: {  	s30 =	rddreg [dreg:$0xf]  }
0x51: {  	[tilespmem:s23], [sflag:$0x1] =	stream.indirect.gather [hbm4b:s7+s8], $0x1, s25, s8, $0xb8;
	[tilespmem:$0x1E00] =	vst v63  }
0x52: {  	s24 =	rddreg [dreg:$0x11]  }
0x53: {  	[tilespmem:s26], [sflag:$0x1] =	stream.indirect.gather [hbm4b:s7+s8], $0x1, s28, s8, $0xb8;
	[tilespmem:$0x1E00] =	vst v63  }
0x54: {  	s22 =	rddreg [dreg:$0x12]  }
0x55: {  	[tilespmem:s29], [sflag:$0x1] =	stream.indirect.gather [hbm4b:s7+s8], $0x1, s30, s8, $0xb8;
	[tilespmem:$0x1E00] =	vst v63  }
0x56: {  	s20 =	sld [smem:$0x7F8]  }
0x57: {  	[tilespmem:s22], [sflag:$0x1] =	stream.indirect.gather [hbm4b:s7+s8], $0x1, s24, s8, $0xb8;
	[tilespmem:$0x1E00] =	vst v63  }
0x58: {  	s25 =	rddreg [dreg:$0x13]  }
0x59: {  	[tilespmem:s19], [sflag:$0x1] =	stream.indirect.gather [hbm4b:s7+s8], $0x1, s25, s8, $0xb8;
	[tilespmem:$0x1E00] =	vst v63  }
0x5a: {  	s26 =	rddreg [dreg:$0x15]  }
0x5b: {  	[tilespmem:s10], [sflag:$0x1] =	stream.indirect.gather [hbm4b:s7+s8], $0x1, s26, s8, $0xb8;
	[tilespmem:$0x1E00] =	vst v63  }
0x5c: {  	s28 =	rddreg [dreg:$0x17]  }
0x5d: {  	[tilespmem:s9], [sflag:$0x1] =	stream.indirect.gather [hbm4b:s7+s8], $0x1, s28, s8, $0xb8;
	[tilespmem:$0x1E00] =	vst v63  }
0x5e: {  	s23 =	sld [smem:$0x7F9];
	s10 =	sadd.s32 $0x6200, s11;
	s9 =	simm.s32 $0x1400  }
0x5f: {  	[tilespmem:s9], [sflag:$0x1] =	stream.indirect.gather [hbm4b:s10+s8], $0x1, s4, s8, $0xb8;
	[tilespmem:$0x1E00] =	vst v63  }
0x60: {  	s29 =	rddreg [dreg:$0x19]  }
0x61: {  	[tilespmem:s18], [sflag:$0x1] =	stream.indirect.gather [hbm4b:s10+s8], $0x1, s29, s8, $0xb8;
	[tilespmem:$0x1E00] =	vst v63  }
0x62: {  	s30 =	rddreg [dreg:$0x1b]  }
0x63: {  	[tilespmem:s17], [sflag:$0x1] =	stream.indirect.gather [hbm4b:s10+s8], $0x1, s30, s8, $0xb8;
	[tilespmem:$0x1E00] =	vst v63  }
0x64: {  	s19 =	rddreg [dreg:$0x1d]  }
0x65: {  	[tilespmem:s16], [sflag:$0x1] =	stream.indirect.gather [hbm4b:s10+s8], $0x1, s19, s8, $0xb8;
	[tilespmem:$0x1E00] =	vst v63  }
0x66: {  	s22 =	rddreg [dreg:$0x1f]  }
0x67: {  	[tilespmem:s15], [sflag:$0x1] =	stream.indirect.gather [hbm4b:s10+s8], $0x1, s22, s8, $0xb8;
	[tilespmem:$0x1E00] =	vst v63  }
0x68: {  	s24 =	sld [smem:$0x7FA]  }
0x69: {  	[tilespmem:s14], [sflag:$0x1] =	stream.indirect.gather [hbm4b:s10+s8], $0x1, s23, s8, $0xb8;
	[tilespmem:$0x1E00] =	vst v63  }
0x6a: {  	s25 =	sld [smem:$0x7FB]  }
0x6b: {  	[tilespmem:s13], [sflag:$0x1] =	stream.indirect.gather [hbm4b:s10+s8], $0x1, s24, s8, $0xb8;
	[tilespmem:$0x1E00] =	vst v63  }
0x6c: {  	s26 =	sld [smem:$0x7FC]  }
0x6d: {  	[tilespmem:s12], [sflag:$0x1] =	stream.indirect.gather [hbm4b:s10+s8], $0x1, s25, s8, $0xb8;
	[tilespmem:$0x1E00] =	vst v63  }
0x6e: {  	s28 =	sld [smem:$0x7FD]  }
0x6f: {  	[tilespmem:s0], [sflag:$0x1] =	stream.indirect.gather [hbm4b:s10+s8], $0x1, s26, s8, $0xb8;
	[tilespmem:$0x1E00] =	vst v63  }
0x70: {  	_ = 	snop  }
0x71: {  	[tilespmem:s20], [sflag:$0x1] =	stream.indirect.gather [hbm4b:s10+s8], $0x1, s28, s8, $0xb8;
	[tilespmem:$0x1E00] =	vst v63  }
0x72: {  	s12 =	sadd.s32 $0x1DA00, s11;
	s11 =	simm.s32 $0x1900  }
0x73: {  	[tilespmem:s11], [sflag:$0x1] =	stream.indirect.gather [hbm4b:s12+s8], $0x1, s5, s8, $0xb8;
	[tilespmem:$0x1E00] =	vst v63  }
0x74: {  	s29 =	simm.s32 $0xA80;
	s30 =	simm.s32 $0x1980  }
0x75: {  	[tilespmem:s30], [sflag:$0x1] =	stream.indirect.gather [hbm4b:s12+s8], $0x1, s29, s8, $0xb8;
	[tilespmem:$0x1E00] =	vst v63  }
0x76: {  	s15 =	simm.s32 $0x1A00;
	s14 =	simm.s32 $0xB00  }
0x77: {  	[tilespmem:s15], [sflag:$0x1] =	stream.indirect.gather [hbm4b:s12+s8], $0x1, s14, s8, $0xb8;
	[tilespmem:$0x1E00] =	vst v63  }
0x78: {  	s17 =	simm.s32 $0x1A80;
	s16 =	simm.s32 $0xB80  }
0x79: {  	[tilespmem:s17], [sflag:$0x1] =	stream.indirect.gather [hbm4b:s12+s8], $0x1, s16, s8, $0xb8;
	[tilespmem:$0x1E00] =	vst v63  }
0x7a: {  	s18 =	simm.s32 $0xC00;
	s19 =	simm.s32 $0x1B00  }
0x7b: {  	[tilespmem:s19], [sflag:$0x1] =	stream.indirect.gather [hbm4b:s12+s8], $0x1, s18, s8, $0xb8;
	[tilespmem:$0x1E00] =	vst v63  }
0x7c: {  	s21 =	simm.s32 $0x1B80;
	s20 =	simm.s32 $0xC80  }
0x7d: {  	[tilespmem:s21], [sflag:$0x1] =	stream.indirect.gather [hbm4b:s12+s8], $0x1, s20, s8, $0xb8;
	[tilespmem:$0x1E00] =	vst v63  }
0x7e: {  	s22 =	simm.s32 $0xD00;
	s23 =	simm.s32 $0x1C00  }
0x7f: {  	[tilespmem:s23], [sflag:$0x1] =	stream.indirect.gather [hbm4b:s12+s8], $0x1, s22, s8, $0xb8;
	[tilespmem:$0x1E00] =	vst v63  }
0x80: {  	s24 =	simm.s32 $0xD80;
	s25 =	simm.s32 $0x1C80  }
0x81: {  	[tilespmem:s25], [sflag:$0x1] =	stream.indirect.gather [hbm4b:s12+s8], $0x1, s24, s8, $0xb8;
	[tilespmem:$0x1E00] =	vst v63  }
0x82: {  	s26 =	simm.s32 $0xE00;
	s28 =	simm.s32 $0x1D00  }
0x83: {  	[tilespmem:s28], [sflag:$0x1] =	stream.indirect.gather [hbm4b:s12+s8], $0x1, s26, s8, $0xb8;
	[tilespmem:$0x1E00] =	vst v63  }
0x84: {  	s31 =	simm.s32 $0x1D80;
	s29 =	simm.s32 $0xE80  }
0x85: {  	[tilespmem:s31], [sflag:$0x1] =	stream.indirect.gather [hbm4b:s12+s8], $0x1, s29, s8, $0xb8;
	[tilespmem:$0x1E00] =	vst v63  }
0x86: {  	_ =	swait.ge [sflag:s3], $0x80  }
0x87: {  	[sflag:s3] =	ssyncset.done $0x0  }
0x88: {  	[sflag:s3] =	ssyncadd.s32 $0xFFFFFF80  }
0x89: {  	_ =	swait.ge [sflag:s3], $0x80  }
0x8a: {  	[sflag:s3] =	ssyncset.done $0x0  }
0x8b: {  	[sflag:s3] =	ssyncadd.s32 $0xFFFFFF80  }
0x8c: {  	_ =	swait.ge [sflag:s3], $0x80  }
0x8d: {  	[sflag:s3] =	ssyncset.done $0x0  }
0x8e: {  	[sflag:s3] =	ssyncadd.s32 $0xFFFFFF80  }
0x8f: {  	_ =	swait.ge [sflag:s3], $0x80  }
0x90: {  	[sflag:s3] =	ssyncset.done $0x0  }
0x91: {  	[sflag:s3] =	ssyncadd.s32 $0xFFFFFF80  }
0x92: {  	_ =	swait.ge [sflag:s3], $0x80  }
0x93: {  	[sflag:s3] =	ssyncset.done $0x0  }
0x94: {  	[sflag:s3] =	ssyncadd.s32 $0xFFFFFF80  }
0x95: {  	_ =	swait.ge [sflag:s3], $0x80  }
0x96: {  	[sflag:s3] =	ssyncset.done $0x0  }
0x97: {  	[sflag:s3] =	ssyncadd.s32 $0xFFFFFF80  }
0x98: {  	_ =	swait.ge [sflag:s3], $0x80  }
0x99: {  	[sflag:s3] =	ssyncset.done $0x0  }
0x9a: {  	[sflag:s3] =	ssyncadd.s32 $0xFFFFFF80  }
0x9b: {  	_ =	swait.ge [sflag:s3], $0x80  }
0x9c: {  	[sflag:s3] =	ssyncset.done $0x0  }
0x9d: {  	[sflag:s3] =	ssyncadd.s32 $0xFFFFFF80  }
0x9e: {  	_ =	swait.ge [sflag:s3], $0x80  }
0x9f: {  	[sflag:s3] =	ssyncset.done $0x0  }
0xa0: {  	[sflag:s3] =	ssyncadd.s32 $0xFFFFFF80  }
0xa1: {  	_ =	swait.ge [sflag:s3], $0x80  }
0xa2: {  	[sflag:s3] =	ssyncset.done $0x0  }
0xa3: {  	[sflag:s3] =	ssyncadd.s32 $0xFFFFFF80  }
0xa4: {  	_ =	swait.ge [sflag:s3], $0x80  }
0xa5: {  	[sflag:s3] =	ssyncset.done $0x0  }
0xa6: {  	[sflag:s3] =	ssyncadd.s32 $0xFFFFFF80  }
0xa7: {  	_ =	swait.ge [sflag:s3], $0x80  }
0xa8: {  	[sflag:s3] =	ssyncset.done $0x0  }
0xa9: {  	[sflag:s3] =	ssyncadd.s32 $0xFFFFFF80  }
0xaa: {  	_ =	swait.ge [sflag:s3], $0x80  }
0xab: {  	[sflag:s3] =	ssyncset.done $0x0  }
0xac: {  	[sflag:s3] =	ssyncadd.s32 $0xFFFFFF80  }
0xad: {  	_ =	swait.ge [sflag:s3], $0x80  }
0xae: {  	[sflag:s3] =	ssyncset.done $0x0  }
0xaf: {  	[sflag:s3] =	ssyncadd.s32 $0xFFFFFF80  }
0xb0: {  	_ =	swait.ge [sflag:s3], $0x80  }
0xb1: {  	[sflag:s3] =	ssyncset.done $0x0  }
0xb2: {  	[sflag:s3] =	ssyncadd.s32 $0xFFFFFF80  }
0xb3: {  	_ =	swait.ge [sflag:s3], $0x80  }
0xb4: {  	[sflag:s3] =	ssyncset.done $0x0  }
0xb5: {  	[sflag:s3] =	ssyncadd.s32 $0xFFFFFF80  }
0xb6: {  	_ =	swait.ge [sflag:s3], $0x80  }
0xb7: {  	[sflag:s3] =	ssyncset.done $0x0  }
0xb8: {  	[sflag:s3] =	ssyncadd.s32 $0xFFFFFF80  }
0xb9: {  	_ =	swait.ge [sflag:s3], $0x80  }
0xba: {  	[sflag:s3] =	ssyncset.done $0x0  }
0xbb: {  	[sflag:s3] =	ssyncadd.s32 $0xFFFFFF80  }
0xbc: {  	_ =	swait.ge [sflag:s3], $0x80  }
0xbd: {  	[sflag:s3] =	ssyncset.done $0x0  }
0xbe: {  	[sflag:s3] =	ssyncadd.s32 $0xFFFFFF80  }
0xbf: {  	_ =	swait.ge [sflag:s3], $0x80  }
0xc0: {  	[sflag:s3] =	ssyncset.done $0x0  }
0xc1: {  	[sflag:s3] =	ssyncadd.s32 $0xFFFFFF80  }
0xc2: {  	_ =	swait.ge [sflag:s3], $0x80  }
0xc3: {  	[sflag:s3] =	ssyncset.done $0x0  }
0xc4: {  	[sflag:s3] =	ssyncadd.s32 $0xFFFFFF80  }
0xc5: {  	_ =	swait.ge [sflag:s3], $0x80  }
0xc6: {  	[sflag:s3] =	ssyncset.done $0x0  }
0xc7: {  	[sflag:s3] =	ssyncadd.s32 $0xFFFFFF80  }
0xc8: {  	_ =	swait.ge [sflag:s3], $0x80  }
0xc9: {  	[sflag:s3] =	ssyncset.done $0x0  }
0xca: {  	[sflag:s3] =	ssyncadd.s32 $0xFFFFFF80  }
0xcb: {  	_ =	swait.ge [sflag:s3], $0x80  }
0xcc: {  	[sflag:s3] =	ssyncset.done $0x0  }
0xcd: {  	[sflag:s3] =	ssyncadd.s32 $0xFFFFFF80  }
0xce: {  	_ =	swait.ge [sflag:s3], $0x80  }
0xcf: {  	[sflag:s3] =	ssyncset.done $0x0  }
0xd0: {  	[sflag:s3] =	ssyncadd.s32 $0xFFFFFF80  }
0xd1: {  	_ =	swait.ge [sflag:s3], $0x80  }
0xd2: {  	[sflag:s3] =	ssyncset.done $0x0  }
0xd3: {  	[sflag:s3] =	ssyncadd.s32 $0xFFFFFF80  }
0xd4: {  	s30 =	ssub.s32 $0x2, s1;
	_ =	swait.ge [sflag:s3], $0x80  }
0xd5: {  	s1 =	sshrl.u32 s30, $0x1;
	[sflag:s3] =	ssyncset.done $0x0  }
0xd6: {  	s0 =	ssub.s32 s30, s1;
	[sflag:s3] =	ssyncadd.s32 $0xFFFFFF80  }
0xd7: {  	s0 =	smax.u32 s0, $0x1;
	_ =	swait.ge [sflag:s3], $0x80  }
0xd8: {  	p0 =	sne.s32 s0, $0x1;
	[sflag:s3] =	ssyncset.done $0x0  }
.Ltmp0:
0xd9: {  	[sflag:s3] =	ssyncadd.s32 $0xFFFFFF80;
	(pc) =	sbr.rel @!p0 .LBB2_2-.Ltmp0, $4  }
0xda: {  	_ =	swait.ge [sflag:s3], $0x80  }
0xdb: {  	[sflag:s3] =	ssyncset.done $0x0  }
0xdc: {  	[sflag:s3] =	ssyncadd.s32 $0xFFFFFF80  }
0xdd: {  	s1 =	sadd.s32 $0xFFFFFFFF, s0;
	_ =	swait.ge [sflag:s3], $0x80  }
.LBB2_1:
0xde: {  	[sflag:s3] =	ssyncset.done $0x0  }
0xdf: {  	s0 =	rddreg [dreg:$0x5];
	[sflag:s3] =	ssyncadd.s32 $0xFFFFFF80  }
0xe0: {  	[hbm4b:s0+s2] =	stream.linear.scatter [tilespmem:s6], [sflag:$0x1], $0x500, $0x38;
	[tilespmem:$0x1E00] =	vst v63  }
0xe1: {  	s13 =	rddreg [dreg:$0x6]  }
0xe2: {  	[hbm4b:s13+s2] =	stream.linear.scatter [tilespmem:s9], [sflag:$0x1], $0x500, $0x38;
	[tilespmem:$0x1E00] =	vst v63  }
0xe3: {  	s14 =	rddreg [dreg:$0x7]  }
0xe4: {  	[hbm4b:s14+s2] =	stream.linear.scatter [tilespmem:s11], [sflag:$0x1], $0x500, $0x38;
	[tilespmem:$0x1E00] =	vst v63  }
0xe5: {  	_ =	swait.ge [sflag:s3], $0x500  }
0xe6: {  	[sflag:s3] =	ssyncset.done $0x0  }
0xe7: {  	[sflag:s3] =	ssyncadd.s32 $0xFFFFFB00  }
0xe8: {  	_ =	swait.ge [sflag:s3], $0x500  }
0xe9: {  	[sflag:s3] =	ssyncset.done $0x0  }
0xea: {  	[sflag:s3] =	ssyncadd.s32 $0xFFFFFB00  }
0xeb: {  	_ =	swait.ge [sflag:s3], $0x500  }
0xec: {  	[sflag:s3] =	ssyncset.done $0x0  }
0xed: {  	s25 =	rddreg [dreg:$0x2];
	[sflag:s3] =	ssyncadd.s32 $0xFFFFFB00  }
0xee: {  	[tilespmem:s2], [sflag:$0x1] =	stream.linear.gather [hbm4b:s25+s2], $0x500, $0x38;
	[tilespmem:$0x1E00] =	vst v63  }
0xef: {  	s26 =	rddreg [dreg:$0x3]  }
0xf0: {  	[tilespmem:s4], [sflag:$0x1] =	stream.linear.gather [hbm4b:s26+s2], $0x500, $0x38;
	[tilespmem:$0x1E00] =	vst v63  }
0xf1: {  	s28 =	rddreg [dreg:$0x4]  }
0xf2: {  	[tilespmem:s5], [sflag:$0x1] =	stream.linear.gather [hbm4b:s28+s2], $0x500, $0x38;
	[tilespmem:$0x1E00] =	vst v63  }
0xf3: {  	_ =	swait.ge [sflag:s3], $0x500  }
0xf4: {  	[sflag:s3] =	ssyncset.done $0x0  }
0xf5: {  	[sflag:s3] =	ssyncadd.s32 $0xFFFFFB00  }
0xf6: {  	_ =	swait.ge [sflag:s3], $0x500  }
0xf7: {  	[sflag:s3] =	ssyncset.done $0x0  }
0xf8: {  	[sflag:s3] =	ssyncadd.s32 $0xFFFFFB00  }
0xf9: {  	_ =	swait.ge [sflag:s3], $0x500  }
0xfa: {  	s0 =	sld [smem:$0x7F3]  }
0xfb: {  	s13 =	sld [smem:$0x7F4]  }
0xfc: {  	s14 =	sld [smem:$0x7F5]  }
0xfd: {  	s15 =	sld [smem:$0x7F6]  }
0xfe: {  	s16 =	sld [smem:$0x7F7]  }
0xff: {  	s17 =	rddreg [dreg:$0x1e]  }
0x100: {  	s18 =	rddreg [dreg:$0x1c]  }
0x101: {  	s19 =	rddreg [dreg:$0x1a]  }
0x102: {  	s20 =	rddreg [dreg:$0x18]  }
0x103: {  	s21 =	rddreg [dreg:$0x16]  }
0x104: {  	s22 =	rddreg [dreg:$0x14]  }
0x105: {  	s23 =	rddreg [dreg:$0x12]  }
0x106: {  	s24 =	rddreg [dreg:$0x10]  }
0x107: {  	s25 =	rddreg [dreg:$0xe]  }
0x108: {  	s26 =	rddreg [dreg:$0x9]  }
0x109: {  	[sflag:s3] =	ssyncset.done $0x0;
	s28 =	rddreg [dreg:$0x8]  }
0x10a: {  	s29 =	rddreg [dreg:$0xa];
	[sflag:s3] =	ssyncadd.s32 $0xFFFFFB00  }
0x10b: {  	[tilespmem:s6], [sflag:$0x1] =	stream.indirect.gather [hbm4b:s7+s8], $0x1, s2, s8, $0xb8;
	[tilespmem:$0x1E00] =	vst v63  }
0x10c: {  	s30 =	rddreg [dreg:$0xc]  }
0x10d: {  	[tilespmem:s28], [sflag:$0x1] =	stream.indirect.gather [hbm4b:s7+s8], $0x1, s8, s8, $0xb8;
	[tilespmem:$0x1E00] =	vst v63  }
0x10e: {  	s28 =	rddreg [dreg:$0xb]  }
0x10f: {  	[tilespmem:s29], [sflag:$0x1] =	stream.indirect.gather [hbm4b:s7+s8], $0x1, s26, s8, $0xb8;
	[tilespmem:$0x1E00] =	vst v63  }
0x110: {  	s29 =	rddreg [dreg:$0xd]  }
0x111: {  	[tilespmem:s30], [sflag:$0x1] =	stream.indirect.gather [hbm4b:s7+s8], $0x1, s28, s8, $0xb8;
	[tilespmem:$0x1E00] =	vst v63  }
0x112: {  	s26 =	rddreg [dreg:$0x15]  }
0x113: {  	[tilespmem:s25], [sflag:$0x1] =	stream.indirect.gather [hbm4b:s7+s8], $0x1, s29, s8, $0xb8;
	[tilespmem:$0x1E00] =	vst v63  }
0x114: {  	s30 =	rddreg [dreg:$0xf]  }
0x115: {  	[tilespmem:s24], [sflag:$0x1] =	stream.indirect.gather [hbm4b:s7+s8], $0x1, s30, s8, $0xb8;
	[tilespmem:$0x1E00] =	vst v63  }
0x116: {  	s29 =	rddreg [dreg:$0x11]  }
0x117: {  	[tilespmem:s23], [sflag:$0x1] =	stream.indirect.gather [hbm4b:s7+s8], $0x1, s29, s8, $0xb8;
	[tilespmem:$0x1E00] =	vst v63  }
0x118: {  	s30 =	rddreg [dreg:$0x13]  }
0x119: {  	[tilespmem:s22], [sflag:$0x1] =	stream.indirect.gather [hbm4b:s7+s8], $0x1, s30, s8, $0xb8;
	[tilespmem:$0x1E00] =	vst v63  }
0x11a: {  	s28 =	rddreg [dreg:$0x17]  }
0x11b: {  	[tilespmem:s21], [sflag:$0x1] =	stream.indirect.gather [hbm4b:s7+s8], $0x1, s26, s8, $0xb8;
	[tilespmem:$0x1E00] =	vst v63  }
0x11c: {  	s25 =	sld [smem:$0x7F9]  }
0x11d: {  	[tilespmem:s20], [sflag:$0x1] =	stream.indirect.gather [hbm4b:s7+s8], $0x1, s28, s8, $0xb8;
	[tilespmem:$0x1E00] =	vst v63  }
0x11e: {  	s24 =	rddreg [dreg:$0x1f]  }
0x11f: {  	[tilespmem:s9], [sflag:$0x1] =	stream.indirect.gather [hbm4b:s10+s8], $0x1, s4, s8, $0xb8;
	[tilespmem:$0x1E00] =	vst v63  }
0x120: {  	s29 =	rddreg [dreg:$0x19]  }
0x121: {  	[tilespmem:s19], [sflag:$0x1] =	stream.indirect.gather [hbm4b:s10+s8], $0x1, s29, s8, $0xb8;
	[tilespmem:$0x1E00] =	vst v63  }
0x122: {  	s30 =	rddreg [dreg:$0x1b]  }
0x123: {  	[tilespmem:s18], [sflag:$0x1] =	stream.indirect.gather [hbm4b:s10+s8], $0x1, s30, s8, $0xb8;
	[tilespmem:$0x1E00] =	vst v63  }
0x124: {  	s23 =	rddreg [dreg:$0x1d]  }
0x125: {  	[tilespmem:s17], [sflag:$0x1] =	stream.indirect.gather [hbm4b:s10+s8], $0x1, s23, s8, $0xb8;
	[tilespmem:$0x1E00] =	vst v63  }
0x126: {  	s21 =	sld [smem:$0x7F8]  }
0x127: {  	[tilespmem:s16], [sflag:$0x1] =	stream.indirect.gather [hbm4b:s10+s8], $0x1, s24, s8, $0xb8;
	[tilespmem:$0x1E00] =	vst v63  }
0x128: {  	s26 =	sld [smem:$0x7FA]  }
0x129: {  	[tilespmem:s15], [sflag:$0x1] =	stream.indirect.gather [hbm4b:s10+s8], $0x1, s25, s8, $0xb8;
	[tilespmem:$0x1E00] =	vst v63  }
0x12a: {  	s28 =	sld [smem:$0x7FB]  }
0x12b: {  	[tilespmem:s14], [sflag:$0x1] =	stream.indirect.gather [hbm4b:s10+s8], $0x1, s26, s8, $0xb8;
	[tilespmem:$0x1E00] =	vst v63  }
0x12c: {  	s29 =	sld [smem:$0x7FC]  }
0x12d: {  	[tilespmem:s13], [sflag:$0x1] =	stream.indirect.gather [hbm4b:s10+s8], $0x1, s28, s8, $0xb8;
	[tilespmem:$0x1E00] =	vst v63  }
0x12e: {  	s30 =	sld [smem:$0x7FD]  }
0x12f: {  	[tilespmem:s0], [sflag:$0x1] =	stream.indirect.gather [hbm4b:s10+s8], $0x1, s29, s8, $0xb8;
	[tilespmem:$0x1E00] =	vst v63  }
0x130: {  	_ = 	snop  }
0x131: {  	[tilespmem:s21], [sflag:$0x1] =	stream.indirect.gather [hbm4b:s10+s8], $0x1, s30, s8, $0xb8;
	[tilespmem:$0x1E00] =	vst v63  }
0x132: {  	_ = 	snop  }
0x133: {  	[tilespmem:s11], [sflag:$0x1] =	stream.indirect.gather [hbm4b:s12+s8], $0x1, s5, s8, $0xb8;
	[tilespmem:$0x1E00] =	vst v63  }
0x134: {  	s14 =	simm.s32 $0x1980;
	s13 =	simm.s32 $0xA80  }
0x135: {  	[tilespmem:s14], [sflag:$0x1] =	stream.indirect.gather [hbm4b:s12+s8], $0x1, s13, s8, $0xb8;
	[tilespmem:$0x1E00] =	vst v63  }
0x136: {  	s16 =	simm.s32 $0x1A00;
	s15 =	simm.s32 $0xB00  }
0x137: {  	[tilespmem:s16], [sflag:$0x1] =	stream.indirect.gather [hbm4b:s12+s8], $0x1, s15, s8, $0xb8;
	[tilespmem:$0x1E00] =	vst v63  }
0x138: {  	s18 =	simm.s32 $0x1A80;
	s17 =	simm.s32 $0xB80  }
0x139: {  	[tilespmem:s18], [sflag:$0x1] =	stream.indirect.gather [hbm4b:s12+s8], $0x1, s17, s8, $0xb8;
	[tilespmem:$0x1E00] =	vst v63  }
0x13a: {  	s20 =	simm.s32 $0x1B00;
	s19 =	simm.s32 $0xC00  }
0x13b: {  	[tilespmem:s20], [sflag:$0x1] =	stream.indirect.gather [hbm4b:s12+s8], $0x1, s19, s8, $0xb8;
	[tilespmem:$0x1E00] =	vst v63  }
0x13c: {  	s22 =	simm.s32 $0x1B80;
	s21 =	simm.s32 $0xC80  }
0x13d: {  	[tilespmem:s22], [sflag:$0x1] =	stream.indirect.gather [hbm4b:s12+s8], $0x1, s21, s8, $0xb8;
	[tilespmem:$0x1E00] =	vst v63  }
0x13e: {  	s23 =	simm.s32 $0xD00;
	s24 =	simm.s32 $0x1C00  }
0x13f: {  	[tilespmem:s24], [sflag:$0x1] =	stream.indirect.gather [hbm4b:s12+s8], $0x1, s23, s8, $0xb8;
	[tilespmem:$0x1E00] =	vst v63  }
0x140: {  	s25 =	simm.s32 $0xD80;
	s26 =	simm.s32 $0x1C80  }
0x141: {  	[tilespmem:s26], [sflag:$0x1] =	stream.indirect.gather [hbm4b:s12+s8], $0x1, s25, s8, $0xb8;
	[tilespmem:$0x1E00] =	vst v63  }
0x142: {  	s28 =	simm.s32 $0xE00;
	s29 =	simm.s32 $0x1D00  }
0x143: {  	[tilespmem:s29], [sflag:$0x1] =	stream.indirect.gather [hbm4b:s12+s8], $0x1, s28, s8, $0xb8;
	[tilespmem:$0x1E00] =	vst v63  }
0x144: {  	s30 =	simm.s32 $0xE80  }
0x145: {  	[tilespmem:s31], [sflag:$0x1] =	stream.indirect.gather [hbm4b:s12+s8], $0x1, s30, s8, $0xb8;
	[tilespmem:$0x1E00] =	vst v63  }
0x146: {  	_ =	swait.ge [sflag:s3], $0x80  }
0x147: {  	[sflag:s3] =	ssyncset.done $0x0  }
0x148: {  	[sflag:s3] =	ssyncadd.s32 $0xFFFFFF80  }
0x149: {  	_ =	swait.ge [sflag:s3], $0x80  }
0x14a: {  	[sflag:s3] =	ssyncset.done $0x0  }
0x14b: {  	[sflag:s3] =	ssyncadd.s32 $0xFFFFFF80  }
0x14c: {  	_ =	swait.ge [sflag:s3], $0x80  }
0x14d: {  	[sflag:s3] =	ssyncset.done $0x0  }
0x14e: {  	[sflag:s3] =	ssyncadd.s32 $0xFFFFFF80  }
0x14f: {  	_ =	swait.ge [sflag:s3], $0x80  }
0x150: {  	[sflag:s3] =	ssyncset.done $0x0  }
0x151: {  	[sflag:s3] =	ssyncadd.s32 $0xFFFFFF80  }
0x152: {  	_ =	swait.ge [sflag:s3], $0x80  }
0x153: {  	[sflag:s3] =	ssyncset.done $0x0  }
0x154: {  	[sflag:s3] =	ssyncadd.s32 $0xFFFFFF80  }
0x155: {  	_ =	swait.ge [sflag:s3], $0x80  }
0x156: {  	[sflag:s3] =	ssyncset.done $0x0  }
0x157: {  	[sflag:s3] =	ssyncadd.s32 $0xFFFFFF80  }
0x158: {  	_ =	swait.ge [sflag:s3], $0x80  }
0x159: {  	[sflag:s3] =	ssyncset.done $0x0  }
0x15a: {  	[sflag:s3] =	ssyncadd.s32 $0xFFFFFF80  }
0x15b: {  	_ =	swait.ge [sflag:s3], $0x80  }
0x15c: {  	[sflag:s3] =	ssyncset.done $0x0  }
0x15d: {  	[sflag:s3] =	ssyncadd.s32 $0xFFFFFF80  }
0x15e: {  	_ =	swait.ge [sflag:s3], $0x80  }
0x15f: {  	[sflag:s3] =	ssyncset.done $0x0  }
0x160: {  	[sflag:s3] =	ssyncadd.s32 $0xFFFFFF80  }
0x161: {  	_ =	swait.ge [sflag:s3], $0x80  }
0x162: {  	[sflag:s3] =	ssyncset.done $0x0  }
0x163: {  	[sflag:s3] =	ssyncadd.s32 $0xFFFFFF80  }
0x164: {  	_ =	swait.ge [sflag:s3], $0x80  }
0x165: {  	[sflag:s3] =	ssyncset.done $0x0  }
0x166: {  	[sflag:s3] =	ssyncadd.s32 $0xFFFFFF80  }
0x167: {  	_ =	swait.ge [sflag:s3], $0x80  }
0x168: {  	[sflag:s3] =	ssyncset.done $0x0  }
0x169: {  	[sflag:s3] =	ssyncadd.s32 $0xFFFFFF80  }
0x16a: {  	_ =	swait.ge [sflag:s3], $0x80  }
0x16b: {  	[sflag:s3] =	ssyncset.done $0x0  }
0x16c: {  	[sflag:s3] =	ssyncadd.s32 $0xFFFFFF80  }
0x16d: {  	_ =	swait.ge [sflag:s3], $0x80  }
0x16e: {  	[sflag:s3] =	ssyncset.done $0x0  }
0x16f: {  	[sflag:s3] =	ssyncadd.s32 $0xFFFFFF80  }
0x170: {  	_ =	swait.ge [sflag:s3], $0x80  }
0x171: {  	[sflag:s3] =	ssyncset.done $0x0  }
0x172: {  	[sflag:s3] =	ssyncadd.s32 $0xFFFFFF80  }
0x173: {  	_ =	swait.ge [sflag:s3], $0x80  }
0x174: {  	[sflag:s3] =	ssyncset.done $0x0  }
0x175: {  	[sflag:s3] =	ssyncadd.s32 $0xFFFFFF80  }
0x176: {  	_ =	swait.ge [sflag:s3], $0x80  }
0x177: {  	[sflag:s3] =	ssyncset.done $0x0  }
0x178: {  	[sflag:s3] =	ssyncadd.s32 $0xFFFFFF80  }
0x179: {  	_ =	swait.ge [sflag:s3], $0x80  }
0x17a: {  	[sflag:s3] =	ssyncset.done $0x0  }
0x17b: {  	[sflag:s3] =	ssyncadd.s32 $0xFFFFFF80  }
0x17c: {  	_ =	swait.ge [sflag:s3], $0x80  }
0x17d: {  	[sflag:s3] =	ssyncset.done $0x0  }
0x17e: {  	[sflag:s3] =	ssyncadd.s32 $0xFFFFFF80  }
0x17f: {  	_ =	swait.ge [sflag:s3], $0x80  }
0x180: {  	[sflag:s3] =	ssyncset.done $0x0  }
0x181: {  	[sflag:s3] =	ssyncadd.s32 $0xFFFFFF80  }
0x182: {  	_ =	swait.ge [sflag:s3], $0x80  }
0x183: {  	[sflag:s3] =	ssyncset.done $0x0  }
0x184: {  	[sflag:s3] =	ssyncadd.s32 $0xFFFFFF80  }
0x185: {  	_ =	swait.ge [sflag:s3], $0x80  }
0x186: {  	[sflag:s3] =	ssyncset.done $0x0  }
0x187: {  	[sflag:s3] =	ssyncadd.s32 $0xFFFFFF80  }
0x188: {  	_ =	swait.ge [sflag:s3], $0x80  }
0x189: {  	[sflag:s3] =	ssyncset.done $0x0  }
0x18a: {  	[sflag:s3] =	ssyncadd.s32 $0xFFFFFF80  }
0x18b: {  	_ =	swait.ge [sflag:s3], $0x80  }
0x18c: {  	[sflag:s3] =	ssyncset.done $0x0  }
0x18d: {  	[sflag:s3] =	ssyncadd.s32 $0xFFFFFF80  }
0x18e: {  	_ =	swait.ge [sflag:s3], $0x80  }
0x18f: {  	[sflag:s3] =	ssyncset.done $0x0  }
0x190: {  	[sflag:s3] =	ssyncadd.s32 $0xFFFFFF80  }
0x191: {  	_ =	swait.ge [sflag:s3], $0x80  }
0x192: {  	[sflag:s3] =	ssyncset.done $0x0  }
0x193: {  	[sflag:s3] =	ssyncadd.s32 $0xFFFFFF80  }
0x194: {  	_ =	swait.ge [sflag:s3], $0x80  }
0x195: {  	[sflag:s3] =	ssyncset.done $0x0  }
0x196: {  	[sflag:s3] =	ssyncadd.s32 $0xFFFFFF80  }
0x197: {  	_ =	swait.ge [sflag:s3], $0x80  }
0x198: {  	p0 =	sne.s32 s1, $0x1;
	[sflag:s3] =	ssyncset.done $0x0  }
.Ltmp1:
0x199: {  	[sflag:s3] =	ssyncadd.s32 $0xFFFFFF80;
	(pc) =	sbr.rel @p0 .LBB2_1-.Ltmp1, $4  }
0x19a: {  	_ =	swait.ge [sflag:s3], $0x80  }
0x19b: {  	[sflag:s3] =	ssyncset.done $0x0  }
0x19c: {  	[sflag:s3] =	ssyncadd.s32 $0xFFFFFF80  }
0x19d: {  	s1 =	sadd.s32 $0xFFFFFFFF, s1;
	_ =	swait.ge [sflag:s3], $0x80  }
.LBB2_2:
0x19e: {  	[sflag:s3] =	ssyncset.done $0x0  }
0x19f: {  	s0 =	rddreg [dreg:$0x5];
	[sflag:s3] =	ssyncadd.s32 $0xFFFFFF80  }
0x1a0: {  	[hbm4b:s0+s2] =	stream.linear.scatter [tilespmem:s6], [sflag:$0x1], $0x500, $0x38;
	[tilespmem:$0x1E00] =	vst v63  }
0x1a1: {  	s1 =	rddreg [dreg:$0x6]  }
0x1a2: {  	[hbm4b:s1+s2] =	stream.linear.scatter [tilespmem:s9], [sflag:$0x1], $0x500, $0x38;
	[tilespmem:$0x1E00] =	vst v63  }
0x1a3: {  	s30 =	rddreg [dreg:$0x7]  }
0x1a4: {  	[hbm4b:s30+s2] =	stream.linear.scatter [tilespmem:s11], [sflag:$0x1], $0x500, $0x38;
	[tilespmem:$0x1E00] =	vst v63  }
0x1a5: {  	_ =	swait.ge [sflag:s3], $0x500  }
0x1a6: {  	[sflag:s3] =	ssyncset.done $0x0  }
0x1a7: {  	[sflag:s3] =	ssyncadd.s32 $0xFFFFFB00  }
0x1a8: {  	_ =	swait.ge [sflag:s3], $0x500  }
0x1a9: {  	[sflag:s3] =	ssyncset.done $0x0  }
0x1aa: {  	[sflag:s3] =	ssyncadd.s32 $0xFFFFFB00  }
0x1ab: {  	_ =	swait.ge [sflag:s3], $0x500  }
0x1ac: {  	[sflag:s3] =	ssyncset.done $0x0  }
0x1ad: {  	[sflag:s3] =	ssyncadd.s32 $0xFFFFFB00  }
0x1ae: {  	_ =	sfence.sel $0x180000  }
0x1af: {  	[bflag:$0x0] =	sbarrier.arrive $0xFFFF  }
0x1b0: {  	_ =	strace $0x90000047  }
0x1b1: {  	s31 =	stileid.u32;
	[bflag:$0x2] =	sbarrier.arrive $0xFFFF  }
0x1b2: {  	p0 =	sne.s32 s31, $0x0;
	s0 =	rddreg [dreg:$0x1]  }
0x1b3: {  	s0 =	sadd.s32 @!p0 $0x100000, s0  }
0x1b4: {  	[sflag:s0] =	ssyncadd.tile.s32 @!p0 $0x1;
	_ =	shalt  }
.Lfunc_end2:
_tile_overlayer_lowered:
.L_overlay_start_2:
0x1b5: {  	(tag) =	ssettag $0x2  }
0x1b6: {  	s0 =	rddreg [dreg:$0x0];
	s2 =	stileid.u32  }
0x1b7: {  	s1 =	rddreg [dreg:$0x1];
	p0 =	sne.s32 s2, $0x0  }
0x1b8: {  	s3 =	rddreg [dreg:$0x2];
	[bflag:$0x3] =	sbarrier.arrive $0xFFFF;
	s2 =	simm.s32 @!p0 $0x1C02  }
0x1b9: {  	[timem:s3], [sflag:s2] =	dma.local @!p0 [hbm:s0], s1  }
0x1ba: {  	s0 =	simm.s32 @!p0 $0x2  }
0x1bb: {  	_ =	swait.ge @!p0 [sflag:s0], s1  }
0x1bc: {  	s1 =	ssub.s32 @!p0 $0x0, s1;
	[sflag:s0] =	ssyncset.done @!p0 $0x0  }
0x1bd: {  	[sflag:s0] =	ssyncadd.s32 @!p0 s1  }
0x1be: {  	[bflag:$0x3] =	sbarrier.arrive $0xFFFF  }
0x1bf: {  	_ =	shalt  }

</sc_bundles>
